<compile_context>
chip_gen: v7x
topology: tpu7x:2x2x1
jax: 0.10.2.dev20260603
libtpu: 0.0.44.dev20260713+nightly
codegen_flags: <defaults>
</compile_context>

<pallas_src>
import functools

import jax
import jax.numpy as jnp
from jax import lax
from jax.experimental import pallas as pl
from jax.experimental.pallas import tpu as pltpu
from jax.experimental.pallas import tpu_sc as plsc

N = 10000
D = 128
HD = 64
G = 128
NCLS = 10
NP = 10240
E = 320000
NCORES = 2
NSUB = 16
NTILES = NCORES * NSUB
LW = 128
CH = 80
CH2 = 160
EP = NTILES * CH * LW
RPT = NP // NSUB
BLK = 1000
NBLK = 10
EPS = 1e-5

_mesh = plsc.VectorSubcoreMesh(core_axis_name="c", subcore_axis_name="s")



def _sc_degree(row_d):

    @functools.partial(
        pl.kernel,
        out_type=jax.ShapeDtypeStruct((NCORES, NP, 16), jnp.float32),
        mesh=_mesh,
        scratch_types=[
            pltpu.VMEM((CH, LW), jnp.int32),
            pltpu.VMEM((LW, 16), jnp.float32),
            pltpu.VMEM((LW, 16), jnp.float32),
            pltpu.VMEM_SHARED((NP, 16), jnp.float32),
            pltpu.SemaphoreType.DMA,
        ],
    )
    def k(row_hbm, out_hbm, row_v, ones_v, zero_v, acc, sem):
        c = lax.axis_index("c")
        s = lax.axis_index("s")
        wid = c * NSUB + s
        pltpu.sync_copy(row_hbm.at[wid], row_v)

        def fill(r, carry):
            ones_v[r, pl.ds(0, 16)] = jnp.ones((16,), jnp.float32)
            zero_v[r, pl.ds(0, 16)] = jnp.zeros((16,), jnp.float32)
            return carry

        lax.fori_loop(0, LW, fill, 0)
        for t in range(RPT // LW):
            pltpu.sync_copy(zero_v, acc.at[pl.ds(s * RPT + t * LW, LW)])
        plsc.subcore_barrier()

        nch = jnp.where(wid == NTILES - 1, (E - (NTILES - 1) * CH * LW) // LW, CH)

        def body(j, carry):
            pltpu.async_copy(ones_v, acc.at[row_v.at[j]], sem, add=True)
            return carry

        lax.fori_loop(0, nch, body, 0)

        def drain(j, carry):
            pltpu.make_async_copy(ones_v, acc.at[row_v.at[j]], sem).wait()
            return carry

        lax.fori_loop(0, nch, drain, 0)
        plsc.subcore_barrier()
        pltpu.sync_copy(acc.at[pl.ds(s * RPT, RPT)],
                        out_hbm.at[c, pl.ds(s * RPT, RPT)])

    return k(row_d)


def _sc_propagate(hsplit, row_g, col_s):

    @functools.partial(
        pl.kernel,
        out_type=jax.ShapeDtypeStruct((NCORES, NP, HD), jnp.float32),
        mesh=_mesh,
        scratch_types=[
            pltpu.VMEM((CH2, LW), jnp.int32),
            pltpu.VMEM((CH2, LW), jnp.int32),
            pltpu.VMEM((LW, HD), jnp.float32),
            pltpu.VMEM((LW, HD), jnp.float32),
            pltpu.VMEM((LW, HD), jnp.float32),
            pltpu.VMEM((LW, HD), jnp.float32),
            pltpu.VMEM((LW, HD), jnp.float32),
            pltpu.VMEM_SHARED((NP, HD), jnp.float32),
            pltpu.SemaphoreType.DMA,
            pltpu.SemaphoreType.DMA,
            pltpu.SemaphoreType.DMA,
            pltpu.SemaphoreType.DMA,
            pltpu.SemaphoreType.DMA,
            pltpu.SemaphoreType.DMA,
            pltpu.SemaphoreType.DMA,
            pltpu.SemaphoreType.DMA,
        ],
        compiler_params=pltpu.CompilerParams(use_tc_tiling_on_sc=False),
    )
    def k(hs_hbm, row_hbm, col_hbm, out_hbm, row_v, col_v,
          gbuf0, gbuf1, gbuf2, gbuf3, zbuf, acc,
          gsem0, gsem1, gsem2, gsem3, ssem0, ssem1, ssem2, ssem3):
        c = lax.axis_index("c")
        s = lax.axis_index("s")
        pltpu.sync_copy(row_hbm.at[s], row_v)
        pltpu.sync_copy(col_hbm.at[s], col_v)

        bufs = ((gbuf0, gsem0, ssem0), (gbuf1, gsem1, ssem1),
                (gbuf2, gsem2, ssem2), (gbuf3, gsem3, ssem3))
        pltpu.async_copy(hs_hbm.at[c].at[row_v.at[0]], gbuf0, gsem0)
        pltpu.async_copy(hs_hbm.at[c].at[row_v.at[1]], gbuf1, gsem1)

        def zrow(r, carry):
            for j in range(HD // 16):
                zbuf[r, pl.ds(16 * j, 16)] = jnp.zeros((16,), jnp.float32)
            return carry

        lax.fori_loop(0, LW, zrow, 0)
        for t in range(RPT // LW):
            pltpu.sync_copy(zbuf, acc.at[pl.ds(s * RPT + t * LW, LW)])
        plsc.subcore_barrier()

        def body(i, carry):
            j0 = 4 * i
            for u in range(4):
                gb, gsem, ssem = bufs[u]
                gbp, _, ssemp = bufs[(u + 3) % 4]
                gb2, gsem2_, _ = bufs[(u + 2) % 4]
                j = j0 + u
                pltpu.make_async_copy(
                    hs_hbm.at[c].at[row_v.at[j]], gb, gsem).wait()
                if u == 0:
                    @pl.when(i > 0)
                    def _():
                        pltpu.make_async_copy(
                            gbp, acc.at[col_v.at[j - 1]], ssemp).wait()
                else:
                    pltpu.make_async_copy(
                        gbp, acc.at[col_v.at[j - 1]], ssemp).wait()
                pltpu.async_copy(gb, acc.at[col_v.at[j]], ssem, add=True)
                if u >= 2:
                    @pl.when(j + 2 < CH2)
                    def _():
                        pltpu.async_copy(
                            hs_hbm.at[c].at[row_v.at[j + 2]], gb2, gsem2_)
                else:
                    pltpu.async_copy(
                        hs_hbm.at[c].at[row_v.at[j + 2]], gb2, gsem2_)
            return carry

        lax.fori_loop(0, CH2 // 4, body, 0)
        pltpu.make_async_copy(gbuf3, acc.at[col_v.at[CH2 - 1]], ssem3).wait()
        plsc.subcore_barrier()
        pltpu.sync_copy(acc.at[pl.ds(s * RPT, RPT)],
                        out_hbm.at[c, pl.ds(s * RPT, RPT)])

    return k(hsplit, row_g, col_s)



def _stats(arr):

    def body(x_ref, o_ref, acc):
        i = pl.program_id(0)

        @pl.when(i == 0)
        def _():
            acc[...] = jnp.zeros_like(acc)

        xb = x_ref[...]
        acc[...] += jnp.concatenate(
            [jnp.sum(xb, 0, keepdims=True), jnp.sum(xb * xb, 0, keepdims=True)], 0)
        o_ref[...] = acc[...]

    return pl.pallas_call(
        body,
        grid=(NBLK,),
        in_specs=[pl.BlockSpec((BLK, D), lambda i: (i, 0))],
        out_specs=pl.BlockSpec((2, D), lambda i: (0, 0)),
        out_shape=jax.ShapeDtypeStruct((2, D), jnp.float32),
        scratch_shapes=[pltpu.VMEM((2, D), jnp.float32)],
    )(arr)


def _bn_coeff(s_ref, g_ref, b_ref):
    s = s_ref[...]
    m = s[0:1, :] / N
    v = s[1:2, :] / N - m * m
    a = g_ref[...] * lax.rsqrt(v + EPS)
    return a, b_ref[...] - a * m


def _layer0(x, W_feat, stats_x, g0, b0):

    def body(x_ref, w_ref, s_ref, g_ref, b_ref, h_ref, st_ref, acc):
        i = pl.program_id(0)
        a, cc = _bn_coeff(s_ref, g_ref, b_ref)
        h = jnp.maximum(
            jnp.dot(x_ref[...] * a + cc, w_ref[...],
                    preferred_element_type=jnp.float32), 0.0)
        h_ref[...] = h

        @pl.when(i == 0)
        def _():
            acc[...] = jnp.zeros_like(acc)

        acc[...] += jnp.concatenate(
            [jnp.sum(h, 0, keepdims=True), jnp.sum(h * h, 0, keepdims=True)], 0)
        st_ref[...] = acc[...]

    return pl.pallas_call(
        body,
        grid=(NBLK,),
        in_specs=[
            pl.BlockSpec((BLK, D), lambda i: (i, 0)),
            pl.BlockSpec((D, D), lambda i: (0, 0)),
            pl.BlockSpec((2, D), lambda i: (0, 0)),
            pl.BlockSpec((1, D), lambda i: (0, 0)),
            pl.BlockSpec((1, D), lambda i: (0, 0)),
        ],
        out_specs=[
            pl.BlockSpec((BLK, D), lambda i: (i, 0)),
            pl.BlockSpec((2, D), lambda i: (0, 0)),
        ],
        out_shape=[
            jax.ShapeDtypeStruct((N, D), jnp.float32),
            jax.ShapeDtypeStruct((2, D), jnp.float32),
        ],
        scratch_shapes=[pltpu.VMEM((2, D), jnp.float32)],
    )(x, W_feat, stats_x, g0, b0)


def _dis(d_ref):
    cnt = d_ref[0, :, 0:1] + d_ref[1, :, 0:1] + 1.0
    return lax.rsqrt(cnt)


def _kt(h, W, stats, g_row, b_row, degp):

    def body(h_ref, w_ref, s_ref, g_ref, b_ref, d_ref, hs_ref):
        a, cc = _bn_coeff(s_ref, g_ref, b_ref)
        hb = h_ref[...] * a + cc
        hs = _dis(d_ref) * jnp.dot(
            hb, w_ref[...], preferred_element_type=jnp.float32)
        hs_ref[...] = jnp.stack([hs[:, :HD], hs[:, HD:]], axis=0)

    return pl.pallas_call(
        body,
        grid=(NBLK,),
        in_specs=[
            pl.BlockSpec((BLK, D), lambda i: (i, 0)),
            pl.BlockSpec((D, D), lambda i: (0, 0)),
            pl.BlockSpec((2, D), lambda i: (0, 0)),
            pl.BlockSpec((1, D), lambda i: (0, 0)),
            pl.BlockSpec((1, D), lambda i: (0, 0)),
            pl.BlockSpec((2, BLK, 16), lambda i: (0, i, 0)),
        ],
        out_specs=pl.BlockSpec((2, BLK, HD), lambda i: (0, i, 0)),
        out_shape=jax.ShapeDtypeStruct((2, N, HD), jnp.float32),
    )(h, W, stats, g_row, b_row, degp)


def _hs_full(hs_ref):
    return jnp.concatenate([hs_ref[0], hs_ref[1]], axis=1)


def _ku(p, hsplit, degp, b_row):

    def body(p_ref, hs_ref, d_ref, b_ref, h_ref, st_ref, acc):
        i = pl.program_id(0)
        hn = jnp.maximum(
            _dis(d_ref) * (_hs_full(p_ref) + _hs_full(hs_ref)) + b_ref[...], 0.0)
        h_ref[...] = hn

        @pl.when(i == 0)
        def _():
            acc[...] = jnp.zeros_like(acc)

        acc[...] += jnp.concatenate(
            [jnp.sum(hn, 0, keepdims=True), jnp.sum(hn * hn, 0, keepdims=True)], 0)
        st_ref[...] = acc[...]

    return pl.pallas_call(
        body,
        grid=(NBLK,),
        in_specs=[
            pl.BlockSpec((2, BLK, HD), lambda i: (0, i, 0)),
            pl.BlockSpec((2, BLK, HD), lambda i: (0, i, 0)),
            pl.BlockSpec((2, BLK, 16), lambda i: (0, i, 0)),
            pl.BlockSpec((1, D), lambda i: (0, 0)),
        ],
        out_specs=[
            pl.BlockSpec((BLK, D), lambda i: (i, 0)),
            pl.BlockSpec((2, D), lambda i: (0, 0)),
        ],
        out_shape=[
            jax.ShapeDtypeStruct((N, D), jnp.float32),
            jax.ShapeDtypeStruct((2, D), jnp.float32),
        ],
        scratch_shapes=[pltpu.VMEM((2, D), jnp.float32)],
    )(p, hsplit, degp, b_row)


def _ku_pool(p, hsplit, degp, b_row, batch3):

    def body(p_ref, hs_ref, d_ref, b_ref, seg_ref, g_ref, acc):
        i = pl.program_id(0)
        hn = jnp.maximum(
            _dis(d_ref) * (_hs_full(p_ref) + _hs_full(hs_ref)) + b_ref[...], 0.0)
        seg = seg_ref[0]
        oh = (lax.broadcasted_iota(jnp.int32, (G, BLK), 0) == seg
              ).astype(jnp.float32)

        @pl.when(i == 0)
        def _():
            acc[...] = jnp.zeros_like(acc)

        acc[...] += jnp.dot(oh, hn, preferred_element_type=jnp.float32)
        g_ref[...] = acc[...]

    return pl.pallas_call(
        body,
        grid=(NBLK,),
        in_specs=[
            pl.BlockSpec((2, BLK, HD), lambda i: (0, i, 0)),
            pl.BlockSpec((2, BLK, HD), lambda i: (0, i, 0)),
            pl.BlockSpec((2, BLK, 16), lambda i: (0, i, 0)),
            pl.BlockSpec((1, D), lambda i: (0, 0)),
            pl.BlockSpec((1, 1, BLK), lambda i: (i, 0, 0)),
        ],
        out_specs=pl.BlockSpec((G, D), lambda i: (0, 0)),
        out_shape=jax.ShapeDtypeStruct((G, D), jnp.float32),
        scratch_shapes=[pltpu.VMEM((G, D), jnp.float32)],
    )(p, hsplit, degp, b_row, batch3)


def _head(g, g4, b4, g5, b5, W_fc, bfc, W_cls, bcls):
    def body(g_ref, g4_ref, b4_ref, g5_ref, b5_ref, wfc_ref, bfc_ref,
             wcls_ref, bcls_ref, o_ref):
        gg = g_ref[...]
        m = jnp.mean(gg, 0, keepdims=True)
        v = jnp.mean(gg * gg, 0, keepdims=True) - m * m
        h = g4_ref[...] * lax.rsqrt(v + EPS) * (gg - m) + b4_ref[...]
        h = jnp.maximum(
            jnp.dot(h, wfc_ref[...], preferred_element_type=jnp.float32)
            + bfc_ref[...], 0.0)
        m2 = jnp.mean(h, 0, keepdims=True)
        v2 = jnp.mean(h * h, 0, keepdims=True) - m2 * m2
        h = g5_ref[...] * lax.rsqrt(v2 + EPS) * (h - m2) + b5_ref[...]
        lo = (jnp.dot(h, wcls_ref[...], preferred_element_type=jnp.float32)
              + bcls_ref[...])
        mx = jnp.max(lo, -1, keepdims=True)
        ls = mx + jnp.log(jnp.sum(jnp.exp(lo - mx), -1, keepdims=True))
        o_ref[...] = lo - ls

    return pl.pallas_call(
        body,
        out_shape=jax.ShapeDtypeStruct((G, NCLS), jnp.float32),
    )(g, g4, b4, g5, b5, W_fc, bfc, W_cls, bcls)



def kernel(x, edge_index, batch, W_feat, W1, b1, W2, b2, W3, b3,
           W_fc, b_fc, W_cls, b_cls, bn_g, bn_b):
    row = edge_index[0]
    col = edge_index[1]
    pad = EP - E
    eids = jnp.arange(pad, dtype=jnp.int32)
    row_p = jnp.concatenate([row, eids % 16])
    row_g = row_p.reshape(NSUB, CH2, LW)
    col_s = jnp.concatenate([col, N + (eids % 16)]).reshape(NSUB, CH2, LW)

    degp = _sc_degree(row_p.reshape(NTILES, CH, LW))
    stats_x = _stats(x)
    h, st = _layer0(x, W_feat, stats_x, bn_g[0:1], bn_b[0:1])
    g = None
    for li, (W, b) in enumerate(((W1, b1), (W2, b2), (W3, b3))):
        hsplit = _kt(h, W, st, bn_g[1 + li:2 + li], bn_b[1 + li:2 + li], degp)
        p = _sc_propagate(hsplit, row_g, col_s)
        if li < 2:
            h, st = _ku(p, hsplit, degp, b.reshape(1, D))
        else:
            g = _ku_pool(p, hsplit, degp, b.reshape(1, D),
                         batch.reshape(NBLK, 1, BLK))
    return _head(g, bn_g[4:5], bn_b[4:5], bn_g[5:6], bn_b[5:6],
                 W_fc, b_fc.reshape(1, D), W_cls, b_cls.reshape(1, NCLS))

# --- scband reference (transcript-rebuilt; emitter-appended) ---
"""Pipeline reference for scband-res-gcn-14800457302100 (READ-ONLY COPY).

The authoritative reference and input builder live on the scoring server;
editing this copy changes nothing except your own understanding.
"""

import jax, jax.numpy as jnp
import numpy as np

HIDDEN = 128
N_NODES = 10000
N_EDGES = 320000
D_FEAT = 128
N_GRAPHS = 128
N_CLASSES = 10


def _glorot(k, shape):
    lim = (6.0 / (shape[0] + shape[1])) ** 0.5
    return jax.random.uniform(k, shape, minval=-lim, maxval=lim, dtype=jnp.float32)


def setup_inputs(seed: int = 0) -> dict:
    key = jax.random.key(seed)
    ks = jax.random.split(key, 12)
    x = jax.random.normal(ks[0], (N_NODES, D_FEAT), dtype=jnp.float32)
    edge_index = jax.random.randint(ks[1], (2, N_EDGES), 0, N_NODES, dtype=jnp.int32)
    batch = jnp.sort(jax.random.randint(ks[2], (N_NODES,), 0, N_GRAPHS, dtype=jnp.int32))
    W_feat = _glorot(ks[3], (D_FEAT, HIDDEN))
    W1 = _glorot(ks[4], (HIDDEN, HIDDEN)); b1 = jnp.zeros((HIDDEN,), jnp.float32)
    W2 = _glorot(ks[5], (HIDDEN, HIDDEN)); b2 = jnp.zeros((HIDDEN,), jnp.float32)
    W3 = _glorot(ks[6], (HIDDEN, HIDDEN)); b3 = jnp.zeros((HIDDEN,), jnp.float32)
    W_fc = _glorot(ks[7], (HIDDEN, HIDDEN)); b_fc = jnp.zeros((HIDDEN,), jnp.float32)
    W_cls = _glorot(ks[8], (HIDDEN, N_CLASSES)); b_cls = jnp.zeros((N_CLASSES,), jnp.float32)
    # BatchNorm params per module init: weight=1, bias=1e-4
    # order: [bn_feat, bns_conv[0], bns_conv[1], bns_conv[2], bns_fc[0], bn_hidden]
    bn_g = jnp.ones((6, HIDDEN), jnp.float32)
    bn_b = jnp.full((6, HIDDEN), 1e-4, jnp.float32)
    return dict(x=x, edge_index=edge_index, batch=batch, W_feat=W_feat,
                W1=W1, b1=b1, W2=W2, b2=b2, W3=W3, b3=b3,
                W_fc=W_fc, b_fc=b_fc, W_cls=W_cls, b_cls=b_cls,
                bn_g=bn_g, bn_b=bn_b)


def _bn(h, g, b):
    m = h.mean(0)
    v = h.var(0)
    return g * (h - m) / jnp.sqrt(v + 1e-5) + b


def _gcn(h, W, b, row, col, n):
    # GCNConv with edge_norm=True, gfn=False: linear -> sym-normalized propagate -> +bias
    h = h @ W
    sl = jnp.arange(n, dtype=row.dtype)
    r = jnp.concatenate([row, sl])  # add self loops
    c = jnp.concatenate([col, sl])
    ew = jnp.ones(r.shape[0], dtype=h.dtype)
    deg = jnp.zeros((n,), dtype=h.dtype).at[r].add(ew)
    dis = jnp.where(deg > 0, deg ** -0.5, 0.0)
    norm = dis[r] * ew * dis[c]
    msg = norm[:, None] * h[r]           # gather at source
    out = jnp.zeros_like(h).at[c].add(msg)  # scatter-add at target
    return out + b


def reference(x, edge_index, batch, W_feat, W1, b1, W2, b2, W3, b3, W_fc, b_fc, W_cls, b_cls, bn_g, bn_b):
    n = x.shape[0]
    row, col = edge_index[0], edge_index[1]
    h = _bn(x, bn_g[0], bn_b[0])
    # conv_feat has gfn=True: linear only, no propagation, no bias
    h = jax.nn.relu(h @ W_feat)
    for i, (W, b) in enumerate(((W1, b1), (W2, b2), (W3, b3))):
        h_ = _bn(h, bn_g[1 + i], bn_b[1 + i])
        h = jax.nn.relu(_gcn(h_, W, b, row, col, n))  # residual=False
    g = jax.ops.segment_sum(h, batch, num_segments=N_GRAPHS)  # global_add_pool
    g_ = _bn(g, bn_g[4], bn_b[4])
    g = jax.nn.relu(g_ @ W_fc + b_fc)
    g = _bn(g, bn_g[5], bn_b[5])
    g = g @ W_cls + b_cls
    return jax.nn.log_softmax(g, axis=-1)

if __name__ == "__main__":
    import jax
    _d = setup_inputs()
    print(jax.jit(kernel)(*tuple(_d.values())))

</pallas_src>

<mosaic_0001>
#map = affine_map<(d0, d1) -> (0, 0, 0)>
module attributes {stable_mosaic.version = 14 : i64} {
  func.func @k(%arg0: i32, %arg1: i32, %arg2: memref<32x80x128xi32, #tpu.memory_space<hbm>>, %arg3: memref<2x10240x16xf32, #tpu.memory_space<hbm>>, %arg4: memref<80x128xi32, #tpu.memory_space<vmem>>, %arg5: memref<128x16xf32, #tpu.memory_space<vmem>>, %arg6: memref<128x16xf32, #tpu.memory_space<vmem>>, %arg7: memref<10240x16xf32, #tpu.memory_space<vmem_shared>>, %arg8: memref<!tpu.dma_semaphore, #tpu.memory_space<semaphore_mem>>) attributes {dimension_semantics = [#tpu.dimension_semantics<core_parallel>, #tpu.dimension_semantics<subcore_parallel>], iteration_bounds = array<i64: 2, 16>, scalar_prefetch = 0 : i64, scratch_operands = 5 : i64, tpu.core_type = #tpu.core_type<sc_vector_subcore>, window_params = [{transform_indices = #map}, {transform_indices = #map}]} {
    %mul3A = arith.constant 16 : i32
    %mul3A_0 = arith.muli %arg0, %mul3A : i32
    %add3A = arith.addi %mul3A_0, %arg1 : i32
    "tpu.region"() ({
      %run_scoped3A = tpu.sem_alloc : memref<!tpu.dma_semaphore, #tpu.memory_space<semaphore_mem>>
      %dma_start3A = arith.constant 0 : i32
      %dma_start3A_52 = arith.constant 0 : i32
      %dma_start3A_53 = tpu.memref_slice %arg2[%add3A, %dma_start3A, %dma_start3A_52] : memref<32x80x128xi32, #tpu.memory_space<hbm>> -> memref<1x80x128xi32, #tpu.memory_space<hbm>>
      %dma_start3A_54 = tpu.memref_squeeze %dma_start3A_53 : memref<1x80x128xi32, #tpu.memory_space<hbm>> -> memref<80x128xi32, #tpu.memory_space<hbm>>
      %dma_start3A_55 = arith.constant 0 : i32
      %dma_start3A_56 = arith.constant 0 : i32
      %dma_start3A_57 = tpu.memref_slice %arg2[%add3A, %dma_start3A_55, %dma_start3A_56] : memref<32x80x128xi32, #tpu.memory_space<hbm>> -> memref<1x80x128xi32, #tpu.memory_space<hbm>>
      %dma_start3A_58 = tpu.memref_squeeze %dma_start3A_57 : memref<1x80x128xi32, #tpu.memory_space<hbm>> -> memref<80x128xi32, #tpu.memory_space<hbm>>
      tpu.enqueue_dma source(%dma_start3A_58 : memref<80x128xi32, #tpu.memory_space<hbm>>) target(%arg4 : memref<80x128xi32, #tpu.memory_space<vmem>>) target_semaphore(%run_scoped3A : memref<!tpu.dma_semaphore, #tpu.memory_space<semaphore_mem>>)
      %dma_wait3A = arith.constant 0 : i32
      %dma_wait3A_59 = arith.constant 0 : i32
      %dma_wait3A_60 = tpu.memref_slice %arg2[%add3A, %dma_wait3A, %dma_wait3A_59] : memref<32x80x128xi32, #tpu.memory_space<hbm>> -> memref<1x80x128xi32, #tpu.memory_space<hbm>>
      %dma_wait3A_61 = tpu.memref_squeeze %dma_wait3A_60 : memref<1x80x128xi32, #tpu.memory_space<hbm>> -> memref<80x128xi32, #tpu.memory_space<hbm>>
      %dma_wait3A_62 = arith.constant 0 : i32
      %dma_wait3A_63 = arith.constant 0 : i32
      %dma_wait3A_64 = tpu.memref_slice %arg2[%add3A, %dma_wait3A_62, %dma_wait3A_63] : memref<32x80x128xi32, #tpu.memory_space<hbm>> -> memref<1x80x128xi32, #tpu.memory_space<hbm>>
      %dma_wait3A_65 = tpu.memref_squeeze %dma_wait3A_64 : memref<1x80x128xi32, #tpu.memory_space<hbm>> -> memref<80x128xi32, #tpu.memory_space<hbm>>
      tpu.wait_dma2 semaphore(%run_scoped3A : memref<!tpu.dma_semaphore, #tpu.memory_space<semaphore_mem>>) src(%dma_wait3A_65 : memref<80x128xi32, #tpu.memory_space<hbm>>) dst(%arg4 : memref<80x128xi32, #tpu.memory_space<vmem>>)
      tpu.yield
    }) : () -> ()
    %scan3A = arith.constant 0 : i32
    %scan3A_1 = arith.constant 0 : i32
    %scan3A_2 = arith.constant 128 : i32
    %scan3A_3 = arith.addi %scan3A_1, %scan3A_2 : i32
    %scan3A_4 = arith.constant 1 : i32
    scf.for %scan3A_52 = %scan3A_1 to %scan3A_3 step %scan3A_4  : i32 {
      %broadcast_in_dim3A = arith.constant 1.000000e+00 : f32
      %broadcast_in_dim3A_53 = vector.broadcast %broadcast_in_dim3A : f32 to vector<16xf32>
      %swap3A = arith.index_cast %scan3A_52 : i32 to index
      %swap3A_54 = arith.constant 0 : index
      %swap3A_55 = tpu.vector_load %arg5[%swap3A, %swap3A_54] {strides = array<i32>} : memref<128x16xf32, #tpu.memory_space<vmem>>, vector<1x16xf32>,
      %swap3A_56 = vector.shape_cast %swap3A_55 : vector<1x16xf32> to vector<16xf32>
      %swap3A_57 = vector.shape_cast %broadcast_in_dim3A_53 : vector<16xf32> to vector<1x16xf32>
      tpu.vector_store %arg5[%swap3A, %swap3A_54], %swap3A_57 {strides = array<i32>} : memref<128x16xf32, #tpu.memory_space<vmem>>, vector<1x16xf32>,
      %broadcast_in_dim3A_58 = arith.constant 0.000000e+00 : f32
      %broadcast_in_dim3A_59 = vector.broadcast %broadcast_in_dim3A_58 : f32 to vector<16xf32>
      %swap3A_60 = arith.index_cast %scan3A_52 : i32 to index
      %swap3A_61 = arith.constant 0 : index
      %swap3A_62 = tpu.vector_load %arg6[%swap3A_60, %swap3A_61] {strides = array<i32>} : memref<128x16xf32, #tpu.memory_space<vmem>>, vector<1x16xf32>,
      %swap3A_63 = vector.shape_cast %swap3A_62 : vector<1x16xf32> to vector<16xf32>
      %swap3A_64 = vector.shape_cast %broadcast_in_dim3A_59 : vector<16xf32> to vector<1x16xf32>
      tpu.vector_store %arg6[%swap3A_60, %swap3A_61], %swap3A_64 {strides = array<i32>} : memref<128x16xf32, #tpu.memory_space<vmem>>, vector<1x16xf32>,
    }
    %scan3A_5 = arith.constant 128 : i32
    %mul3A_6 = arith.constant 640 : i32
    %mul3A_7 = arith.muli %arg1, %mul3A_6 : i32
    %add3A_8 = arith.constant 0 : i32
    %add3A_9 = arith.addi %mul3A_7, %add3A_8 : i32
    "tpu.region"() ({
      %run_scoped3A = tpu.sem_alloc : memref<!tpu.dma_semaphore, #tpu.memory_space<semaphore_mem>>
      %dma_start3A = arith.constant 0 : i32
      %dma_start3A_52 = tpu.memref_slice %arg7[%add3A_9, %dma_start3A] : memref<10240x16xf32, #tpu.memory_space<vmem_shared>> -> memref<128x16xf32, #tpu.memory_space<vmem_shared>>
      %dma_start3A_53 = arith.constant 0 : i32
      %dma_start3A_54 = tpu.memref_slice %arg7[%add3A_9, %dma_start3A_53] : memref<10240x16xf32, #tpu.memory_space<vmem_shared>> -> memref<128x16xf32, #tpu.memory_space<vmem_shared>>
      tpu.enqueue_dma source(%arg6 : memref<128x16xf32, #tpu.memory_space<vmem>>) target(%dma_start3A_54 : memref<128x16xf32, #tpu.memory_space<vmem_shared>>) target_semaphore(%run_scoped3A : memref<!tpu.dma_semaphore, #tpu.memory_space<semaphore_mem>>)
      %dma_wait3A = arith.constant 0 : i32
      %dma_wait3A_55 = tpu.memref_slice %arg7[%add3A_9, %dma_wait3A] : memref<10240x16xf32, #tpu.memory_space<vmem_shared>> -> memref<128x16xf32, #tpu.memory_space<vmem_shared>>
      %dma_wait3A_56 = arith.constant 0 : i32
      %dma_wait3A_57 = tpu.memref_slice %arg7[%add3A_9, %dma_wait3A_56] : memref<10240x16xf32, #tpu.memory_space<vmem_shared>> -> memref<128x16xf32, #tpu.memory_space<vmem_shared>>
      tpu.wait_dma2 semaphore(%run_scoped3A : memref<!tpu.dma_semaphore, #tpu.memory_space<semaphore_mem>>) src(%arg6 : memref<128x16xf32, #tpu.memory_space<vmem>>) dst(%dma_wait3A_57 : memref<128x16xf32, #tpu.memory_space<vmem_shared>>)
      tpu.yield
    }) : () -> ()
    %mul3A_10 = arith.constant 640 : i32
    %mul3A_11 = arith.muli %arg1, %mul3A_10 : i32
    %add3A_12 = arith.constant 128 : i32
    %add3A_13 = arith.addi %mul3A_11, %add3A_12 : i32
    "tpu.region"() ({
      %run_scoped3A = tpu.sem_alloc : memref<!tpu.dma_semaphore, #tpu.memory_space<semaphore_mem>>
      %dma_start3A = arith.constant 0 : i32
      %dma_start3A_52 = tpu.memref_slice %arg7[%add3A_13, %dma_start3A] : memref<10240x16xf32, #tpu.memory_space<vmem_shared>> -> memref<128x16xf32, #tpu.memory_space<vmem_shared>>
      %dma_start3A_53 = arith.constant 0 : i32
      %dma_start3A_54 = tpu.memref_slice %arg7[%add3A_13, %dma_start3A_53] : memref<10240x16xf32, #tpu.memory_space<vmem_shared>> -> memref<128x16xf32, #tpu.memory_space<vmem_shared>>
      tpu.enqueue_dma source(%arg6 : memref<128x16xf32, #tpu.memory_space<vmem>>) target(%dma_start3A_54 : memref<128x16xf32, #tpu.memory_space<vmem_shared>>) target_semaphore(%run_scoped3A : memref<!tpu.dma_semaphore, #tpu.memory_space<semaphore_mem>>)
      %dma_wait3A = arith.constant 0 : i32
      %dma_wait3A_55 = tpu.memref_slice %arg7[%add3A_13, %dma_wait3A] : memref<10240x16xf32, #tpu.memory_space<vmem_shared>> -> memref<128x16xf32, #tpu.memory_space<vmem_shared>>
      %dma_wait3A_56 = arith.constant 0 : i32
      %dma_wait3A_57 = tpu.memref_slice %arg7[%add3A_13, %dma_wait3A_56] : memref<10240x16xf32, #tpu.memory_space<vmem_shared>> -> memref<128x16xf32, #tpu.memory_space<vmem_shared>>
      tpu.wait_dma2 semaphore(%run_scoped3A : memref<!tpu.dma_semaphore, #tpu.memory_space<semaphore_mem>>) src(%arg6 : memref<128x16xf32, #tpu.memory_space<vmem>>) dst(%dma_wait3A_57 : memref<128x16xf32, #tpu.memory_space<vmem_shared>>)
      tpu.yield
    }) : () -> ()
    %mul3A_14 = arith.constant 640 : i32
    %mul3A_15 = arith.muli %arg1, %mul3A_14 : i32
    %add3A_16 = arith.constant 256 : i32
    %add3A_17 = arith.addi %mul3A_15, %add3A_16 : i32
    "tpu.region"() ({
      %run_scoped3A = tpu.sem_alloc : memref<!tpu.dma_semaphore, #tpu.memory_space<semaphore_mem>>
      %dma_start3A = arith.constant 0 : i32
      %dma_start3A_52 = tpu.memref_slice %arg7[%add3A_17, %dma_start3A] : memref<10240x16xf32, #tpu.memory_space<vmem_shared>> -> memref<128x16xf32, #tpu.memory_space<vmem_shared>>
      %dma_start3A_53 = arith.constant 0 : i32
      %dma_start3A_54 = tpu.memref_slice %arg7[%add3A_17, %dma_start3A_53] : memref<10240x16xf32, #tpu.memory_space<vmem_shared>> -> memref<128x16xf32, #tpu.memory_space<vmem_shared>>
      tpu.enqueue_dma source(%arg6 : memref<128x16xf32, #tpu.memory_space<vmem>>) target(%dma_start3A_54 : memref<128x16xf32, #tpu.memory_space<vmem_shared>>) target_semaphore(%run_scoped3A : memref<!tpu.dma_semaphore, #tpu.memory_space<semaphore_mem>>)
      %dma_wait3A = arith.constant 0 : i32
      %dma_wait3A_55 = tpu.memref_slice %arg7[%add3A_17, %dma_wait3A] : memref<10240x16xf32, #tpu.memory_space<vmem_shared>> -> memref<128x16xf32, #tpu.memory_space<vmem_shared>>
      %dma_wait3A_56 = arith.constant 0 : i32
      %dma_wait3A_57 = tpu.memref_slice %arg7[%add3A_17, %dma_wait3A_56] : memref<10240x16xf32, #tpu.memory_space<vmem_shared>> -> memref<128x16xf32, #tpu.memory_space<vmem_shared>>
      tpu.wait_dma2 semaphore(%run_scoped3A : memref<!tpu.dma_semaphore, #tpu.memory_space<semaphore_mem>>) src(%arg6 : memref<128x16xf32, #tpu.memory_space<vmem>>) dst(%dma_wait3A_57 : memref<128x16xf32, #tpu.memory_space<vmem_shared>>)
      tpu.yield
    }) : () -> ()
    %mul3A_18 = arith.constant 640 : i32
    %mul3A_19 = arith.muli %arg1, %mul3A_18 : i32
    %add3A_20 = arith.constant 384 : i32
    %add3A_21 = arith.addi %mul3A_19, %add3A_20 : i32
    "tpu.region"() ({
      %run_scoped3A = tpu.sem_alloc : memref<!tpu.dma_semaphore, #tpu.memory_space<semaphore_mem>>
      %dma_start3A = arith.constant 0 : i32
      %dma_start3A_52 = tpu.memref_slice %arg7[%add3A_21, %dma_start3A] : memref<10240x16xf32, #tpu.memory_space<vmem_shared>> -> memref<128x16xf32, #tpu.memory_space<vmem_shared>>
      %dma_start3A_53 = arith.constant 0 : i32
      %dma_start3A_54 = tpu.memref_slice %arg7[%add3A_21, %dma_start3A_53] : memref<10240x16xf32, #tpu.memory_space<vmem_shared>> -> memref<128x16xf32, #tpu.memory_space<vmem_shared>>
      tpu.enqueue_dma source(%arg6 : memref<128x16xf32, #tpu.memory_space<vmem>>) target(%dma_start3A_54 : memref<128x16xf32, #tpu.memory_space<vmem_shared>>) target_semaphore(%run_scoped3A : memref<!tpu.dma_semaphore, #tpu.memory_space<semaphore_mem>>)
      %dma_wait3A = arith.constant 0 : i32
      %dma_wait3A_55 = tpu.memref_slice %arg7[%add3A_21, %dma_wait3A] : memref<10240x16xf32, #tpu.memory_space<vmem_shared>> -> memref<128x16xf32, #tpu.memory_space<vmem_shared>>
      %dma_wait3A_56 = arith.constant 0 : i32
      %dma_wait3A_57 = tpu.memref_slice %arg7[%add3A_21, %dma_wait3A_56] : memref<10240x16xf32, #tpu.memory_space<vmem_shared>> -> memref<128x16xf32, #tpu.memory_space<vmem_shared>>
      tpu.wait_dma2 semaphore(%run_scoped3A : memref<!tpu.dma_semaphore, #tpu.memory_space<semaphore_mem>>) src(%arg6 : memref<128x16xf32, #tpu.memory_space<vmem>>) dst(%dma_wait3A_57 : memref<128x16xf32, #tpu.memory_space<vmem_shared>>)
      tpu.yield
    }) : () -> ()
    %mul3A_22 = arith.constant 640 : i32
    %mul3A_23 = arith.muli %arg1, %mul3A_22 : i32
    %add3A_24 = arith.constant 512 : i32
    %add3A_25 = arith.addi %mul3A_23, %add3A_24 : i32
    "tpu.region"() ({
      %run_scoped3A = tpu.sem_alloc : memref<!tpu.dma_semaphore, #tpu.memory_space<semaphore_mem>>
      %dma_start3A = arith.constant 0 : i32
      %dma_start3A_52 = tpu.memref_slice %arg7[%add3A_25, %dma_start3A] : memref<10240x16xf32, #tpu.memory_space<vmem_shared>> -> memref<128x16xf32, #tpu.memory_space<vmem_shared>>
      %dma_start3A_53 = arith.constant 0 : i32
      %dma_start3A_54 = tpu.memref_slice %arg7[%add3A_25, %dma_start3A_53] : memref<10240x16xf32, #tpu.memory_space<vmem_shared>> -> memref<128x16xf32, #tpu.memory_space<vmem_shared>>
      tpu.enqueue_dma source(%arg6 : memref<128x16xf32, #tpu.memory_space<vmem>>) target(%dma_start3A_54 : memref<128x16xf32, #tpu.memory_space<vmem_shared>>) target_semaphore(%run_scoped3A : memref<!tpu.dma_semaphore, #tpu.memory_space<semaphore_mem>>)
      %dma_wait3A = arith.constant 0 : i32
      %dma_wait3A_55 = tpu.memref_slice %arg7[%add3A_25, %dma_wait3A] : memref<10240x16xf32, #tpu.memory_space<vmem_shared>> -> memref<128x16xf32, #tpu.memory_space<vmem_shared>>
      %dma_wait3A_56 = arith.constant 0 : i32
      %dma_wait3A_57 = tpu.memref_slice %arg7[%add3A_25, %dma_wait3A_56] : memref<10240x16xf32, #tpu.memory_space<vmem_shared>> -> memref<128x16xf32, #tpu.memory_space<vmem_shared>>
      tpu.wait_dma2 semaphore(%run_scoped3A : memref<!tpu.dma_semaphore, #tpu.memory_space<semaphore_mem>>) src(%arg6 : memref<128x16xf32, #tpu.memory_space<vmem>>) dst(%dma_wait3A_57 : memref<128x16xf32, #tpu.memory_space<vmem_shared>>)
      tpu.yield
    }) : () -> ()
    %barrier3A = arith.constant 0 : index
    tpu.barrier barrier_id(%barrier3A)
    %eq3A = arith.constant 31 : i32
    %eq3A_26 = arith.cmpi eq, %add3A, %eq3A : i32
    %jit3A = arith.constant 20 : i32
    %jit3A_27 = arith.constant 80 : i32
    %select_n3A = arith.select %eq3A_26, %jit3A, %jit3A_27 : i32
    %while3A = arith.constant 0 : i32
    %while3A_28 = arith.constant 0 : i32
    %while3A_29 = arith.subi %select_n3A, %while3A_28 : i32
    %while3A_30 = arith.addi %while3A_28, %while3A_29 : i32
    %while3A_31 = arith.constant 1 : i32
    %while3A_32 = arith.divsi %while3A_29, %while3A_31 : i32
    %while3A_33 = arith.muli %while3A_32, %while3A_31 : i32
    %while3A_34 = arith.addi %while3A_28, %while3A_33 : i32
    %while3A_35 = arith.constant 1 : i32
    scf.for %while3A_52 = %while3A_28 to %while3A_34 step %while3A_35  : i32 {
      %dma_start3A = arith.constant 0 : i32
      %dma_start3A_53 = tpu.memref_slice %arg4[%while3A_52, %dma_start3A] : memref<80x128xi32, #tpu.memory_space<vmem>> -> memref<1x128xi32, #tpu.memory_space<vmem>>
      %dma_start3A_54 = tpu.memref_squeeze %dma_start3A_53 : memref<1x128xi32, #tpu.memory_space<vmem>> -> memref<128xi32, #tpu.memory_space<vmem>>
      %dma_start3A_55 = arith.constant 0 : i32
      %dma_start3A_56 = arith.constant 0 : i32
      %dma_start3A_57 = tpu.memref_slice %arg7[%dma_start3A_55, %dma_start3A_56] : memref<10240x16xf32, #tpu.memory_space<vmem_shared>> -> memref<10240x16xf32, #tpu.memory_space<vmem_shared>>
      tpu.enqueue_indirect_dma source(%arg5 : memref<128x16xf32, #tpu.memory_space<vmem>>) target(%dma_start3A_57 : memref<10240x16xf32, #tpu.memory_space<vmem_shared>>) offsets(%dma_start3A_54 : memref<128xi32, #tpu.memory_space<vmem>>) semaphore(%arg8 : memref<!tpu.dma_semaphore, #tpu.memory_space<semaphore_mem>>) {add = true}
    }
    %while3A_36 = arith.constant 1 : i32
    scf.for %while3A_52 = %while3A_34 to %while3A_30 step %while3A_36  : i32 {
      %dma_start3A = arith.constant 0 : i32
      %dma_start3A_53 = tpu.memref_slice %arg4[%while3A_52, %dma_start3A] : memref<80x128xi32, #tpu.memory_space<vmem>> -> memref<1x128xi32, #tpu.memory_space<vmem>>
      %dma_start3A_54 = tpu.memref_squeeze %dma_start3A_53 : memref<1x128xi32, #tpu.memory_space<vmem>> -> memref<128xi32, #tpu.memory_space<vmem>>
      %dma_start3A_55 = arith.constant 0 : i32
      %dma_start3A_56 = arith.constant 0 : i32
      %dma_start3A_57 = tpu.memref_slice %arg7[%dma_start3A_55, %dma_start3A_56] : memref<10240x16xf32, #tpu.memory_space<vmem_shared>> -> memref<10240x16xf32, #tpu.memory_space<vmem_shared>>
      tpu.enqueue_indirect_dma source(%arg5 : memref<128x16xf32, #tpu.memory_space<vmem>>) target(%dma_start3A_57 : memref<10240x16xf32, #tpu.memory_space<vmem_shared>>) offsets(%dma_start3A_54 : memref<128xi32, #tpu.memory_space<vmem>>) semaphore(%arg8 : memref<!tpu.dma_semaphore, #tpu.memory_space<semaphore_mem>>) {add = true}
    }
    %while3A_37 = arith.constant 0 : i32
    %while3A_38 = arith.constant 0 : i32
    %while3A_39 = arith.subi %select_n3A, %while3A_38 : i32
    %while3A_40 = arith.addi %while3A_38, %while3A_39 : i32
    %while3A_41 = arith.constant 1 : i32
    %while3A_42 = arith.divsi %while3A_39, %while3A_41 : i32
    %while3A_43 = arith.muli %while3A_42, %while3A_41 : i32
    %while3A_44 = arith.addi %while3A_38, %while3A_43 : i32
    %while3A_45 = arith.constant 1 : i32
    scf.for %while3A_52 = %while3A_38 to %while3A_44 step %while3A_45  : i32 {
      %dma_wait3A = arith.constant 0 : i32
      %dma_wait3A_53 = tpu.memref_slice %arg4[%while3A_52, %dma_wait3A] : memref<80x128xi32, #tpu.memory_space<vmem>> -> memref<1x128xi32, #tpu.memory_space<vmem>>
      %dma_wait3A_54 = tpu.memref_squeeze %dma_wait3A_53 : memref<1x128xi32, #tpu.memory_space<vmem>> -> memref<128xi32, #tpu.memory_space<vmem>>
      %dma_wait3A_55 = arith.constant 0 : i32
      %dma_wait3A_56 = arith.constant 0 : i32
      %dma_wait3A_57 = tpu.memref_slice %arg7[%dma_wait3A_55, %dma_wait3A_56] : memref<10240x16xf32, #tpu.memory_space<vmem_shared>> -> memref<10240x16xf32, #tpu.memory_space<vmem_shared>>
      tpu.wait_indirect_dma semaphore(%arg8 : memref<!tpu.dma_semaphore, #tpu.memory_space<semaphore_mem>>) src(%arg5 : memref<128x16xf32, #tpu.memory_space<vmem>>) dst(%dma_wait3A_57 : memref<10240x16xf32, #tpu.memory_space<vmem_shared>>)
    }
    %while3A_46 = arith.constant 1 : i32
    scf.for %while3A_52 = %while3A_44 to %while3A_40 step %while3A_46  : i32 {
      %dma_wait3A = arith.constant 0 : i32
      %dma_wait3A_53 = tpu.memref_slice %arg4[%while3A_52, %dma_wait3A] : memref<80x128xi32, #tpu.memory_space<vmem>> -> memref<1x128xi32, #tpu.memory_space<vmem>>
      %dma_wait3A_54 = tpu.memref_squeeze %dma_wait3A_53 : memref<1x128xi32, #tpu.memory_space<vmem>> -> memref<128xi32, #tpu.memory_space<vmem>>
      %dma_wait3A_55 = arith.constant 0 : i32
      %dma_wait3A_56 = arith.constant 0 : i32
      %dma_wait3A_57 = tpu.memref_slice %arg7[%dma_wait3A_55, %dma_wait3A_56] : memref<10240x16xf32, #tpu.memory_space<vmem_shared>> -> memref<10240x16xf32, #tpu.memory_space<vmem_shared>>
      tpu.wait_indirect_dma semaphore(%arg8 : memref<!tpu.dma_semaphore, #tpu.memory_space<semaphore_mem>>) src(%arg5 : memref<128x16xf32, #tpu.memory_space<vmem>>) dst(%dma_wait3A_57 : memref<10240x16xf32, #tpu.memory_space<vmem_shared>>)
    }
    %barrier3A_47 = arith.constant 0 : index
    tpu.barrier barrier_id(%barrier3A_47)
    %mul3A_48 = arith.constant 640 : i32
    %mul3A_49 = arith.muli %arg1, %mul3A_48 : i32
    %mul3A_50 = arith.constant 640 : i32
    %mul3A_51 = arith.muli %arg1, %mul3A_50 : i32
    "tpu.region"() ({
      %run_scoped3A = tpu.sem_alloc : memref<!tpu.dma_semaphore, #tpu.memory_space<semaphore_mem>>
      %dma_start3A = arith.constant 0 : i32
      %dma_start3A_52 = tpu.memref_slice %arg3[%arg0, %mul3A_51, %dma_start3A] : memref<2x10240x16xf32, #tpu.memory_space<hbm>> -> memref<1x640x16xf32, #tpu.memory_space<hbm>>
      %dma_start3A_53 = tpu.memref_squeeze %dma_start3A_52 : memref<1x640x16xf32, #tpu.memory_space<hbm>> -> memref<640x16xf32, #tpu.memory_space<hbm>>
      %dma_start3A_54 = arith.constant 0 : i32
      %dma_start3A_55 = tpu.memref_slice %arg7[%mul3A_49, %dma_start3A_54] : memref<10240x16xf32, #tpu.memory_space<vmem_shared>> -> memref<640x16xf32, #tpu.memory_space<vmem_shared>>
      tpu.enqueue_dma source(%dma_start3A_55 : memref<640x16xf32, #tpu.memory_space<vmem_shared>>) target(%dma_start3A_53 : memref<640x16xf32, #tpu.memory_space<hbm>>) target_semaphore(%run_scoped3A : memref<!tpu.dma_semaphore, #tpu.memory_space<semaphore_mem>>)
      %dma_wait3A = arith.constant 0 : i32
      %dma_wait3A_56 = tpu.memref_slice %arg3[%arg0, %mul3A_51, %dma_wait3A] : memref<2x10240x16xf32, #tpu.memory_space<hbm>> -> memref<1x640x16xf32, #tpu.memory_space<hbm>>
      %dma_wait3A_57 = tpu.memref_squeeze %dma_wait3A_56 : memref<1x640x16xf32, #tpu.memory_space<hbm>> -> memref<640x16xf32, #tpu.memory_space<hbm>>
      %dma_wait3A_58 = arith.constant 0 : i32
      %dma_wait3A_59 = tpu.memref_slice %arg7[%mul3A_49, %dma_wait3A_58] : memref<10240x16xf32, #tpu.memory_space<vmem_shared>> -> memref<640x16xf32, #tpu.memory_space<vmem_shared>>
      tpu.wait_dma2 semaphore(%run_scoped3A : memref<!tpu.dma_semaphore, #tpu.memory_space<semaphore_mem>>) src(%dma_wait3A_59 : memref<640x16xf32, #tpu.memory_space<vmem_shared>>) dst(%dma_wait3A_57 : memref<640x16xf32, #tpu.memory_space<hbm>>)
      tpu.yield
    }) : () -> ()
    return
  }
}

#map = affine_map<(d0, d1) -> (0, 0, 0)>
module attributes {stable_mosaic.version = 14 : i64} {
  func.func @k(%arg0: i32, %arg1: i32, %arg2: memref<2x10000x64xf32, #tpu.memory_space<hbm>>, %arg3: memref<16x160x128xi32, #tpu.memory_space<hbm>>, %arg4: memref<16x160x128xi32, #tpu.memory_space<hbm>>, %arg5: memref<2x10240x64xf32, #tpu.memory_space<hbm>>, %arg6: memref<160x128xi32, #tpu.memory_space<vmem>>, %arg7: memref<160x128xi32, #tpu.memory_space<vmem>>, %arg8: memref<128x64xf32, #tpu.memory_space<vmem>>, %arg9: memref<128x64xf32, #tpu.memory_space<vmem>>, %arg10: memref<128x64xf32, #tpu.memory_space<vmem>>, %arg11: memref<128x64xf32, #tpu.memory_space<vmem>>, %arg12: memref<128x64xf32, #tpu.memory_space<vmem>>, %arg13: memref<10240x64xf32, #tpu.memory_space<vmem_shared>>, %arg14: memref<!tpu.dma_semaphore, #tpu.memory_space<semaphore_mem>>, %arg15: memref<!tpu.dma_semaphore, #tpu.memory_space<semaphore_mem>>, %arg16: memref<!tpu.dma_semaphore, #tpu.memory_space<semaphore_mem>>, %arg17: memref<!tpu.dma_semaphore, #tpu.memory_space<semaphore_mem>>, %arg18: memref<!tpu.dma_semaphore, #tpu.memory_space<semaphore_mem>>, %arg19: memref<!tpu.dma_semaphore, #tpu.memory_space<semaphore_mem>>, %arg20: memref<!tpu.dma_semaphore, #tpu.memory_space<semaphore_mem>>, %arg21: memref<!tpu.dma_semaphore, #tpu.memory_space<semaphore_mem>>) attributes {dimension_semantics = [#tpu.dimension_semantics<core_parallel>, #tpu.dimension_semantics<subcore_parallel>], iteration_bounds = array<i64: 2, 16>, scalar_prefetch = 0 : i64, scratch_operands = 16 : i64, tpu.core_type = #tpu.core_type<sc_vector_subcore>, window_params = [{transform_indices = #map}, {transform_indices = #map}, {transform_indices = #map}, {transform_indices = #map}]} {
    "tpu.region"() ({
      %run_scoped3A = tpu.sem_alloc : memref<!tpu.dma_semaphore, #tpu.memory_space<semaphore_mem>>
      %dma_start3A_61 = arith.constant 0 : i32
      %dma_start3A_62 = arith.constant 0 : i32
      %dma_start3A_63 = tpu.memref_slice %arg3[%arg1, %dma_start3A_61, %dma_start3A_62] : memref<16x160x128xi32, #tpu.memory_space<hbm>> -> memref<1x160x128xi32, #tpu.memory_space<hbm>>
      %dma_start3A_64 = tpu.memref_squeeze %dma_start3A_63 : memref<1x160x128xi32, #tpu.memory_space<hbm>> -> memref<160x128xi32, #tpu.memory_space<hbm>>
      %dma_start3A_65 = arith.constant 0 : i32
      %dma_start3A_66 = arith.constant 0 : i32
      %dma_start3A_67 = tpu.memref_slice %arg3[%arg1, %dma_start3A_65, %dma_start3A_66] : memref<16x160x128xi32, #tpu.memory_space<hbm>> -> memref<1x160x128xi32, #tpu.memory_space<hbm>>
      %dma_start3A_68 = tpu.memref_squeeze %dma_start3A_67 : memref<1x160x128xi32, #tpu.memory_space<hbm>> -> memref<160x128xi32, #tpu.memory_space<hbm>>
      tpu.enqueue_dma source(%dma_start3A_68 : memref<160x128xi32, #tpu.memory_space<hbm>>) target(%arg6 : memref<160x128xi32, #tpu.memory_space<vmem>>) target_semaphore(%run_scoped3A : memref<!tpu.dma_semaphore, #tpu.memory_space<semaphore_mem>>)
      %dma_wait3A_69 = arith.constant 0 : i32
      %dma_wait3A_70 = arith.constant 0 : i32
      %dma_wait3A_71 = tpu.memref_slice %arg3[%arg1, %dma_wait3A_69, %dma_wait3A_70] : memref<16x160x128xi32, #tpu.memory_space<hbm>> -> memref<1x160x128xi32, #tpu.memory_space<hbm>>
      %dma_wait3A_72 = tpu.memref_squeeze %dma_wait3A_71 : memref<1x160x128xi32, #tpu.memory_space<hbm>> -> memref<160x128xi32, #tpu.memory_space<hbm>>
      %dma_wait3A_73 = arith.constant 0 : i32
      %dma_wait3A_74 = arith.constant 0 : i32
      %dma_wait3A_75 = tpu.memref_slice %arg3[%arg1, %dma_wait3A_73, %dma_wait3A_74] : memref<16x160x128xi32, #tpu.memory_space<hbm>> -> memref<1x160x128xi32, #tpu.memory_space<hbm>>
      %dma_wait3A_76 = tpu.memref_squeeze %dma_wait3A_75 : memref<1x160x128xi32, #tpu.memory_space<hbm>> -> memref<160x128xi32, #tpu.memory_space<hbm>>
      tpu.wait_dma2 semaphore(%run_scoped3A : memref<!tpu.dma_semaphore, #tpu.memory_space<semaphore_mem>>) src(%dma_wait3A_76 : memref<160x128xi32, #tpu.memory_space<hbm>>) dst(%arg6 : memref<160x128xi32, #tpu.memory_space<vmem>>)
      tpu.yield
    }) : () -> ()
    "tpu.region"() ({
      %run_scoped3A = tpu.sem_alloc : memref<!tpu.dma_semaphore, #tpu.memory_space<semaphore_mem>>
      %dma_start3A_61 = arith.constant 0 : i32
      %dma_start3A_62 = arith.constant 0 : i32
      %dma_start3A_63 = tpu.memref_slice %arg4[%arg1, %dma_start3A_61, %dma_start3A_62] : memref<16x160x128xi32, #tpu.memory_space<hbm>> -> memref<1x160x128xi32, #tpu.memory_space<hbm>>
      %dma_start3A_64 = tpu.memref_squeeze %dma_start3A_63 : memref<1x160x128xi32, #tpu.memory_space<hbm>> -> memref<160x128xi32, #tpu.memory_space<hbm>>
      %dma_start3A_65 = arith.constant 0 : i32
      %dma_start3A_66 = arith.constant 0 : i32
      %dma_start3A_67 = tpu.memref_slice %arg4[%arg1, %dma_start3A_65, %dma_start3A_66] : memref<16x160x128xi32, #tpu.memory_space<hbm>> -> memref<1x160x128xi32, #tpu.memory_space<hbm>>
      %dma_start3A_68 = tpu.memref_squeeze %dma_start3A_67 : memref<1x160x128xi32, #tpu.memory_space<hbm>> -> memref<160x128xi32, #tpu.memory_space<hbm>>
      tpu.enqueue_dma source(%dma_start3A_68 : memref<160x128xi32, #tpu.memory_space<hbm>>) target(%arg7 : memref<160x128xi32, #tpu.memory_space<vmem>>) target_semaphore(%run_scoped3A : memref<!tpu.dma_semaphore, #tpu.memory_space<semaphore_mem>>)
      %dma_wait3A_69 = arith.constant 0 : i32
      %dma_wait3A_70 = arith.constant 0 : i32
      %dma_wait3A_71 = tpu.memref_slice %arg4[%arg1, %dma_wait3A_69, %dma_wait3A_70] : memref<16x160x128xi32, #tpu.memory_space<hbm>> -> memref<1x160x128xi32, #tpu.memory_space<hbm>>
      %dma_wait3A_72 = tpu.memref_squeeze %dma_wait3A_71 : memref<1x160x128xi32, #tpu.memory_space<hbm>> -> memref<160x128xi32, #tpu.memory_space<hbm>>
      %dma_wait3A_73 = arith.constant 0 : i32
      %dma_wait3A_74 = arith.constant 0 : i32
      %dma_wait3A_75 = tpu.memref_slice %arg4[%arg1, %dma_wait3A_73, %dma_wait3A_74] : memref<16x160x128xi32, #tpu.memory_space<hbm>> -> memref<1x160x128xi32, #tpu.memory_space<hbm>>
      %dma_wait3A_76 = tpu.memref_squeeze %dma_wait3A_75 : memref<1x160x128xi32, #tpu.memory_space<hbm>> -> memref<160x128xi32, #tpu.memory_space<hbm>>
      tpu.wait_dma2 semaphore(%run_scoped3A : memref<!tpu.dma_semaphore, #tpu.memory_space<semaphore_mem>>) src(%dma_wait3A_76 : memref<160x128xi32, #tpu.memory_space<hbm>>) dst(%arg7 : memref<160x128xi32, #tpu.memory_space<vmem>>)
      tpu.yield
    }) : () -> ()
    %dma_start3A = arith.constant 0 : i32
    %dma_start3A_0 = arith.constant 0 : i32
    %dma_start3A_1 = tpu.memref_slice %arg6[%dma_start3A, %dma_start3A_0] : memref<160x128xi32, #tpu.memory_space<vmem>> -> memref<1x128xi32, #tpu.memory_space<vmem>>
    %dma_start3A_2 = tpu.memref_squeeze %dma_start3A_1 : memref<1x128xi32, #tpu.memory_space<vmem>> -> memref<128xi32, #tpu.memory_space<vmem>>
    %dma_start3A_3 = arith.constant 0 : i32
    %dma_start3A_4 = arith.constant 0 : i32
    %dma_start3A_5 = tpu.memref_slice %arg2[%arg0, %dma_start3A_3, %dma_start3A_4] : memref<2x10000x64xf32, #tpu.memory_space<hbm>> -> memref<1x10000x64xf32, #tpu.memory_space<hbm>>
    %dma_start3A_6 = tpu.memref_squeeze %dma_start3A_5 : memref<1x10000x64xf32, #tpu.memory_space<hbm>> -> memref<10000x64xf32, #tpu.memory_space<hbm>>
    %dma_start3A_7 = arith.constant 0 : i32
    %dma_start3A_8 = arith.constant 0 : i32
    %dma_start3A_9 = tpu.memref_slice %dma_start3A_6[%dma_start3A_7, %dma_start3A_8] : memref<10000x64xf32, #tpu.memory_space<hbm>> -> memref<10000x64xf32, #tpu.memory_space<hbm>>
    tpu.enqueue_indirect_dma source(%dma_start3A_9 : memref<10000x64xf32, #tpu.memory_space<hbm>>) target(%arg8 : memref<128x64xf32, #tpu.memory_space<vmem>>) offsets(%dma_start3A_2 : memref<128xi32, #tpu.memory_space<vmem>>) semaphore(%arg14 : memref<!tpu.dma_semaphore, #tpu.memory_space<semaphore_mem>>)
    %dma_start3A_10 = arith.constant 1 : i32
    %dma_start3A_11 = arith.constant 0 : i32
    %dma_start3A_12 = tpu.memref_slice %arg6[%dma_start3A_10, %dma_start3A_11] : memref<160x128xi32, #tpu.memory_space<vmem>> -> memref<1x128xi32, #tpu.memory_space<vmem>>
    %dma_start3A_13 = tpu.memref_squeeze %dma_start3A_12 : memref<1x128xi32, #tpu.memory_space<vmem>> -> memref<128xi32, #tpu.memory_space<vmem>>
    %dma_start3A_14 = arith.constant 0 : i32
    %dma_start3A_15 = arith.constant 0 : i32
    %dma_start3A_16 = tpu.memref_slice %arg2[%arg0, %dma_start3A_14, %dma_start3A_15] : memref<2x10000x64xf32, #tpu.memory_space<hbm>> -> memref<1x10000x64xf32, #tpu.memory_space<hbm>>
    %dma_start3A_17 = tpu.memref_squeeze %dma_start3A_16 : memref<1x10000x64xf32, #tpu.memory_space<hbm>> -> memref<10000x64xf32, #tpu.memory_space<hbm>>
    %dma_start3A_18 = arith.constant 0 : i32
    %dma_start3A_19 = arith.constant 0 : i32
    %dma_start3A_20 = tpu.memref_slice %dma_start3A_17[%dma_start3A_18, %dma_start3A_19] : memref<10000x64xf32, #tpu.memory_space<hbm>> -> memref<10000x64xf32, #tpu.memory_space<hbm>>
    tpu.enqueue_indirect_dma source(%dma_start3A_20 : memref<10000x64xf32, #tpu.memory_space<hbm>>) target(%arg9 : memref<128x64xf32, #tpu.memory_space<vmem>>) offsets(%dma_start3A_13 : memref<128xi32, #tpu.memory_space<vmem>>) semaphore(%arg15 : memref<!tpu.dma_semaphore, #tpu.memory_space<semaphore_mem>>)
    %scan3A = arith.constant 0 : i32
    %scan3A_21 = arith.constant 0 : i32
    %scan3A_22 = arith.constant 128 : i32
    %scan3A_23 = arith.addi %scan3A_21, %scan3A_22 : i32
    %scan3A_24 = arith.constant 1 : i32
    scf.for %scan3A_61 = %scan3A_21 to %scan3A_23 step %scan3A_24  : i32 {
      %broadcast_in_dim3A = arith.constant 0.000000e+00 : f32
      %broadcast_in_dim3A_62 = vector.broadcast %broadcast_in_dim3A : f32 to vector<16xf32>
      %swap3A = arith.index_cast %scan3A_61 : i32 to index
      %swap3A_63 = arith.constant 0 : index
      %swap3A_64 = tpu.vector_load %arg12[%swap3A, %swap3A_63] {strides = array<i32>} : memref<128x64xf32, #tpu.memory_space<vmem>>, vector<1x16xf32>,
      %swap3A_65 = vector.shape_cast %swap3A_64 : vector<1x16xf32> to vector<16xf32>
      %swap3A_66 = vector.shape_cast %broadcast_in_dim3A_62 : vector<16xf32> to vector<1x16xf32>
      tpu.vector_store %arg12[%swap3A, %swap3A_63], %swap3A_66 {strides = array<i32>} : memref<128x64xf32, #tpu.memory_space<vmem>>, vector<1x16xf32>,
      %broadcast_in_dim3A_67 = arith.constant 0.000000e+00 : f32
      %broadcast_in_dim3A_68 = vector.broadcast %broadcast_in_dim3A_67 : f32 to vector<16xf32>
      %swap3A_69 = arith.index_cast %scan3A_61 : i32 to index
      %swap3A_70 = arith.constant 16 : index
      %swap3A_71 = tpu.vector_load %arg12[%swap3A_69, %swap3A_70] {strides = array<i32>} : memref<128x64xf32, #tpu.memory_space<vmem>>, vector<1x16xf32>,
      %swap3A_72 = vector.shape_cast %swap3A_71 : vector<1x16xf32> to vector<16xf32>
      %swap3A_73 = vector.shape_cast %broadcast_in_dim3A_68 : vector<16xf32> to vector<1x16xf32>
      tpu.vector_store %arg12[%swap3A_69, %swap3A_70], %swap3A_73 {strides = array<i32>} : memref<128x64xf32, #tpu.memory_space<vmem>>, vector<1x16xf32>,
      %broadcast_in_dim3A_74 = arith.constant 0.000000e+00 : f32
      %broadcast_in_dim3A_75 = vector.broadcast %broadcast_in_dim3A_74 : f32 to vector<16xf32>
      %swap3A_76 = arith.index_cast %scan3A_61 : i32 to index
      %swap3A_77 = arith.constant 32 : index
      %swap3A_78 = tpu.vector_load %arg12[%swap3A_76, %swap3A_77] {strides = array<i32>} : memref<128x64xf32, #tpu.memory_space<vmem>>, vector<1x16xf32>,
      %swap3A_79 = vector.shape_cast %swap3A_78 : vector<1x16xf32> to vector<16xf32>
      %swap3A_80 = vector.shape_cast %broadcast_in_dim3A_75 : vector<16xf32> to vector<1x16xf32>
      tpu.vector_store %arg12[%swap3A_76, %swap3A_77], %swap3A_80 {strides = array<i32>} : memref<128x64xf32, #tpu.memory_space<vmem>>, vector<1x16xf32>,
      %broadcast_in_dim3A_81 = arith.constant 0.000000e+00 : f32
      %broadcast_in_dim3A_82 = vector.broadcast %broadcast_in_dim3A_81 : f32 to vector<16xf32>
      %swap3A_83 = arith.index_cast %scan3A_61 : i32 to index
      %swap3A_84 = arith.constant 48 : index
      %swap3A_85 = tpu.vector_load %arg12[%swap3A_83, %swap3A_84] {strides = array<i32>} : memref<128x64xf32, #tpu.memory_space<vmem>>, vector<1x16xf32>,
      %swap3A_86 = vector.shape_cast %swap3A_85 : vector<1x16xf32> to vector<16xf32>
      %swap3A_87 = vector.shape_cast %broadcast_in_dim3A_82 : vector<16xf32> to vector<1x16xf32>
      tpu.vector_store %arg12[%swap3A_83, %swap3A_84], %swap3A_87 {strides = array<i32>} : memref<128x64xf32, #tpu.memory_space<vmem>>, vector<1x16xf32>,
    }
    %scan3A_25 = arith.constant 128 : i32
    %mul3A = arith.constant 640 : i32
    %mul3A_26 = arith.muli %arg1, %mul3A : i32
    %add3A = arith.constant 0 : i32
    %add3A_27 = arith.addi %mul3A_26, %add3A : i32
    "tpu.region"() ({
      %run_scoped3A = tpu.sem_alloc : memref<!tpu.dma_semaphore, #tpu.memory_space<semaphore_mem>>
      %dma_start3A_61 = arith.constant 0 : i32
      %dma_start3A_62 = tpu.memref_slice %arg13[%add3A_27, %dma_start3A_61] : memref<10240x64xf32, #tpu.memory_space<vmem_shared>> -> memref<128x64xf32, #tpu.memory_space<vmem_shared>>
      %dma_start3A_63 = arith.constant 0 : i32
      %dma_start3A_64 = tpu.memref_slice %arg13[%add3A_27, %dma_start3A_63] : memref<10240x64xf32, #tpu.memory_space<vmem_shared>> -> memref<128x64xf32, #tpu.memory_space<vmem_shared>>
      tpu.enqueue_dma source(%arg12 : memref<128x64xf32, #tpu.memory_space<vmem>>) target(%dma_start3A_64 : memref<128x64xf32, #tpu.memory_space<vmem_shared>>) target_semaphore(%run_scoped3A : memref<!tpu.dma_semaphore, #tpu.memory_space<semaphore_mem>>)
      %dma_wait3A_65 = arith.constant 0 : i32
      %dma_wait3A_66 = tpu.memref_slice %arg13[%add3A_27, %dma_wait3A_65] : memref<10240x64xf32, #tpu.memory_space<vmem_shared>> -> memref<128x64xf32, #tpu.memory_space<vmem_shared>>
      %dma_wait3A_67 = arith.constant 0 : i32
      %dma_wait3A_68 = tpu.memref_slice %arg13[%add3A_27, %dma_wait3A_67] : memref<10240x64xf32, #tpu.memory_space<vmem_shared>> -> memref<128x64xf32, #tpu.memory_space<vmem_shared>>
      tpu.wait_dma2 semaphore(%run_scoped3A : memref<!tpu.dma_semaphore, #tpu.memory_space<semaphore_mem>>) src(%arg12 : memref<128x64xf32, #tpu.memory_space<vmem>>) dst(%dma_wait3A_68 : memref<128x64xf32, #tpu.memory_space<vmem_shared>>)
      tpu.yield
    }) : () -> ()
    %mul3A_28 = arith.constant 640 : i32
    %mul3A_29 = arith.muli %arg1, %mul3A_28 : i32
    %add3A_30 = arith.constant 128 : i32
    %add3A_31 = arith.addi %mul3A_29, %add3A_30 : i32
    "tpu.region"() ({
      %run_scoped3A = tpu.sem_alloc : memref<!tpu.dma_semaphore, #tpu.memory_space<semaphore_mem>>
      %dma_start3A_61 = arith.constant 0 : i32
      %dma_start3A_62 = tpu.memref_slice %arg13[%add3A_31, %dma_start3A_61] : memref<10240x64xf32, #tpu.memory_space<vmem_shared>> -> memref<128x64xf32, #tpu.memory_space<vmem_shared>>
      %dma_start3A_63 = arith.constant 0 : i32
      %dma_start3A_64 = tpu.memref_slice %arg13[%add3A_31, %dma_start3A_63] : memref<10240x64xf32, #tpu.memory_space<vmem_shared>> -> memref<128x64xf32, #tpu.memory_space<vmem_shared>>
      tpu.enqueue_dma source(%arg12 : memref<128x64xf32, #tpu.memory_space<vmem>>) target(%dma_start3A_64 : memref<128x64xf32, #tpu.memory_space<vmem_shared>>) target_semaphore(%run_scoped3A : memref<!tpu.dma_semaphore, #tpu.memory_space<semaphore_mem>>)
      %dma_wait3A_65 = arith.constant 0 : i32
      %dma_wait3A_66 = tpu.memref_slice %arg13[%add3A_31, %dma_wait3A_65] : memref<10240x64xf32, #tpu.memory_space<vmem_shared>> -> memref<128x64xf32, #tpu.memory_space<vmem_shared>>
      %dma_wait3A_67 = arith.constant 0 : i32
      %dma_wait3A_68 = tpu.memref_slice %arg13[%add3A_31, %dma_wait3A_67] : memref<10240x64xf32, #tpu.memory_space<vmem_shared>> -> memref<128x64xf32, #tpu.memory_space<vmem_shared>>
      tpu.wait_dma2 semaphore(%run_scoped3A : memref<!tpu.dma_semaphore, #tpu.memory_space<semaphore_mem>>) src(%arg12 : memref<128x64xf32, #tpu.memory_space<vmem>>) dst(%dma_wait3A_68 : memref<128x64xf32, #tpu.memory_space<vmem_shared>>)
      tpu.yield
    }) : () -> ()
    %mul3A_32 = arith.constant 640 : i32
    %mul3A_33 = arith.muli %arg1, %mul3A_32 : i32
    %add3A_34 = arith.constant 256 : i32
    %add3A_35 = arith.addi %mul3A_33, %add3A_34 : i32
    "tpu.region"() ({
      %run_scoped3A = tpu.sem_alloc : memref<!tpu.dma_semaphore, #tpu.memory_space<semaphore_mem>>
      %dma_start3A_61 = arith.constant 0 : i32
      %dma_start3A_62 = tpu.memref_slice %arg13[%add3A_35, %dma_start3A_61] : memref<10240x64xf32, #tpu.memory_space<vmem_shared>> -> memref<128x64xf32, #tpu.memory_space<vmem_shared>>
      %dma_start3A_63 = arith.constant 0 : i32
      %dma_start3A_64 = tpu.memref_slice %arg13[%add3A_35, %dma_start3A_63] : memref<10240x64xf32, #tpu.memory_space<vmem_shared>> -> memref<128x64xf32, #tpu.memory_space<vmem_shared>>
      tpu.enqueue_dma source(%arg12 : memref<128x64xf32, #tpu.memory_space<vmem>>) target(%dma_start3A_64 : memref<128x64xf32, #tpu.memory_space<vmem_shared>>) target_semaphore(%run_scoped3A : memref<!tpu.dma_semaphore, #tpu.memory_space<semaphore_mem>>)
      %dma_wait3A_65 = arith.constant 0 : i32
      %dma_wait3A_66 = tpu.memref_slice %arg13[%add3A_35, %dma_wait3A_65] : memref<10240x64xf32, #tpu.memory_space<vmem_shared>> -> memref<128x64xf32, #tpu.memory_space<vmem_shared>>
      %dma_wait3A_67 = arith.constant 0 : i32
      %dma_wait3A_68 = tpu.memref_slice %arg13[%add3A_35, %dma_wait3A_67] : memref<10240x64xf32, #tpu.memory_space<vmem_shared>> -> memref<128x64xf32, #tpu.memory_space<vmem_shared>>
      tpu.wait_dma2 semaphore(%run_scoped3A : memref<!tpu.dma_semaphore, #tpu.memory_space<semaphore_mem>>) src(%arg12 : memref<128x64xf32, #tpu.memory_space<vmem>>) dst(%dma_wait3A_68 : memref<128x64xf32, #tpu.memory_space<vmem_shared>>)
      tpu.yield
    }) : () -> ()
    %mul3A_36 = arith.constant 640 : i32
    %mul3A_37 = arith.muli %arg1, %mul3A_36 : i32
    %add3A_38 = arith.constant 384 : i32
    %add3A_39 = arith.addi %mul3A_37, %add3A_38 : i32
    "tpu.region"() ({
      %run_scoped3A = tpu.sem_alloc : memref<!tpu.dma_semaphore, #tpu.memory_space<semaphore_mem>>
      %dma_start3A_61 = arith.constant 0 : i32
      %dma_start3A_62 = tpu.memref_slice %arg13[%add3A_39, %dma_start3A_61] : memref<10240x64xf32, #tpu.memory_space<vmem_shared>> -> memref<128x64xf32, #tpu.memory_space<vmem_shared>>
      %dma_start3A_63 = arith.constant 0 : i32
      %dma_start3A_64 = tpu.memref_slice %arg13[%add3A_39, %dma_start3A_63] : memref<10240x64xf32, #tpu.memory_space<vmem_shared>> -> memref<128x64xf32, #tpu.memory_space<vmem_shared>>
      tpu.enqueue_dma source(%arg12 : memref<128x64xf32, #tpu.memory_space<vmem>>) target(%dma_start3A_64 : memref<128x64xf32, #tpu.memory_space<vmem_shared>>) target_semaphore(%run_scoped3A : memref<!tpu.dma_semaphore, #tpu.memory_space<semaphore_mem>>)
      %dma_wait3A_65 = arith.constant 0 : i32
      %dma_wait3A_66 = tpu.memref_slice %arg13[%add3A_39, %dma_wait3A_65] : memref<10240x64xf32, #tpu.memory_space<vmem_shared>> -> memref<128x64xf32, #tpu.memory_space<vmem_shared>>
      %dma_wait3A_67 = arith.constant 0 : i32
      %dma_wait3A_68 = tpu.memref_slice %arg13[%add3A_39, %dma_wait3A_67] : memref<10240x64xf32, #tpu.memory_space<vmem_shared>> -> memref<128x64xf32, #tpu.memory_space<vmem_shared>>
      tpu.wait_dma2 semaphore(%run_scoped3A : memref<!tpu.dma_semaphore, #tpu.memory_space<semaphore_mem>>) src(%arg12 : memref<128x64xf32, #tpu.memory_space<vmem>>) dst(%dma_wait3A_68 : memref<128x64xf32, #tpu.memory_space<vmem_shared>>)
      tpu.yield
    }) : () -> ()
    %mul3A_40 = arith.constant 640 : i32
    %mul3A_41 = arith.muli %arg1, %mul3A_40 : i32
    %add3A_42 = arith.constant 512 : i32
    %add3A_43 = arith.addi %mul3A_41, %add3A_42 : i32
    "tpu.region"() ({
      %run_scoped3A = tpu.sem_alloc : memref<!tpu.dma_semaphore, #tpu.memory_space<semaphore_mem>>
      %dma_start3A_61 = arith.constant 0 : i32
      %dma_start3A_62 = tpu.memref_slice %arg13[%add3A_43, %dma_start3A_61] : memref<10240x64xf32, #tpu.memory_space<vmem_shared>> -> memref<128x64xf32, #tpu.memory_space<vmem_shared>>
      %dma_start3A_63 = arith.constant 0 : i32
      %dma_start3A_64 = tpu.memref_slice %arg13[%add3A_43, %dma_start3A_63] : memref<10240x64xf32, #tpu.memory_space<vmem_shared>> -> memref<128x64xf32, #tpu.memory_space<vmem_shared>>
      tpu.enqueue_dma source(%arg12 : memref<128x64xf32, #tpu.memory_space<vmem>>) target(%dma_start3A_64 : memref<128x64xf32, #tpu.memory_space<vmem_shared>>) target_semaphore(%run_scoped3A : memref<!tpu.dma_semaphore, #tpu.memory_space<semaphore_mem>>)
      %dma_wait3A_65 = arith.constant 0 : i32
      %dma_wait3A_66 = tpu.memref_slice %arg13[%add3A_43, %dma_wait3A_65] : memref<10240x64xf32, #tpu.memory_space<vmem_shared>> -> memref<128x64xf32, #tpu.memory_space<vmem_shared>>
      %dma_wait3A_67 = arith.constant 0 : i32
      %dma_wait3A_68 = tpu.memref_slice %arg13[%add3A_43, %dma_wait3A_67] : memref<10240x64xf32, #tpu.memory_space<vmem_shared>> -> memref<128x64xf32, #tpu.memory_space<vmem_shared>>
      tpu.wait_dma2 semaphore(%run_scoped3A : memref<!tpu.dma_semaphore, #tpu.memory_space<semaphore_mem>>) src(%arg12 : memref<128x64xf32, #tpu.memory_space<vmem>>) dst(%dma_wait3A_68 : memref<128x64xf32, #tpu.memory_space<vmem_shared>>)
      tpu.yield
    }) : () -> ()
    %barrier3A = arith.constant 0 : index
    tpu.barrier barrier_id(%barrier3A)
    %scan3A_44 = arith.constant 0 : i32
    %scan3A_45 = arith.constant 0 : i32
    %scan3A_46 = arith.constant 40 : i32
    %scan3A_47 = arith.addi %scan3A_45, %scan3A_46 : i32
    %scan3A_48 = arith.constant 1 : i32
    scf.for %scan3A_61 = %scan3A_45 to %scan3A_47 step %scan3A_48  : i32 {
      %mul3A_62 = arith.constant 4 : i32
      %mul3A_63 = arith.muli %mul3A_62, %scan3A_61 : i32
      %add3A_64 = arith.constant 0 : i32
      %add3A_65 = arith.addi %mul3A_63, %add3A_64 : i32
      %dma_wait3A_66 = arith.constant 0 : i32
      %dma_wait3A_67 = tpu.memref_slice %arg6[%add3A_65, %dma_wait3A_66] : memref<160x128xi32, #tpu.memory_space<vmem>> -> memref<1x128xi32, #tpu.memory_space<vmem>>
      %dma_wait3A_68 = tpu.memref_squeeze %dma_wait3A_67 : memref<1x128xi32, #tpu.memory_space<vmem>> -> memref<128xi32, #tpu.memory_space<vmem>>
      %dma_wait3A_69 = arith.constant 0 : i32
      %dma_wait3A_70 = arith.constant 0 : i32
      %dma_wait3A_71 = tpu.memref_slice %arg2[%arg0, %dma_wait3A_69, %dma_wait3A_70] : memref<2x10000x64xf32, #tpu.memory_space<hbm>> -> memref<1x10000x64xf32, #tpu.memory_space<hbm>>
      %dma_wait3A_72 = tpu.memref_squeeze %dma_wait3A_71 : memref<1x10000x64xf32, #tpu.memory_space<hbm>> -> memref<10000x64xf32, #tpu.memory_space<hbm>>
      %dma_wait3A_73 = arith.constant 0 : i32
      %dma_wait3A_74 = arith.constant 0 : i32
      %dma_wait3A_75 = tpu.memref_slice %dma_wait3A_72[%dma_wait3A_73, %dma_wait3A_74] : memref<10000x64xf32, #tpu.memory_space<hbm>> -> memref<10000x64xf32, #tpu.memory_space<hbm>>
      tpu.wait_indirect_dma semaphore(%arg14 : memref<!tpu.dma_semaphore, #tpu.memory_space<semaphore_mem>>) src(%dma_wait3A_75 : memref<10000x64xf32, #tpu.memory_space<hbm>>) dst(%arg8 : memref<128x64xf32, #tpu.memory_space<vmem>>)
      %gt3A = arith.constant 0 : i32
      %gt3A_76 = arith.cmpi sgt, %scan3A_61, %gt3A : i32
      %convert_element_type3A = arith.extui %gt3A_76 : i1 to i32
      %cond3A = arith.constant 0 : i32
      %cond3A_77 = arith.cmpi ne, %convert_element_type3A, %cond3A : i32
      scf.if %cond3A_77 {
        %sub3A_198 = arith.constant 1 : i32
        %sub3A_199 = arith.subi %add3A_65, %sub3A_198 : i32
        %dma_wait3A_200 = arith.constant 0 : i32
        %dma_wait3A_201 = tpu.memref_slice %arg7[%sub3A_199, %dma_wait3A_200] : memref<160x128xi32, #tpu.memory_space<vmem>> -> memref<1x128xi32, #tpu.memory_space<vmem>>
        %dma_wait3A_202 = tpu.memref_squeeze %dma_wait3A_201 : memref<1x128xi32, #tpu.memory_space<vmem>> -> memref<128xi32, #tpu.memory_space<vmem>>
        %dma_wait3A_203 = arith.constant 0 : i32
        %dma_wait3A_204 = arith.constant 0 : i32
        %dma_wait3A_205 = tpu.memref_slice %arg13[%dma_wait3A_203, %dma_wait3A_204] : memref<10240x64xf32, #tpu.memory_space<vmem_shared>> -> memref<10240x64xf32, #tpu.memory_space<vmem_shared>>
        tpu.wait_indirect_dma semaphore(%arg21 : memref<!tpu.dma_semaphore, #tpu.memory_space<semaphore_mem>>) src(%arg11 : memref<128x64xf32, #tpu.memory_space<vmem>>) dst(%dma_wait3A_205 : memref<10240x64xf32, #tpu.memory_space<vmem_shared>>)
      } else {
      }
      %dma_start3A_78 = arith.constant 0 : i32
      %dma_start3A_79 = tpu.memref_slice %arg7[%add3A_65, %dma_start3A_78] : memref<160x128xi32, #tpu.memory_space<vmem>> -> memref<1x128xi32, #tpu.memory_space<vmem>>
      %dma_start3A_80 = tpu.memref_squeeze %dma_start3A_79 : memref<1x128xi32, #tpu.memory_space<vmem>> -> memref<128xi32, #tpu.memory_space<vmem>>
      %dma_start3A_81 = arith.constant 0 : i32
      %dma_start3A_82 = arith.constant 0 : i32
      %dma_start3A_83 = tpu.memref_slice %arg13[%dma_start3A_81, %dma_start3A_82] : memref<10240x64xf32, #tpu.memory_space<vmem_shared>> -> memref<10240x64xf32, #tpu.memory_space<vmem_shared>>
      tpu.enqueue_indirect_dma source(%arg8 : memref<128x64xf32, #tpu.memory_space<vmem>>) target(%dma_start3A_83 : memref<10240x64xf32, #tpu.memory_space<vmem_shared>>) offsets(%dma_start3A_80 : memref<128xi32, #tpu.memory_space<vmem>>) semaphore(%arg18 : memref<!tpu.dma_semaphore, #tpu.memory_space<semaphore_mem>>) {add = true}
      %add3A_84 = arith.constant 2 : i32
      %add3A_85 = arith.addi %add3A_65, %add3A_84 : i32
      %dma_start3A_86 = arith.constant 0 : i32
      %dma_start3A_87 = tpu.memref_slice %arg6[%add3A_85, %dma_start3A_86] : memref<160x128xi32, #tpu.memory_space<vmem>> -> memref<1x128xi32, #tpu.memory_space<vmem>>
      %dma_start3A_88 = tpu.memref_squeeze %dma_start3A_87 : memref<1x128xi32, #tpu.memory_space<vmem>> -> memref<128xi32, #tpu.memory_space<vmem>>
      %dma_start3A_89 = arith.constant 0 : i32
      %dma_start3A_90 = arith.constant 0 : i32
      %dma_start3A_91 = tpu.memref_slice %arg2[%arg0, %dma_start3A_89, %dma_start3A_90] : memref<2x10000x64xf32, #tpu.memory_space<hbm>> -> memref<1x10000x64xf32, #tpu.memory_space<hbm>>
      %dma_start3A_92 = tpu.memref_squeeze %dma_start3A_91 : memref<1x10000x64xf32, #tpu.memory_space<hbm>> -> memref<10000x64xf32, #tpu.memory_space<hbm>>
      %dma_start3A_93 = arith.constant 0 : i32
      %dma_start3A_94 = arith.constant 0 : i32
      %dma_start3A_95 = tpu.memref_slice %dma_start3A_92[%dma_start3A_93, %dma_start3A_94] : memref<10000x64xf32, #tpu.memory_space<hbm>> -> memref<10000x64xf32, #tpu.memory_space<hbm>>
      tpu.enqueue_indirect_dma source(%dma_start3A_95 : memref<10000x64xf32, #tpu.memory_space<hbm>>) target(%arg10 : memref<128x64xf32, #tpu.memory_space<vmem>>) offsets(%dma_start3A_88 : memref<128xi32, #tpu.memory_space<vmem>>) semaphore(%arg16 : memref<!tpu.dma_semaphore, #tpu.memory_space<semaphore_mem>>)
      %add3A_96 = arith.constant 1 : i32
      %add3A_97 = arith.addi %mul3A_63, %add3A_96 : i32
      %dma_wait3A_98 = arith.constant 0 : i32
      %dma_wait3A_99 = tpu.memref_slice %arg6[%add3A_97, %dma_wait3A_98] : memref<160x128xi32, #tpu.memory_space<vmem>> -> memref<1x128xi32, #tpu.memory_space<vmem>>
      %dma_wait3A_100 = tpu.memref_squeeze %dma_wait3A_99 : memref<1x128xi32, #tpu.memory_space<vmem>> -> memref<128xi32, #tpu.memory_space<vmem>>
      %dma_wait3A_101 = arith.constant 0 : i32
      %dma_wait3A_102 = arith.constant 0 : i32
      %dma_wait3A_103 = tpu.memref_slice %arg2[%arg0, %dma_wait3A_101, %dma_wait3A_102] : memref<2x10000x64xf32, #tpu.memory_space<hbm>> -> memref<1x10000x64xf32, #tpu.memory_space<hbm>>
      %dma_wait3A_104 = tpu.memref_squeeze %dma_wait3A_103 : memref<1x10000x64xf32, #tpu.memory_space<hbm>> -> memref<10000x64xf32, #tpu.memory_space<hbm>>
      %dma_wait3A_105 = arith.constant 0 : i32
      %dma_wait3A_106 = arith.constant 0 : i32
      %dma_wait3A_107 = tpu.memref_slice %dma_wait3A_104[%dma_wait3A_105, %dma_wait3A_106] : memref<10000x64xf32, #tpu.memory_space<hbm>> -> memref<10000x64xf32, #tpu.memory_space<hbm>>
      tpu.wait_indirect_dma semaphore(%arg15 : memref<!tpu.dma_semaphore, #tpu.memory_space<semaphore_mem>>) src(%dma_wait3A_107 : memref<10000x64xf32, #tpu.memory_space<hbm>>) dst(%arg9 : memref<128x64xf32, #tpu.memory_space<vmem>>)
      %sub3A = arith.constant 1 : i32
      %sub3A_108 = arith.subi %add3A_97, %sub3A : i32
      %dma_wait3A_109 = arith.constant 0 : i32
      %dma_wait3A_110 = tpu.memref_slice %arg7[%sub3A_108, %dma_wait3A_109] : memref<160x128xi32, #tpu.memory_space<vmem>> -> memref<1x128xi32, #tpu.memory_space<vmem>>
      %dma_wait3A_111 = tpu.memref_squeeze %dma_wait3A_110 : memref<1x128xi32, #tpu.memory_space<vmem>> -> memref<128xi32, #tpu.memory_space<vmem>>
      %dma_wait3A_112 = arith.constant 0 : i32
      %dma_wait3A_113 = arith.constant 0 : i32
      %dma_wait3A_114 = tpu.memref_slice %arg13[%dma_wait3A_112, %dma_wait3A_113] : memref<10240x64xf32, #tpu.memory_space<vmem_shared>> -> memref<10240x64xf32, #tpu.memory_space<vmem_shared>>
      tpu.wait_indirect_dma semaphore(%arg18 : memref<!tpu.dma_semaphore, #tpu.memory_space<semaphore_mem>>) src(%arg8 : memref<128x64xf32, #tpu.memory_space<vmem>>) dst(%dma_wait3A_114 : memref<10240x64xf32, #tpu.memory_space<vmem_shared>>)
      %dma_start3A_115 = arith.constant 0 : i32
      %dma_start3A_116 = tpu.memref_slice %arg7[%add3A_97, %dma_start3A_115] : memref<160x128xi32, #tpu.memory_space<vmem>> -> memref<1x128xi32, #tpu.memory_space<vmem>>
      %dma_start3A_117 = tpu.memref_squeeze %dma_start3A_116 : memref<1x128xi32, #tpu.memory_space<vmem>> -> memref<128xi32, #tpu.memory_space<vmem>>
      %dma_start3A_118 = arith.constant 0 : i32
      %dma_start3A_119 = arith.constant 0 : i32
      %dma_start3A_120 = tpu.memref_slice %arg13[%dma_start3A_118, %dma_start3A_119] : memref<10240x64xf32, #tpu.memory_space<vmem_shared>> -> memref<10240x64xf32, #tpu.memory_space<vmem_shared>>
      tpu.enqueue_indirect_dma source(%arg9 : memref<128x64xf32, #tpu.memory_space<vmem>>) target(%dma_start3A_120 : memref<10240x64xf32, #tpu.memory_space<vmem_shared>>) offsets(%dma_start3A_117 : memref<128xi32, #tpu.memory_space<vmem>>) semaphore(%arg19 : memref<!tpu.dma_semaphore, #tpu.memory_space<semaphore_mem>>) {add = true}
      %add3A_121 = arith.constant 2 : i32
      %add3A_122 = arith.addi %add3A_97, %add3A_121 : i32
      %dma_start3A_123 = arith.constant 0 : i32
      %dma_start3A_124 = tpu.memref_slice %arg6[%add3A_122, %dma_start3A_123] : memref<160x128xi32, #tpu.memory_space<vmem>> -> memref<1x128xi32, #tpu.memory_space<vmem>>
      %dma_start3A_125 = tpu.memref_squeeze %dma_start3A_124 : memref<1x128xi32, #tpu.memory_space<vmem>> -> memref<128xi32, #tpu.memory_space<vmem>>
      %dma_start3A_126 = arith.constant 0 : i32
      %dma_start3A_127 = arith.constant 0 : i32
      %dma_start3A_128 = tpu.memref_slice %arg2[%arg0, %dma_start3A_126, %dma_start3A_127] : memref<2x10000x64xf32, #tpu.memory_space<hbm>> -> memref<1x10000x64xf32, #tpu.memory_space<hbm>>
      %dma_start3A_129 = tpu.memref_squeeze %dma_start3A_128 : memref<1x10000x64xf32, #tpu.memory_space<hbm>> -> memref<10000x64xf32, #tpu.memory_space<hbm>>
      %dma_start3A_130 = arith.constant 0 : i32
      %dma_start3A_131 = arith.constant 0 : i32
      %dma_start3A_132 = tpu.memref_slice %dma_start3A_129[%dma_start3A_130, %dma_start3A_131] : memref<10000x64xf32, #tpu.memory_space<hbm>> -> memref<10000x64xf32, #tpu.memory_space<hbm>>
      tpu.enqueue_indirect_dma source(%dma_start3A_132 : memref<10000x64xf32, #tpu.memory_space<hbm>>) target(%arg11 : memref<128x64xf32, #tpu.memory_space<vmem>>) offsets(%dma_start3A_125 : memref<128xi32, #tpu.memory_space<vmem>>) semaphore(%arg17 : memref<!tpu.dma_semaphore, #tpu.memory_space<semaphore_mem>>)
      %add3A_133 = arith.constant 2 : i32
      %add3A_134 = arith.addi %mul3A_63, %add3A_133 : i32
      %dma_wait3A_135 = arith.constant 0 : i32
      %dma_wait3A_136 = tpu.memref_slice %arg6[%add3A_134, %dma_wait3A_135] : memref<160x128xi32, #tpu.memory_space<vmem>> -> memref<1x128xi32, #tpu.memory_space<vmem>>
      %dma_wait3A_137 = tpu.memref_squeeze %dma_wait3A_136 : memref<1x128xi32, #tpu.memory_space<vmem>> -> memref<128xi32, #tpu.memory_space<vmem>>
      %dma_wait3A_138 = arith.constant 0 : i32
      %dma_wait3A_139 = arith.constant 0 : i32
      %dma_wait3A_140 = tpu.memref_slice %arg2[%arg0, %dma_wait3A_138, %dma_wait3A_139] : memref<2x10000x64xf32, #tpu.memory_space<hbm>> -> memref<1x10000x64xf32, #tpu.memory_space<hbm>>
      %dma_wait3A_141 = tpu.memref_squeeze %dma_wait3A_140 : memref<1x10000x64xf32, #tpu.memory_space<hbm>> -> memref<10000x64xf32, #tpu.memory_space<hbm>>
      %dma_wait3A_142 = arith.constant 0 : i32
      %dma_wait3A_143 = arith.constant 0 : i32
      %dma_wait3A_144 = tpu.memref_slice %dma_wait3A_141[%dma_wait3A_142, %dma_wait3A_143] : memref<10000x64xf32, #tpu.memory_space<hbm>> -> memref<10000x64xf32, #tpu.memory_space<hbm>>
      tpu.wait_indirect_dma semaphore(%arg16 : memref<!tpu.dma_semaphore, #tpu.memory_space<semaphore_mem>>) src(%dma_wait3A_144 : memref<10000x64xf32, #tpu.memory_space<hbm>>) dst(%arg10 : memref<128x64xf32, #tpu.memory_space<vmem>>)
      %sub3A_145 = arith.constant 1 : i32
      %sub3A_146 = arith.subi %add3A_134, %sub3A_145 : i32
      %dma_wait3A_147 = arith.constant 0 : i32
      %dma_wait3A_148 = tpu.memref_slice %arg7[%sub3A_146, %dma_wait3A_147] : memref<160x128xi32, #tpu.memory_space<vmem>> -> memref<1x128xi32, #tpu.memory_space<vmem>>
      %dma_wait3A_149 = tpu.memref_squeeze %dma_wait3A_148 : memref<1x128xi32, #tpu.memory_space<vmem>> -> memref<128xi32, #tpu.memory_space<vmem>>
      %dma_wait3A_150 = arith.constant 0 : i32
      %dma_wait3A_151 = arith.constant 0 : i32
      %dma_wait3A_152 = tpu.memref_slice %arg13[%dma_wait3A_150, %dma_wait3A_151] : memref<10240x64xf32, #tpu.memory_space<vmem_shared>> -> memref<10240x64xf32, #tpu.memory_space<vmem_shared>>
      tpu.wait_indirect_dma semaphore(%arg19 : memref<!tpu.dma_semaphore, #tpu.memory_space<semaphore_mem>>) src(%arg9 : memref<128x64xf32, #tpu.memory_space<vmem>>) dst(%dma_wait3A_152 : memref<10240x64xf32, #tpu.memory_space<vmem_shared>>)
      %dma_start3A_153 = arith.constant 0 : i32
      %dma_start3A_154 = tpu.memref_slice %arg7[%add3A_134, %dma_start3A_153] : memref<160x128xi32, #tpu.memory_space<vmem>> -> memref<1x128xi32, #tpu.memory_space<vmem>>
      %dma_start3A_155 = tpu.memref_squeeze %dma_start3A_154 : memref<1x128xi32, #tpu.memory_space<vmem>> -> memref<128xi32, #tpu.memory_space<vmem>>
      %dma_start3A_156 = arith.constant 0 : i32
      %dma_start3A_157 = arith.constant 0 : i32
      %dma_start3A_158 = tpu.memref_slice %arg13[%dma_start3A_156, %dma_start3A_157] : memref<10240x64xf32, #tpu.memory_space<vmem_shared>> -> memref<10240x64xf32, #tpu.memory_space<vmem_shared>>
      tpu.enqueue_indirect_dma source(%arg10 : memref<128x64xf32, #tpu.memory_space<vmem>>) target(%dma_start3A_158 : memref<10240x64xf32, #tpu.memory_space<vmem_shared>>) offsets(%dma_start3A_155 : memref<128xi32, #tpu.memory_space<vmem>>) semaphore(%arg20 : memref<!tpu.dma_semaphore, #tpu.memory_space<semaphore_mem>>) {add = true}
      %add3A_159 = arith.constant 2 : i32
      %add3A_160 = arith.addi %add3A_134, %add3A_159 : i32
      %lt3A = arith.constant 160 : i32
      %lt3A_161 = arith.cmpi slt, %add3A_160, %lt3A : i32
      %convert_element_type3A_162 = arith.extui %lt3A_161 : i1 to i32
      %cond3A_163 = arith.constant 0 : i32
      %cond3A_164 = arith.cmpi ne, %convert_element_type3A_162, %cond3A_163 : i32
      scf.if %cond3A_164 {
        %add3A_198 = arith.constant 2 : i32
        %add3A_199 = arith.addi %add3A_134, %add3A_198 : i32
        %dma_start3A_200 = arith.constant 0 : i32
        %dma_start3A_201 = tpu.memref_slice %arg6[%add3A_199, %dma_start3A_200] : memref<160x128xi32, #tpu.memory_space<vmem>> -> memref<1x128xi32, #tpu.memory_space<vmem>>
        %dma_start3A_202 = tpu.memref_squeeze %dma_start3A_201 : memref<1x128xi32, #tpu.memory_space<vmem>> -> memref<128xi32, #tpu.memory_space<vmem>>
        %dma_start3A_203 = arith.constant 0 : i32
        %dma_start3A_204 = arith.constant 0 : i32
        %dma_start3A_205 = tpu.memref_slice %arg2[%arg0, %dma_start3A_203, %dma_start3A_204] : memref<2x10000x64xf32, #tpu.memory_space<hbm>> -> memref<1x10000x64xf32, #tpu.memory_space<hbm>>
        %dma_start3A_206 = tpu.memref_squeeze %dma_start3A_205 : memref<1x10000x64xf32, #tpu.memory_space<hbm>> -> memref<10000x64xf32, #tpu.memory_space<hbm>>
        %dma_start3A_207 = arith.constant 0 : i32
        %dma_start3A_208 = arith.constant 0 : i32
        %dma_start3A_209 = tpu.memref_slice %dma_start3A_206[%dma_start3A_207, %dma_start3A_208] : memref<10000x64xf32, #tpu.memory_space<hbm>> -> memref<10000x64xf32, #tpu.memory_space<hbm>>
        tpu.enqueue_indirect_dma source(%dma_start3A_209 : memref<10000x64xf32, #tpu.memory_space<hbm>>) target(%arg8 : memref<128x64xf32, #tpu.memory_space<vmem>>) offsets(%dma_start3A_202 : memref<128xi32, #tpu.memory_space<vmem>>) semaphore(%arg14 : memref<!tpu.dma_semaphore, #tpu.memory_space<semaphore_mem>>)
      } else {
      }
      %add3A_165 = arith.constant 3 : i32
      %add3A_166 = arith.addi %mul3A_63, %add3A_165 : i32
      %dma_wait3A_167 = arith.constant 0 : i32
      %dma_wait3A_168 = tpu.memref_slice %arg6[%add3A_166, %dma_wait3A_167] : memref<160x128xi32, #tpu.memory_space<vmem>> -> memref<1x128xi32, #tpu.memory_space<vmem>>
      %dma_wait3A_169 = tpu.memref_squeeze %dma_wait3A_168 : memref<1x128xi32, #tpu.memory_space<vmem>> -> memref<128xi32, #tpu.memory_space<vmem>>
      %dma_wait3A_170 = arith.constant 0 : i32
      %dma_wait3A_171 = arith.constant 0 : i32
      %dma_wait3A_172 = tpu.memref_slice %arg2[%arg0, %dma_wait3A_170, %dma_wait3A_171] : memref<2x10000x64xf32, #tpu.memory_space<hbm>> -> memref<1x10000x64xf32, #tpu.memory_space<hbm>>
      %dma_wait3A_173 = tpu.memref_squeeze %dma_wait3A_172 : memref<1x10000x64xf32, #tpu.memory_space<hbm>> -> memref<10000x64xf32, #tpu.memory_space<hbm>>
      %dma_wait3A_174 = arith.constant 0 : i32
      %dma_wait3A_175 = arith.constant 0 : i32
      %dma_wait3A_176 = tpu.memref_slice %dma_wait3A_173[%dma_wait3A_174, %dma_wait3A_175] : memref<10000x64xf32, #tpu.memory_space<hbm>> -> memref<10000x64xf32, #tpu.memory_space<hbm>>
      tpu.wait_indirect_dma semaphore(%arg17 : memref<!tpu.dma_semaphore, #tpu.memory_space<semaphore_mem>>) src(%dma_wait3A_176 : memref<10000x64xf32, #tpu.memory_space<hbm>>) dst(%arg11 : memref<128x64xf32, #tpu.memory_space<vmem>>)
      %sub3A_177 = arith.constant 1 : i32
      %sub3A_178 = arith.subi %add3A_166, %sub3A_177 : i32
      %dma_wait3A_179 = arith.constant 0 : i32
      %dma_wait3A_180 = tpu.memref_slice %arg7[%sub3A_178, %dma_wait3A_179] : memref<160x128xi32, #tpu.memory_space<vmem>> -> memref<1x128xi32, #tpu.memory_space<vmem>>
      %dma_wait3A_181 = tpu.memref_squeeze %dma_wait3A_180 : memref<1x128xi32, #tpu.memory_space<vmem>> -> memref<128xi32, #tpu.memory_space<vmem>>
      %dma_wait3A_182 = arith.constant 0 : i32
      %dma_wait3A_183 = arith.constant 0 : i32
      %dma_wait3A_184 = tpu.memref_slice %arg13[%dma_wait3A_182, %dma_wait3A_183] : memref<10240x64xf32, #tpu.memory_space<vmem_shared>> -> memref<10240x64xf32, #tpu.memory_space<vmem_shared>>
      tpu.wait_indirect_dma semaphore(%arg20 : memref<!tpu.dma_semaphore, #tpu.memory_space<semaphore_mem>>) src(%arg10 : memref<128x64xf32, #tpu.memory_space<vmem>>) dst(%dma_wait3A_184 : memref<10240x64xf32, #tpu.memory_space<vmem_shared>>)
      %dma_start3A_185 = arith.constant 0 : i32
      %dma_start3A_186 = tpu.memref_slice %arg7[%add3A_166, %dma_start3A_185] : memref<160x128xi32, #tpu.memory_space<vmem>> -> memref<1x128xi32, #tpu.memory_space<vmem>>
      %dma_start3A_187 = tpu.memref_squeeze %dma_start3A_186 : memref<1x128xi32, #tpu.memory_space<vmem>> -> memref<128xi32, #tpu.memory_space<vmem>>
      %dma_start3A_188 = arith.constant 0 : i32
      %dma_start3A_189 = arith.constant 0 : i32
      %dma_start3A_190 = tpu.memref_slice %arg13[%dma_start3A_188, %dma_start3A_189] : memref<10240x64xf32, #tpu.memory_space<vmem_shared>> -> memref<10240x64xf32, #tpu.memory_space<vmem_shared>>
      tpu.enqueue_indirect_dma source(%arg11 : memref<128x64xf32, #tpu.memory_space<vmem>>) target(%dma_start3A_190 : memref<10240x64xf32, #tpu.memory_space<vmem_shared>>) offsets(%dma_start3A_187 : memref<128xi32, #tpu.memory_space<vmem>>) semaphore(%arg21 : memref<!tpu.dma_semaphore, #tpu.memory_space<semaphore_mem>>) {add = true}
      %add3A_191 = arith.constant 2 : i32
      %add3A_192 = arith.addi %add3A_166, %add3A_191 : i32
      %lt3A_193 = arith.constant 160 : i32
      %lt3A_194 = arith.cmpi slt, %add3A_192, %lt3A_193 : i32
      %convert_element_type3A_195 = arith.extui %lt3A_194 : i1 to i32
      %cond3A_196 = arith.constant 0 : i32
      %cond3A_197 = arith.cmpi ne, %convert_element_type3A_195, %cond3A_196 : i32
      scf.if %cond3A_197 {
        %add3A_198 = arith.constant 2 : i32
        %add3A_199 = arith.addi %add3A_166, %add3A_198 : i32
        %dma_start3A_200 = arith.constant 0 : i32
        %dma_start3A_201 = tpu.memref_slice %arg6[%add3A_199, %dma_start3A_200] : memref<160x128xi32, #tpu.memory_space<vmem>> -> memref<1x128xi32, #tpu.memory_space<vmem>>
        %dma_start3A_202 = tpu.memref_squeeze %dma_start3A_201 : memref<1x128xi32, #tpu.memory_space<vmem>> -> memref<128xi32, #tpu.memory_space<vmem>>
        %dma_start3A_203 = arith.constant 0 : i32
        %dma_start3A_204 = arith.constant 0 : i32
        %dma_start3A_205 = tpu.memref_slice %arg2[%arg0, %dma_start3A_203, %dma_start3A_204] : memref<2x10000x64xf32, #tpu.memory_space<hbm>> -> memref<1x10000x64xf32, #tpu.memory_space<hbm>>
        %dma_start3A_206 = tpu.memref_squeeze %dma_start3A_205 : memref<1x10000x64xf32, #tpu.memory_space<hbm>> -> memref<10000x64xf32, #tpu.memory_space<hbm>>
        %dma_start3A_207 = arith.constant 0 : i32
        %dma_start3A_208 = arith.constant 0 : i32
        %dma_start3A_209 = tpu.memref_slice %dma_start3A_206[%dma_start3A_207, %dma_start3A_208] : memref<10000x64xf32, #tpu.memory_space<hbm>> -> memref<10000x64xf32, #tpu.memory_space<hbm>>
        tpu.enqueue_indirect_dma source(%dma_start3A_209 : memref<10000x64xf32, #tpu.memory_space<hbm>>) target(%arg9 : memref<128x64xf32, #tpu.memory_space<vmem>>) offsets(%dma_start3A_202 : memref<128xi32, #tpu.memory_space<vmem>>) semaphore(%arg15 : memref<!tpu.dma_semaphore, #tpu.memory_space<semaphore_mem>>)
      } else {
      }
    }
    %scan3A_49 = arith.constant 40 : i32
    %dma_wait3A = arith.constant 159 : i32
    %dma_wait3A_50 = arith.constant 0 : i32
    %dma_wait3A_51 = tpu.memref_slice %arg7[%dma_wait3A, %dma_wait3A_50] : memref<160x128xi32, #tpu.memory_space<vmem>> -> memref<1x128xi32, #tpu.memory_space<vmem>>
    %dma_wait3A_52 = tpu.memref_squeeze %dma_wait3A_51 : memref<1x128xi32, #tpu.memory_space<vmem>> -> memref<128xi32, #tpu.memory_space<vmem>>
    %dma_wait3A_53 = arith.constant 0 : i32
    %dma_wait3A_54 = arith.constant 0 : i32
    %dma_wait3A_55 = tpu.memref_slice %arg13[%dma_wait3A_53, %dma_wait3A_54] : memref<10240x64xf32, #tpu.memory_space<vmem_shared>> -> memref<10240x64xf32, #tpu.memory_space<vmem_shared>>
    tpu.wait_indirect_dma semaphore(%arg21 : memref<!tpu.dma_semaphore, #tpu.memory_space<semaphore_mem>>) src(%arg11 : memref<128x64xf32, #tpu.memory_space<vmem>>) dst(%dma_wait3A_55 : memref<10240x64xf32, #tpu.memory_space<vmem_shared>>)
    %barrier3A_56 = arith.constant 0 : index
    tpu.barrier barrier_id(%barrier3A_56)
    %mul3A_57 = arith.constant 640 : i32
    %mul3A_58 = arith.muli %arg1, %mul3A_57 : i32
    %mul3A_59 = arith.constant 640 : i32
    %mul3A_60 = arith.muli %arg1, %mul3A_59 : i32
    "tpu.region"() ({
      %run_scoped3A = tpu.sem_alloc : memref<!tpu.dma_semaphore, #tpu.memory_space<semaphore_mem>>
      %dma_start3A_61 = arith.constant 0 : i32
      %dma_start3A_62 = tpu.memref_slice %arg5[%arg0, %mul3A_60, %dma_start3A_61] : memref<2x10240x64xf32, #tpu.memory_space<hbm>> -> memref<1x640x64xf32, #tpu.memory_space<hbm>>
      %dma_start3A_63 = tpu.memref_squeeze %dma_start3A_62 : memref<1x640x64xf32, #tpu.memory_space<hbm>> -> memref<640x64xf32, #tpu.memory_space<hbm>>
      %dma_start3A_64 = arith.constant 0 : i32
      %dma_start3A_65 = tpu.memref_slice %arg13[%mul3A_58, %dma_start3A_64] : memref<10240x64xf32, #tpu.memory_space<vmem_shared>> -> memref<640x64xf32, #tpu.memory_space<vmem_shared>>
      tpu.enqueue_dma source(%dma_start3A_65 : memref<640x64xf32, #tpu.memory_space<vmem_shared>>) target(%dma_start3A_63 : memref<640x64xf32, #tpu.memory_space<hbm>>) target_semaphore(%run_scoped3A : memref<!tpu.dma_semaphore, #tpu.memory_space<semaphore_mem>>)
      %dma_wait3A_66 = arith.constant 0 : i32
      %dma_wait3A_67 = tpu.memref_slice %arg5[%arg0, %mul3A_60, %dma_wait3A_66] : memref<2x10240x64xf32, #tpu.memory_space<hbm>> -> memref<1x640x64xf32, #tpu.memory_space<hbm>>
      %dma_wait3A_68 = tpu.memref_squeeze %dma_wait3A_67 : memref<1x640x64xf32, #tpu.memory_space<hbm>> -> memref<640x64xf32, #tpu.memory_space<hbm>>
      %dma_wait3A_69 = arith.constant 0 : i32
      %dma_wait3A_70 = tpu.memref_slice %arg13[%mul3A_58, %dma_wait3A_69] : memref<10240x64xf32, #tpu.memory_space<vmem_shared>> -> memref<640x64xf32, #tpu.memory_space<vmem_shared>>
      tpu.wait_dma2 semaphore(%run_scoped3A : memref<!tpu.dma_semaphore, #tpu.memory_space<semaphore_mem>>) src(%dma_wait3A_70 : memref<640x64xf32, #tpu.memory_space<vmem_shared>>) dst(%dma_wait3A_68 : memref<640x64xf32, #tpu.memory_space<hbm>>)
      tpu.yield
    }) : () -> ()
    return
  }
}

#map = affine_map<(d0, d1) -> (0, 0, 0)>
module attributes {stable_mosaic.version = 14 : i64} {
  func.func @k(%arg0: i32, %arg1: i32, %arg2: memref<2x10000x64xf32, #tpu.memory_space<hbm>>, %arg3: memref<16x160x128xi32, #tpu.memory_space<hbm>>, %arg4: memref<16x160x128xi32, #tpu.memory_space<hbm>>, %arg5: memref<2x10240x64xf32, #tpu.memory_space<hbm>>, %arg6: memref<160x128xi32, #tpu.memory_space<vmem>>, %arg7: memref<160x128xi32, #tpu.memory_space<vmem>>, %arg8: memref<128x64xf32, #tpu.memory_space<vmem>>, %arg9: memref<128x64xf32, #tpu.memory_space<vmem>>, %arg10: memref<128x64xf32, #tpu.memory_space<vmem>>, %arg11: memref<128x64xf32, #tpu.memory_space<vmem>>, %arg12: memref<128x64xf32, #tpu.memory_space<vmem>>, %arg13: memref<10240x64xf32, #tpu.memory_space<vmem_shared>>, %arg14: memref<!tpu.dma_semaphore, #tpu.memory_space<semaphore_mem>>, %arg15: memref<!tpu.dma_semaphore, #tpu.memory_space<semaphore_mem>>, %arg16: memref<!tpu.dma_semaphore, #tpu.memory_space<semaphore_mem>>, %arg17: memref<!tpu.dma_semaphore, #tpu.memory_space<semaphore_mem>>, %arg18: memref<!tpu.dma_semaphore, #tpu.memory_space<semaphore_mem>>, %arg19: memref<!tpu.dma_semaphore, #tpu.memory_space<semaphore_mem>>, %arg20: memref<!tpu.dma_semaphore, #tpu.memory_space<semaphore_mem>>, %arg21: memref<!tpu.dma_semaphore, #tpu.memory_space<semaphore_mem>>) attributes {dimension_semantics = [#tpu.dimension_semantics<core_parallel>, #tpu.dimension_semantics<subcore_parallel>], iteration_bounds = array<i64: 2, 16>, scalar_prefetch = 0 : i64, scratch_operands = 16 : i64, tpu.core_type = #tpu.core_type<sc_vector_subcore>, window_params = [{transform_indices = #map}, {transform_indices = #map}, {transform_indices = #map}, {transform_indices = #map}]} {
    "tpu.region"() ({
      %run_scoped3A = tpu.sem_alloc : memref<!tpu.dma_semaphore, #tpu.memory_space<semaphore_mem>>
      %dma_start3A_61 = arith.constant 0 : i32
      %dma_start3A_62 = arith.constant 0 : i32
      %dma_start3A_63 = tpu.memref_slice %arg3[%arg1, %dma_start3A_61, %dma_start3A_62] : memref<16x160x128xi32, #tpu.memory_space<hbm>> -> memref<1x160x128xi32, #tpu.memory_space<hbm>>
      %dma_start3A_64 = tpu.memref_squeeze %dma_start3A_63 : memref<1x160x128xi32, #tpu.memory_space<hbm>> -> memref<160x128xi32, #tpu.memory_space<hbm>>
      %dma_start3A_65 = arith.constant 0 : i32
      %dma_start3A_66 = arith.constant 0 : i32
      %dma_start3A_67 = tpu.memref_slice %arg3[%arg1, %dma_start3A_65, %dma_start3A_66] : memref<16x160x128xi32, #tpu.memory_space<hbm>> -> memref<1x160x128xi32, #tpu.memory_space<hbm>>
      %dma_start3A_68 = tpu.memref_squeeze %dma_start3A_67 : memref<1x160x128xi32, #tpu.memory_space<hbm>> -> memref<160x128xi32, #tpu.memory_space<hbm>>
      tpu.enqueue_dma source(%dma_start3A_68 : memref<160x128xi32, #tpu.memory_space<hbm>>) target(%arg6 : memref<160x128xi32, #tpu.memory_space<vmem>>) target_semaphore(%run_scoped3A : memref<!tpu.dma_semaphore, #tpu.memory_space<semaphore_mem>>)
      %dma_wait3A_69 = arith.constant 0 : i32
      %dma_wait3A_70 = arith.constant 0 : i32
      %dma_wait3A_71 = tpu.memref_slice %arg3[%arg1, %dma_wait3A_69, %dma_wait3A_70] : memref<16x160x128xi32, #tpu.memory_space<hbm>> -> memref<1x160x128xi32, #tpu.memory_space<hbm>>
      %dma_wait3A_72 = tpu.memref_squeeze %dma_wait3A_71 : memref<1x160x128xi32, #tpu.memory_space<hbm>> -> memref<160x128xi32, #tpu.memory_space<hbm>>
      %dma_wait3A_73 = arith.constant 0 : i32
      %dma_wait3A_74 = arith.constant 0 : i32
      %dma_wait3A_75 = tpu.memref_slice %arg3[%arg1, %dma_wait3A_73, %dma_wait3A_74] : memref<16x160x128xi32, #tpu.memory_space<hbm>> -> memref<1x160x128xi32, #tpu.memory_space<hbm>>
      %dma_wait3A_76 = tpu.memref_squeeze %dma_wait3A_75 : memref<1x160x128xi32, #tpu.memory_space<hbm>> -> memref<160x128xi32, #tpu.memory_space<hbm>>
      tpu.wait_dma2 semaphore(%run_scoped3A : memref<!tpu.dma_semaphore, #tpu.memory_space<semaphore_mem>>) src(%dma_wait3A_76 : memref<160x128xi32, #tpu.memory_space<hbm>>) dst(%arg6 : memref<160x128xi32, #tpu.memory_space<vmem>>)
      tpu.yield
    }) : () -> ()
    "tpu.region"() ({
      %run_scoped3A = tpu.sem_alloc : memref<!tpu.dma_semaphore, #tpu.memory_space<semaphore_mem>>
      %dma_start3A_61 = arith.constant 0 : i32
      %dma_start3A_62 = arith.constant 0 : i32
      %dma_start3A_63 = tpu.memref_slice %arg4[%arg1, %dma_start3A_61, %dma_start3A_62] : memref<16x160x128xi32, #tpu.memory_space<hbm>> -> memref<1x160x128xi32, #tpu.memory_space<hbm>>
      %dma_start3A_64 = tpu.memref_squeeze %dma_start3A_63 : memref<1x160x128xi32, #tpu.memory_space<hbm>> -> memref<160x128xi32, #tpu.memory_space<hbm>>
      %dma_start3A_65 = arith.constant 0 : i32
      %dma_start3A_66 = arith.constant 0 : i32
      %dma_start3A_67 = tpu.memref_slice %arg4[%arg1, %dma_start3A_65, %dma_start3A_66] : memref<16x160x128xi32, #tpu.memory_space<hbm>> -> memref<1x160x128xi32, #tpu.memory_space<hbm>>
      %dma_start3A_68 = tpu.memref_squeeze %dma_start3A_67 : memref<1x160x128xi32, #tpu.memory_space<hbm>> -> memref<160x128xi32, #tpu.memory_space<hbm>>
      tpu.enqueue_dma source(%dma_start3A_68 : memref<160x128xi32, #tpu.memory_space<hbm>>) target(%arg7 : memref<160x128xi32, #tpu.memory_space<vmem>>) target_semaphore(%run_scoped3A : memref<!tpu.dma_semaphore, #tpu.memory_space<semaphore_mem>>)
      %dma_wait3A_69 = arith.constant 0 : i32
      %dma_wait3A_70 = arith.constant 0 : i32
      %dma_wait3A_71 = tpu.memref_slice %arg4[%arg1, %dma_wait3A_69, %dma_wait3A_70] : memref<16x160x128xi32, #tpu.memory_space<hbm>> -> memref<1x160x128xi32, #tpu.memory_space<hbm>>
      %dma_wait3A_72 = tpu.memref_squeeze %dma_wait3A_71 : memref<1x160x128xi32, #tpu.memory_space<hbm>> -> memref<160x128xi32, #tpu.memory_space<hbm>>
      %dma_wait3A_73 = arith.constant 0 : i32
      %dma_wait3A_74 = arith.constant 0 : i32
      %dma_wait3A_75 = tpu.memref_slice %arg4[%arg1, %dma_wait3A_73, %dma_wait3A_74] : memref<16x160x128xi32, #tpu.memory_space<hbm>> -> memref<1x160x128xi32, #tpu.memory_space<hbm>>
      %dma_wait3A_76 = tpu.memref_squeeze %dma_wait3A_75 : memref<1x160x128xi32, #tpu.memory_space<hbm>> -> memref<160x128xi32, #tpu.memory_space<hbm>>
      tpu.wait_dma2 semaphore(%run_scoped3A : memref<!tpu.dma_semaphore, #tpu.memory_space<semaphore_mem>>) src(%dma_wait3A_76 : memref<160x128xi32, #tpu.memory_space<hbm>>) dst(%arg7 : memref<160x128xi32, #tpu.memory_space<vmem>>)
      tpu.yield
    }) : () -> ()
    %dma_start3A = arith.constant 0 : i32
    %dma_start3A_0 = arith.constant 0 : i32
    %dma_start3A_1 = tpu.memref_slice %arg6[%dma_start3A, %dma_start3A_0] : memref<160x128xi32, #tpu.memory_space<vmem>> -> memref<1x128xi32, #tpu.memory_space<vmem>>
    %dma_start3A_2 = tpu.memref_squeeze %dma_start3A_1 : memref<1x128xi32, #tpu.memory_space<vmem>> -> memref<128xi32, #tpu.memory_space<vmem>>
    %dma_start3A_3 = arith.constant 0 : i32
    %dma_start3A_4 = arith.constant 0 : i32
    %dma_start3A_5 = tpu.memref_slice %arg2[%arg0, %dma_start3A_3, %dma_start3A_4] : memref<2x10000x64xf32, #tpu.memory_space<hbm>> -> memref<1x10000x64xf32, #tpu.memory_space<hbm>>
    %dma_start3A_6 = tpu.memref_squeeze %dma_start3A_5 : memref<1x10000x64xf32, #tpu.memory_space<hbm>> -> memref<10000x64xf32, #tpu.memory_space<hbm>>
    %dma_start3A_7 = arith.constant 0 : i32
    %dma_start3A_8 = arith.constant 0 : i32
    %dma_start3A_9 = tpu.memref_slice %dma_start3A_6[%dma_start3A_7, %dma_start3A_8] : memref<10000x64xf32, #tpu.memory_space<hbm>> -> memref<10000x64xf32, #tpu.memory_space<hbm>>
    tpu.enqueue_indirect_dma source(%dma_start3A_9 : memref<10000x64xf32, #tpu.memory_space<hbm>>) target(%arg8 : memref<128x64xf32, #tpu.memory_space<vmem>>) offsets(%dma_start3A_2 : memref<128xi32, #tpu.memory_space<vmem>>) semaphore(%arg14 : memref<!tpu.dma_semaphore, #tpu.memory_space<semaphore_mem>>)
    %dma_start3A_10 = arith.constant 1 : i32
    %dma_start3A_11 = arith.constant 0 : i32
    %dma_start3A_12 = tpu.memref_slice %arg6[%dma_start3A_10, %dma_start3A_11] : memref<160x128xi32, #tpu.memory_space<vmem>> -> memref<1x128xi32, #tpu.memory_space<vmem>>
    %dma_start3A_13 = tpu.memref_squeeze %dma_start3A_12 : memref<1x128xi32, #tpu.memory_space<vmem>> -> memref<128xi32, #tpu.memory_space<vmem>>
    %dma_start3A_14 = arith.constant 0 : i32
    %dma_start3A_15 = arith.constant 0 : i32
    %dma_start3A_16 = tpu.memref_slice %arg2[%arg0, %dma_start3A_14, %dma_start3A_15] : memref<2x10000x64xf32, #tpu.memory_space<hbm>> -> memref<1x10000x64xf32, #tpu.memory_space<hbm>>
    %dma_start3A_17 = tpu.memref_squeeze %dma_start3A_16 : memref<1x10000x64xf32, #tpu.memory_space<hbm>> -> memref<10000x64xf32, #tpu.memory_space<hbm>>
    %dma_start3A_18 = arith.constant 0 : i32
    %dma_start3A_19 = arith.constant 0 : i32
    %dma_start3A_20 = tpu.memref_slice %dma_start3A_17[%dma_start3A_18, %dma_start3A_19] : memref<10000x64xf32, #tpu.memory_space<hbm>> -> memref<10000x64xf32, #tpu.memory_space<hbm>>
    tpu.enqueue_indirect_dma source(%dma_start3A_20 : memref<10000x64xf32, #tpu.memory_space<hbm>>) target(%arg9 : memref<128x64xf32, #tpu.memory_space<vmem>>) offsets(%dma_start3A_13 : memref<128xi32, #tpu.memory_space<vmem>>) semaphore(%arg15 : memref<!tpu.dma_semaphore, #tpu.memory_space<semaphore_mem>>)
    %scan3A = arith.constant 0 : i32
    %scan3A_21 = arith.constant 0 : i32
    %scan3A_22 = arith.constant 128 : i32
    %scan3A_23 = arith.addi %scan3A_21, %scan3A_22 : i32
    %scan3A_24 = arith.constant 1 : i32
    scf.for %scan3A_61 = %scan3A_21 to %scan3A_23 step %scan3A_24  : i32 {
      %broadcast_in_dim3A = arith.constant 0.000000e+00 : f32
      %broadcast_in_dim3A_62 = vector.broadcast %broadcast_in_dim3A : f32 to vector<16xf32>
      %swap3A = arith.index_cast %scan3A_61 : i32 to index
      %swap3A_63 = arith.constant 0 : index
      %swap3A_64 = tpu.vector_load %arg12[%swap3A, %swap3A_63] {strides = array<i32>} : memref<128x64xf32, #tpu.memory_space<vmem>>, vector<1x16xf32>,
      %swap3A_65 = vector.shape_cast %swap3A_64 : vector<1x16xf32> to vector<16xf32>
      %swap3A_66 = vector.shape_cast %broadcast_in_dim3A_62 : vector<16xf32> to vector<1x16xf32>
      tpu.vector_store %arg12[%swap3A, %swap3A_63], %swap3A_66 {strides = array<i32>} : memref<128x64xf32, #tpu.memory_space<vmem>>, vector<1x16xf32>,
      %broadcast_in_dim3A_67 = arith.constant 0.000000e+00 : f32
      %broadcast_in_dim3A_68 = vector.broadcast %broadcast_in_dim3A_67 : f32 to vector<16xf32>
      %swap3A_69 = arith.index_cast %scan3A_61 : i32 to index
      %swap3A_70 = arith.constant 16 : index
      %swap3A_71 = tpu.vector_load %arg12[%swap3A_69, %swap3A_70] {strides = array<i32>} : memref<128x64xf32, #tpu.memory_space<vmem>>, vector<1x16xf32>,
      %swap3A_72 = vector.shape_cast %swap3A_71 : vector<1x16xf32> to vector<16xf32>
      %swap3A_73 = vector.shape_cast %broadcast_in_dim3A_68 : vector<16xf32> to vector<1x16xf32>
      tpu.vector_store %arg12[%swap3A_69, %swap3A_70], %swap3A_73 {strides = array<i32>} : memref<128x64xf32, #tpu.memory_space<vmem>>, vector<1x16xf32>,
      %broadcast_in_dim3A_74 = arith.constant 0.000000e+00 : f32
      %broadcast_in_dim3A_75 = vector.broadcast %broadcast_in_dim3A_74 : f32 to vector<16xf32>
      %swap3A_76 = arith.index_cast %scan3A_61 : i32 to index
      %swap3A_77 = arith.constant 32 : index
      %swap3A_78 = tpu.vector_load %arg12[%swap3A_76, %swap3A_77] {strides = array<i32>} : memref<128x64xf32, #tpu.memory_space<vmem>>, vector<1x16xf32>,
      %swap3A_79 = vector.shape_cast %swap3A_78 : vector<1x16xf32> to vector<16xf32>
      %swap3A_80 = vector.shape_cast %broadcast_in_dim3A_75 : vector<16xf32> to vector<1x16xf32>
      tpu.vector_store %arg12[%swap3A_76, %swap3A_77], %swap3A_80 {strides = array<i32>} : memref<128x64xf32, #tpu.memory_space<vmem>>, vector<1x16xf32>,
      %broadcast_in_dim3A_81 = arith.constant 0.000000e+00 : f32
      %broadcast_in_dim3A_82 = vector.broadcast %broadcast_in_dim3A_81 : f32 to vector<16xf32>
      %swap3A_83 = arith.index_cast %scan3A_61 : i32 to index
      %swap3A_84 = arith.constant 48 : index
      %swap3A_85 = tpu.vector_load %arg12[%swap3A_83, %swap3A_84] {strides = array<i32>} : memref<128x64xf32, #tpu.memory_space<vmem>>, vector<1x16xf32>,
      %swap3A_86 = vector.shape_cast %swap3A_85 : vector<1x16xf32> to vector<16xf32>
      %swap3A_87 = vector.shape_cast %broadcast_in_dim3A_82 : vector<16xf32> to vector<1x16xf32>
      tpu.vector_store %arg12[%swap3A_83, %swap3A_84], %swap3A_87 {strides = array<i32>} : memref<128x64xf32, #tpu.memory_space<vmem>>, vector<1x16xf32>,
    }
    %scan3A_25 = arith.constant 128 : i32
    %mul3A = arith.constant 640 : i32
    %mul3A_26 = arith.muli %arg1, %mul3A : i32
    %add3A = arith.constant 0 : i32
    %add3A_27 = arith.addi %mul3A_26, %add3A : i32
    "tpu.region"() ({
      %run_scoped3A = tpu.sem_alloc : memref<!tpu.dma_semaphore, #tpu.memory_space<semaphore_mem>>
      %dma_start3A_61 = arith.constant 0 : i32
      %dma_start3A_62 = tpu.memref_slice %arg13[%add3A_27, %dma_start3A_61] : memref<10240x64xf32, #tpu.memory_space<vmem_shared>> -> memref<128x64xf32, #tpu.memory_space<vmem_shared>>
      %dma_start3A_63 = arith.constant 0 : i32
      %dma_start3A_64 = tpu.memref_slice %arg13[%add3A_27, %dma_start3A_63] : memref<10240x64xf32, #tpu.memory_space<vmem_shared>> -> memref<128x64xf32, #tpu.memory_space<vmem_shared>>
      tpu.enqueue_dma source(%arg12 : memref<128x64xf32, #tpu.memory_space<vmem>>) target(%dma_start3A_64 : memref<128x64xf32, #tpu.memory_space<vmem_shared>>) target_semaphore(%run_scoped3A : memref<!tpu.dma_semaphore, #tpu.memory_space<semaphore_mem>>)
      %dma_wait3A_65 = arith.constant 0 : i32
      %dma_wait3A_66 = tpu.memref_slice %arg13[%add3A_27, %dma_wait3A_65] : memref<10240x64xf32, #tpu.memory_space<vmem_shared>> -> memref<128x64xf32, #tpu.memory_space<vmem_shared>>
      %dma_wait3A_67 = arith.constant 0 : i32
      %dma_wait3A_68 = tpu.memref_slice %arg13[%add3A_27, %dma_wait3A_67] : memref<10240x64xf32, #tpu.memory_space<vmem_shared>> -> memref<128x64xf32, #tpu.memory_space<vmem_shared>>
      tpu.wait_dma2 semaphore(%run_scoped3A : memref<!tpu.dma_semaphore, #tpu.memory_space<semaphore_mem>>) src(%arg12 : memref<128x64xf32, #tpu.memory_space<vmem>>) dst(%dma_wait3A_68 : memref<128x64xf32, #tpu.memory_space<vmem_shared>>)
      tpu.yield
    }) : () -> ()
    %mul3A_28 = arith.constant 640 : i32
    %mul3A_29 = arith.muli %arg1, %mul3A_28 : i32
    %add3A_30 = arith.constant 128 : i32
    %add3A_31 = arith.addi %mul3A_29, %add3A_30 : i32
    "tpu.region"() ({
      %run_scoped3A = tpu.sem_alloc : memref<!tpu.dma_semaphore, #tpu.memory_space<semaphore_mem>>
      %dma_start3A_61 = arith.constant 0 : i32
      %dma_start3A_62 = tpu.memref_slice %arg13[%add3A_31, %dma_start3A_61] : memref<10240x64xf32, #tpu.memory_space<vmem_shared>> -> memref<128x64xf32, #tpu.memory_space<vmem_shared>>
      %dma_start3A_63 = arith.constant 0 : i32
      %dma_start3A_64 = tpu.memref_slice %arg13[%add3A_31, %dma_start3A_63] : memref<10240x64xf32, #tpu.memory_space<vmem_shared>> -> memref<128x64xf32, #tpu.memory_space<vmem_shared>>
      tpu.enqueue_dma source(%arg12 : memref<128x64xf32, #tpu.memory_space<vmem>>) target(%dma_start3A_64 : memref<128x64xf32, #tpu.memory_space<vmem_shared>>) target_semaphore(%run_scoped3A : memref<!tpu.dma_semaphore, #tpu.memory_space<semaphore_mem>>)
      %dma_wait3A_65 = arith.constant 0 : i32
      %dma_wait3A_66 = tpu.memref_slice %arg13[%add3A_31, %dma_wait3A_65] : memref<10240x64xf32, #tpu.memory_space<vmem_shared>> -> memref<128x64xf32, #tpu.memory_space<vmem_shared>>
      %dma_wait3A_67 = arith.constant 0 : i32
      %dma_wait3A_68 = tpu.memref_slice %arg13[%add3A_31, %dma_wait3A_67] : memref<10240x64xf32, #tpu.memory_space<vmem_shared>> -> memref<128x64xf32, #tpu.memory_space<vmem_shared>>
      tpu.wait_dma2 semaphore(%run_scoped3A : memref<!tpu.dma_semaphore, #tpu.memory_space<semaphore_mem>>) src(%arg12 : memref<128x64xf32, #tpu.memory_space<vmem>>) dst(%dma_wait3A_68 : memref<128x64xf32, #tpu.memory_space<vmem_shared>>)
      tpu.yield
    }) : () -> ()
    %mul3A_32 = arith.constant 640 : i32
    %mul3A_33 = arith.muli %arg1, %mul3A_32 : i32
    %add3A_34 = arith.constant 256 : i32
    %add3A_35 = arith.addi %mul3A_33, %add3A_34 : i32
    "tpu.region"() ({
      %run_scoped3A = tpu.sem_alloc : memref<!tpu.dma_semaphore, #tpu.memory_space<semaphore_mem>>
      %dma_start3A_61 = arith.constant 0 : i32
      %dma_start3A_62 = tpu.memref_slice %arg13[%add3A_35, %dma_start3A_61] : memref<10240x64xf32, #tpu.memory_space<vmem_shared>> -> memref<128x64xf32, #tpu.memory_space<vmem_shared>>
      %dma_start3A_63 = arith.constant 0 : i32
      %dma_start3A_64 = tpu.memref_slice %arg13[%add3A_35, %dma_start3A_63] : memref<10240x64xf32, #tpu.memory_space<vmem_shared>> -> memref<128x64xf32, #tpu.memory_space<vmem_shared>>
      tpu.enqueue_dma source(%arg12 : memref<128x64xf32, #tpu.memory_space<vmem>>) target(%dma_start3A_64 : memref<128x64xf32, #tpu.memory_space<vmem_shared>>) target_semaphore(%run_scoped3A : memref<!tpu.dma_semaphore, #tpu.memory_space<semaphore_mem>>)
      %dma_wait3A_65 = arith.constant 0 : i32
      %dma_wait3A_66 = tpu.memref_slice %arg13[%add3A_35, %dma_wait3A_65] : memref<10240x64xf32, #tpu.memory_space<vmem_shared>> -> memref<128x64xf32, #tpu.memory_space<vmem_shared>>
      %dma_wait3A_67 = arith.constant 0 : i32
      %dma_wait3A_68 = tpu.memref_slice %arg13[%add3A_35, %dma_wait3A_67] : memref<10240x64xf32, #tpu.memory_space<vmem_shared>> -> memref<128x64xf32, #tpu.memory_space<vmem_shared>>
      tpu.wait_dma2 semaphore(%run_scoped3A : memref<!tpu.dma_semaphore, #tpu.memory_space<semaphore_mem>>) src(%arg12 : memref<128x64xf32, #tpu.memory_space<vmem>>) dst(%dma_wait3A_68 : memref<128x64xf32, #tpu.memory_space<vmem_shared>>)
      tpu.yield
    }) : () -> ()
    %mul3A_36 = arith.constant 640 : i32
    %mul3A_37 = arith.muli %arg1, %mul3A_36 : i32
    %add3A_38 = arith.constant 384 : i32
    %add3A_39 = arith.addi %mul3A_37, %add3A_38 : i32
    "tpu.region"() ({
      %run_scoped3A = tpu.sem_alloc : memref<!tpu.dma_semaphore, #tpu.memory_space<semaphore_mem>>
      %dma_start3A_61 = arith.constant 0 : i32
      %dma_start3A_62 = tpu.memref_slice %arg13[%add3A_39, %dma_start3A_61] : memref<10240x64xf32, #tpu.memory_space<vmem_shared>> -> memref<128x64xf32, #tpu.memory_space<vmem_shared>>
      %dma_start3A_63 = arith.constant 0 : i32
      %dma_start3A_64 = tpu.memref_slice %arg13[%add3A_39, %dma_start3A_63] : memref<10240x64xf32, #tpu.memory_space<vmem_shared>> -> memref<128x64xf32, #tpu.memory_space<vmem_shared>>
      tpu.enqueue_dma source(%arg12 : memref<128x64xf32, #tpu.memory_space<vmem>>) target(%dma_start3A_64 : memref<128x64xf32, #tpu.memory_space<vmem_shared>>) target_semaphore(%run_scoped3A : memref<!tpu.dma_semaphore, #tpu.memory_space<semaphore_mem>>)
      %dma_wait3A_65 = arith.constant 0 : i32
      %dma_wait3A_66 = tpu.memref_slice %arg13[%add3A_39, %dma_wait3A_65] : memref<10240x64xf32, #tpu.memory_space<vmem_shared>> -> memref<128x64xf32, #tpu.memory_space<vmem_shared>>
      %dma_wait3A_67 = arith.constant 0 : i32
      %dma_wait3A_68 = tpu.memref_slice %arg13[%add3A_39, %dma_wait3A_67] : memref<10240x64xf32, #tpu.memory_space<vmem_shared>> -> memref<128x64xf32, #tpu.memory_space<vmem_shared>>
      tpu.wait_dma2 semaphore(%run_scoped3A : memref<!tpu.dma_semaphore, #tpu.memory_space<semaphore_mem>>) src(%arg12 : memref<128x64xf32, #tpu.memory_space<vmem>>) dst(%dma_wait3A_68 : memref<128x64xf32, #tpu.memory_space<vmem_shared>>)
      tpu.yield
    }) : () -> ()
    %mul3A_40 = arith.constant 640 : i32
    %mul3A_41 = arith.muli %arg1, %mul3A_40 : i32
    %add3A_42 = arith.constant 512 : i32
    %add3A_43 = arith.addi %mul3A_41, %add3A_42 : i32
    "tpu.region"() ({
      %run_scoped3A = tpu.sem_alloc : memref<!tpu.dma_semaphore, #tpu.memory_space<semaphore_mem>>
      %dma_start3A_61 = arith.constant 0 : i32
      %dma_start3A_62 = tpu.memref_slice %arg13[%add3A_43, %dma_start3A_61] : memref<10240x64xf32, #tpu.memory_space<vmem_shared>> -> memref<128x64xf32, #tpu.memory_space<vmem_shared>>
      %dma_start3A_63 = arith.constant 0 : i32
      %dma_start3A_64 = tpu.memref_slice %arg13[%add3A_43, %dma_start3A_63] : memref<10240x64xf32, #tpu.memory_space<vmem_shared>> -> memref<128x64xf32, #tpu.memory_space<vmem_shared>>
      tpu.enqueue_dma source(%arg12 : memref<128x64xf32, #tpu.memory_space<vmem>>) target(%dma_start3A_64 : memref<128x64xf32, #tpu.memory_space<vmem_shared>>) target_semaphore(%run_scoped3A : memref<!tpu.dma_semaphore, #tpu.memory_space<semaphore_mem>>)
      %dma_wait3A_65 = arith.constant 0 : i32
      %dma_wait3A_66 = tpu.memref_slice %arg13[%add3A_43, %dma_wait3A_65] : memref<10240x64xf32, #tpu.memory_space<vmem_shared>> -> memref<128x64xf32, #tpu.memory_space<vmem_shared>>
      %dma_wait3A_67 = arith.constant 0 : i32
      %dma_wait3A_68 = tpu.memref_slice %arg13[%add3A_43, %dma_wait3A_67] : memref<10240x64xf32, #tpu.memory_space<vmem_shared>> -> memref<128x64xf32, #tpu.memory_space<vmem_shared>>
      tpu.wait_dma2 semaphore(%run_scoped3A : memref<!tpu.dma_semaphore, #tpu.memory_space<semaphore_mem>>) src(%arg12 : memref<128x64xf32, #tpu.memory_space<vmem>>) dst(%dma_wait3A_68 : memref<128x64xf32, #tpu.memory_space<vmem_shared>>)
      tpu.yield
    }) : () -> ()
    %barrier3A = arith.constant 0 : index
    tpu.barrier barrier_id(%barrier3A)
    %scan3A_44 = arith.constant 0 : i32
    %scan3A_45 = arith.constant 0 : i32
    %scan3A_46 = arith.constant 40 : i32
    %scan3A_47 = arith.addi %scan3A_45, %scan3A_46 : i32
    %scan3A_48 = arith.constant 1 : i32
    scf.for %scan3A_61 = %scan3A_45 to %scan3A_47 step %scan3A_48  : i32 {
      %mul3A_62 = arith.constant 4 : i32
      %mul3A_63 = arith.muli %mul3A_62, %scan3A_61 : i32
      %add3A_64 = arith.constant 0 : i32
      %add3A_65 = arith.addi %mul3A_63, %add3A_64 : i32
      %dma_wait3A_66 = arith.constant 0 : i32
      %dma_wait3A_67 = tpu.memref_slice %arg6[%add3A_65, %dma_wait3A_66] : memref<160x128xi32, #tpu.memory_space<vmem>> -> memref<1x128xi32, #tpu.memory_space<vmem>>
      %dma_wait3A_68 = tpu.memref_squeeze %dma_wait3A_67 : memref<1x128xi32, #tpu.memory_space<vmem>> -> memref<128xi32, #tpu.memory_space<vmem>>
      %dma_wait3A_69 = arith.constant 0 : i32
      %dma_wait3A_70 = arith.constant 0 : i32
      %dma_wait3A_71 = tpu.memref_slice %arg2[%arg0, %dma_wait3A_69, %dma_wait3A_70] : memref<2x10000x64xf32, #tpu.memory_space<hbm>> -> memref<1x10000x64xf32, #tpu.memory_space<hbm>>
      %dma_wait3A_72 = tpu.memref_squeeze %dma_wait3A_71 : memref<1x10000x64xf32, #tpu.memory_space<hbm>> -> memref<10000x64xf32, #tpu.memory_space<hbm>>
      %dma_wait3A_73 = arith.constant 0 : i32
      %dma_wait3A_74 = arith.constant 0 : i32
      %dma_wait3A_75 = tpu.memref_slice %dma_wait3A_72[%dma_wait3A_73, %dma_wait3A_74] : memref<10000x64xf32, #tpu.memory_space<hbm>> -> memref<10000x64xf32, #tpu.memory_space<hbm>>
      tpu.wait_indirect_dma semaphore(%arg14 : memref<!tpu.dma_semaphore, #tpu.memory_space<semaphore_mem>>) src(%dma_wait3A_75 : memref<10000x64xf32, #tpu.memory_space<hbm>>) dst(%arg8 : memref<128x64xf32, #tpu.memory_space<vmem>>)
      %gt3A = arith.constant 0 : i32
      %gt3A_76 = arith.cmpi sgt, %scan3A_61, %gt3A : i32
      %convert_element_type3A = arith.extui %gt3A_76 : i1 to i32
      %cond3A = arith.constant 0 : i32
      %cond3A_77 = arith.cmpi ne, %convert_element_type3A, %cond3A : i32
      scf.if %cond3A_77 {
        %sub3A_198 = arith.constant 1 : i32
        %sub3A_199 = arith.subi %add3A_65, %sub3A_198 : i32
        %dma_wait3A_200 = arith.constant 0 : i32
        %dma_wait3A_201 = tpu.memref_slice %arg7[%sub3A_199, %dma_wait3A_200] : memref<160x128xi32, #tpu.memory_space<vmem>> -> memref<1x128xi32, #tpu.memory_space<vmem>>
        %dma_wait3A_202 = tpu.memref_squeeze %dma_wait3A_201 : memref<1x128xi32, #tpu.memory_space<vmem>> -> memref<128xi32, #tpu.memory_space<vmem>>
        %dma_wait3A_203 = arith.constant 0 : i32
        %dma_wait3A_204 = arith.constant 0 : i32
        %dma_wait3A_205 = tpu.memref_slice %arg13[%dma_wait3A_203, %dma_wait3A_204] : memref<10240x64xf32, #tpu.memory_space<vmem_shared>> -> memref<10240x64xf32, #tpu.memory_space<vmem_shared>>
        tpu.wait_indirect_dma semaphore(%arg21 : memref<!tpu.dma_semaphore, #tpu.memory_space<semaphore_mem>>) src(%arg11 : memref<128x64xf32, #tpu.memory_space<vmem>>) dst(%dma_wait3A_205 : memref<10240x64xf32, #tpu.memory_space<vmem_shared>>)
      } else {
      }
      %dma_start3A_78 = arith.constant 0 : i32
      %dma_start3A_79 = tpu.memref_slice %arg7[%add3A_65, %dma_start3A_78] : memref<160x128xi32, #tpu.memory_space<vmem>> -> memref<1x128xi32, #tpu.memory_space<vmem>>
      %dma_start3A_80 = tpu.memref_squeeze %dma_start3A_79 : memref<1x128xi32, #tpu.memory_space<vmem>> -> memref<128xi32, #tpu.memory_space<vmem>>
      %dma_start3A_81 = arith.constant 0 : i32
      %dma_start3A_82 = arith.constant 0 : i32
      %dma_start3A_83 = tpu.memref_slice %arg13[%dma_start3A_81, %dma_start3A_82] : memref<10240x64xf32, #tpu.memory_space<vmem_shared>> -> memref<10240x64xf32, #tpu.memory_space<vmem_shared>>
      tpu.enqueue_indirect_dma source(%arg8 : memref<128x64xf32, #tpu.memory_space<vmem>>) target(%dma_start3A_83 : memref<10240x64xf32, #tpu.memory_space<vmem_shared>>) offsets(%dma_start3A_80 : memref<128xi32, #tpu.memory_space<vmem>>) semaphore(%arg18 : memref<!tpu.dma_semaphore, #tpu.memory_space<semaphore_mem>>) {add = true}
      %add3A_84 = arith.constant 2 : i32
      %add3A_85 = arith.addi %add3A_65, %add3A_84 : i32
      %dma_start3A_86 = arith.constant 0 : i32
      %dma_start3A_87 = tpu.memref_slice %arg6[%add3A_85, %dma_start3A_86] : memref<160x128xi32, #tpu.memory_space<vmem>> -> memref<1x128xi32, #tpu.memory_space<vmem>>
      %dma_start3A_88 = tpu.memref_squeeze %dma_start3A_87 : memref<1x128xi32, #tpu.memory_space<vmem>> -> memref<128xi32, #tpu.memory_space<vmem>>
      %dma_start3A_89 = arith.constant 0 : i32
      %dma_start3A_90 = arith.constant 0 : i32
      %dma_start3A_91 = tpu.memref_slice %arg2[%arg0, %dma_start3A_89, %dma_start3A_90] : memref<2x10000x64xf32, #tpu.memory_space<hbm>> -> memref<1x10000x64xf32, #tpu.memory_space<hbm>>
      %dma_start3A_92 = tpu.memref_squeeze %dma_start3A_91 : memref<1x10000x64xf32, #tpu.memory_space<hbm>> -> memref<10000x64xf32, #tpu.memory_space<hbm>>
      %dma_start3A_93 = arith.constant 0 : i32
      %dma_start3A_94 = arith.constant 0 : i32
      %dma_start3A_95 = tpu.memref_slice %dma_start3A_92[%dma_start3A_93, %dma_start3A_94] : memref<10000x64xf32, #tpu.memory_space<hbm>> -> memref<10000x64xf32, #tpu.memory_space<hbm>>
      tpu.enqueue_indirect_dma source(%dma_start3A_95 : memref<10000x64xf32, #tpu.memory_space<hbm>>) target(%arg10 : memref<128x64xf32, #tpu.memory_space<vmem>>) offsets(%dma_start3A_88 : memref<128xi32, #tpu.memory_space<vmem>>) semaphore(%arg16 : memref<!tpu.dma_semaphore, #tpu.memory_space<semaphore_mem>>)
      %add3A_96 = arith.constant 1 : i32
      %add3A_97 = arith.addi %mul3A_63, %add3A_96 : i32
      %dma_wait3A_98 = arith.constant 0 : i32
      %dma_wait3A_99 = tpu.memref_slice %arg6[%add3A_97, %dma_wait3A_98] : memref<160x128xi32, #tpu.memory_space<vmem>> -> memref<1x128xi32, #tpu.memory_space<vmem>>
      %dma_wait3A_100 = tpu.memref_squeeze %dma_wait3A_99 : memref<1x128xi32, #tpu.memory_space<vmem>> -> memref<128xi32, #tpu.memory_space<vmem>>
      %dma_wait3A_101 = arith.constant 0 : i32
      %dma_wait3A_102 = arith.constant 0 : i32
      %dma_wait3A_103 = tpu.memref_slice %arg2[%arg0, %dma_wait3A_101, %dma_wait3A_102] : memref<2x10000x64xf32, #tpu.memory_space<hbm>> -> memref<1x10000x64xf32, #tpu.memory_space<hbm>>
      %dma_wait3A_104 = tpu.memref_squeeze %dma_wait3A_103 : memref<1x10000x64xf32, #tpu.memory_space<hbm>> -> memref<10000x64xf32, #tpu.memory_space<hbm>>
      %dma_wait3A_105 = arith.constant 0 : i32
      %dma_wait3A_106 = arith.constant 0 : i32
      %dma_wait3A_107 = tpu.memref_slice %dma_wait3A_104[%dma_wait3A_105, %dma_wait3A_106] : memref<10000x64xf32, #tpu.memory_space<hbm>> -> memref<10000x64xf32, #tpu.memory_space<hbm>>
      tpu.wait_indirect_dma semaphore(%arg15 : memref<!tpu.dma_semaphore, #tpu.memory_space<semaphore_mem>>) src(%dma_wait3A_107 : memref<10000x64xf32, #tpu.memory_space<hbm>>) dst(%arg9 : memref<128x64xf32, #tpu.memory_space<vmem>>)
      %sub3A = arith.constant 1 : i32
      %sub3A_108 = arith.subi %add3A_97, %sub3A : i32
      %dma_wait3A_109 = arith.constant 0 : i32
      %dma_wait3A_110 = tpu.memref_slice %arg7[%sub3A_108, %dma_wait3A_109] : memref<160x128xi32, #tpu.memory_space<vmem>> -> memref<1x128xi32, #tpu.memory_space<vmem>>
      %dma_wait3A_111 = tpu.memref_squeeze %dma_wait3A_110 : memref<1x128xi32, #tpu.memory_space<vmem>> -> memref<128xi32, #tpu.memory_space<vmem>>
      %dma_wait3A_112 = arith.constant 0 : i32
      %dma_wait3A_113 = arith.constant 0 : i32
      %dma_wait3A_114 = tpu.memref_slice %arg13[%dma_wait3A_112, %dma_wait3A_113] : memref<10240x64xf32, #tpu.memory_space<vmem_shared>> -> memref<10240x64xf32, #tpu.memory_space<vmem_shared>>
      tpu.wait_indirect_dma semaphore(%arg18 : memref<!tpu.dma_semaphore, #tpu.memory_space<semaphore_mem>>) src(%arg8 : memref<128x64xf32, #tpu.memory_space<vmem>>) dst(%dma_wait3A_114 : memref<10240x64xf32, #tpu.memory_space<vmem_shared>>)
      %dma_start3A_115 = arith.constant 0 : i32
      %dma_start3A_116 = tpu.memref_slice %arg7[%add3A_97, %dma_start3A_115] : memref<160x128xi32, #tpu.memory_space<vmem>> -> memref<1x128xi32, #tpu.memory_space<vmem>>
      %dma_start3A_117 = tpu.memref_squeeze %dma_start3A_116 : memref<1x128xi32, #tpu.memory_space<vmem>> -> memref<128xi32, #tpu.memory_space<vmem>>
      %dma_start3A_118 = arith.constant 0 : i32
      %dma_start3A_119 = arith.constant 0 : i32
      %dma_start3A_120 = tpu.memref_slice %arg13[%dma_start3A_118, %dma_start3A_119] : memref<10240x64xf32, #tpu.memory_space<vmem_shared>> -> memref<10240x64xf32, #tpu.memory_space<vmem_shared>>
      tpu.enqueue_indirect_dma source(%arg9 : memref<128x64xf32, #tpu.memory_space<vmem>>) target(%dma_start3A_120 : memref<10240x64xf32, #tpu.memory_space<vmem_shared>>) offsets(%dma_start3A_117 : memref<128xi32, #tpu.memory_space<vmem>>) semaphore(%arg19 : memref<!tpu.dma_semaphore, #tpu.memory_space<semaphore_mem>>) {add = true}
      %add3A_121 = arith.constant 2 : i32
      %add3A_122 = arith.addi %add3A_97, %add3A_121 : i32
      %dma_start3A_123 = arith.constant 0 : i32
      %dma_start3A_124 = tpu.memref_slice %arg6[%add3A_122, %dma_start3A_123] : memref<160x128xi32, #tpu.memory_space<vmem>> -> memref<1x128xi32, #tpu.memory_space<vmem>>
      %dma_start3A_125 = tpu.memref_squeeze %dma_start3A_124 : memref<1x128xi32, #tpu.memory_space<vmem>> -> memref<128xi32, #tpu.memory_space<vmem>>
      %dma_start3A_126 = arith.constant 0 : i32
      %dma_start3A_127 = arith.constant 0 : i32
      %dma_start3A_128 = tpu.memref_slice %arg2[%arg0, %dma_start3A_126, %dma_start3A_127] : memref<2x10000x64xf32, #tpu.memory_space<hbm>> -> memref<1x10000x64xf32, #tpu.memory_space<hbm>>
      %dma_start3A_129 = tpu.memref_squeeze %dma_start3A_128 : memref<1x10000x64xf32, #tpu.memory_space<hbm>> -> memref<10000x64xf32, #tpu.memory_space<hbm>>
      %dma_start3A_130 = arith.constant 0 : i32
      %dma_start3A_131 = arith.constant 0 : i32
      %dma_start3A_132 = tpu.memref_slice %dma_start3A_129[%dma_start3A_130, %dma_start3A_131] : memref<10000x64xf32, #tpu.memory_space<hbm>> -> memref<10000x64xf32, #tpu.memory_space<hbm>>
      tpu.enqueue_indirect_dma source(%dma_start3A_132 : memref<10000x64xf32, #tpu.memory_space<hbm>>) target(%arg11 : memref<128x64xf32, #tpu.memory_space<vmem>>) offsets(%dma_start3A_125 : memref<128xi32, #tpu.memory_space<vmem>>) semaphore(%arg17 : memref<!tpu.dma_semaphore, #tpu.memory_space<semaphore_mem>>)
      %add3A_133 = arith.constant 2 : i32
      %add3A_134 = arith.addi %mul3A_63, %add3A_133 : i32
      %dma_wait3A_135 = arith.constant 0 : i32
      %dma_wait3A_136 = tpu.memref_slice %arg6[%add3A_134, %dma_wait3A_135] : memref<160x128xi32, #tpu.memory_space<vmem>> -> memref<1x128xi32, #tpu.memory_space<vmem>>
      %dma_wait3A_137 = tpu.memref_squeeze %dma_wait3A_136 : memref<1x128xi32, #tpu.memory_space<vmem>> -> memref<128xi32, #tpu.memory_space<vmem>>
      %dma_wait3A_138 = arith.constant 0 : i32
      %dma_wait3A_139 = arith.constant 0 : i32
      %dma_wait3A_140 = tpu.memref_slice %arg2[%arg0, %dma_wait3A_138, %dma_wait3A_139] : memref<2x10000x64xf32, #tpu.memory_space<hbm>> -> memref<1x10000x64xf32, #tpu.memory_space<hbm>>
      %dma_wait3A_141 = tpu.memref_squeeze %dma_wait3A_140 : memref<1x10000x64xf32, #tpu.memory_space<hbm>> -> memref<10000x64xf32, #tpu.memory_space<hbm>>
      %dma_wait3A_142 = arith.constant 0 : i32
      %dma_wait3A_143 = arith.constant 0 : i32
      %dma_wait3A_144 = tpu.memref_slice %dma_wait3A_141[%dma_wait3A_142, %dma_wait3A_143] : memref<10000x64xf32, #tpu.memory_space<hbm>> -> memref<10000x64xf32, #tpu.memory_space<hbm>>
      tpu.wait_indirect_dma semaphore(%arg16 : memref<!tpu.dma_semaphore, #tpu.memory_space<semaphore_mem>>) src(%dma_wait3A_144 : memref<10000x64xf32, #tpu.memory_space<hbm>>) dst(%arg10 : memref<128x64xf32, #tpu.memory_space<vmem>>)
      %sub3A_145 = arith.constant 1 : i32
      %sub3A_146 = arith.subi %add3A_134, %sub3A_145 : i32
      %dma_wait3A_147 = arith.constant 0 : i32
      %dma_wait3A_148 = tpu.memref_slice %arg7[%sub3A_146, %dma_wait3A_147] : memref<160x128xi32, #tpu.memory_space<vmem>> -> memref<1x128xi32, #tpu.memory_space<vmem>>
      %dma_wait3A_149 = tpu.memref_squeeze %dma_wait3A_148 : memref<1x128xi32, #tpu.memory_space<vmem>> -> memref<128xi32, #tpu.memory_space<vmem>>
      %dma_wait3A_150 = arith.constant 0 : i32
      %dma_wait3A_151 = arith.constant 0 : i32
      %dma_wait3A_152 = tpu.memref_slice %arg13[%dma_wait3A_150, %dma_wait3A_151] : memref<10240x64xf32, #tpu.memory_space<vmem_shared>> -> memref<10240x64xf32, #tpu.memory_space<vmem_shared>>
      tpu.wait_indirect_dma semaphore(%arg19 : memref<!tpu.dma_semaphore, #tpu.memory_space<semaphore_mem>>) src(%arg9 : memref<128x64xf32, #tpu.memory_space<vmem>>) dst(%dma_wait3A_152 : memref<10240x64xf32, #tpu.memory_space<vmem_shared>>)
      %dma_start3A_153 = arith.constant 0 : i32
      %dma_start3A_154 = tpu.memref_slice %arg7[%add3A_134, %dma_start3A_153] : memref<160x128xi32, #tpu.memory_space<vmem>> -> memref<1x128xi32, #tpu.memory_space<vmem>>
      %dma_start3A_155 = tpu.memref_squeeze %dma_start3A_154 : memref<1x128xi32, #tpu.memory_space<vmem>> -> memref<128xi32, #tpu.memory_space<vmem>>
      %dma_start3A_156 = arith.constant 0 : i32
      %dma_start3A_157 = arith.constant 0 : i32
      %dma_start3A_158 = tpu.memref_slice %arg13[%dma_start3A_156, %dma_start3A_157] : memref<10240x64xf32, #tpu.memory_space<vmem_shared>> -> memref<10240x64xf32, #tpu.memory_space<vmem_shared>>
      tpu.enqueue_indirect_dma source(%arg10 : memref<128x64xf32, #tpu.memory_space<vmem>>) target(%dma_start3A_158 : memref<10240x64xf32, #tpu.memory_space<vmem_shared>>) offsets(%dma_start3A_155 : memref<128xi32, #tpu.memory_space<vmem>>) semaphore(%arg20 : memref<!tpu.dma_semaphore, #tpu.memory_space<semaphore_mem>>) {add = true}
      %add3A_159 = arith.constant 2 : i32
      %add3A_160 = arith.addi %add3A_134, %add3A_159 : i32
      %lt3A = arith.constant 160 : i32
      %lt3A_161 = arith.cmpi slt, %add3A_160, %lt3A : i32
      %convert_element_type3A_162 = arith.extui %lt3A_161 : i1 to i32
      %cond3A_163 = arith.constant 0 : i32
      %cond3A_164 = arith.cmpi ne, %convert_element_type3A_162, %cond3A_163 : i32
      scf.if %cond3A_164 {
        %add3A_198 = arith.constant 2 : i32
        %add3A_199 = arith.addi %add3A_134, %add3A_198 : i32
        %dma_start3A_200 = arith.constant 0 : i32
        %dma_start3A_201 = tpu.memref_slice %arg6[%add3A_199, %dma_start3A_200] : memref<160x128xi32, #tpu.memory_space<vmem>> -> memref<1x128xi32, #tpu.memory_space<vmem>>
        %dma_start3A_202 = tpu.memref_squeeze %dma_start3A_201 : memref<1x128xi32, #tpu.memory_space<vmem>> -> memref<128xi32, #tpu.memory_space<vmem>>
        %dma_start3A_203 = arith.constant 0 : i32
        %dma_start3A_204 = arith.constant 0 : i32
        %dma_start3A_205 = tpu.memref_slice %arg2[%arg0, %dma_start3A_203, %dma_start3A_204] : memref<2x10000x64xf32, #tpu.memory_space<hbm>> -> memref<1x10000x64xf32, #tpu.memory_space<hbm>>
        %dma_start3A_206 = tpu.memref_squeeze %dma_start3A_205 : memref<1x10000x64xf32, #tpu.memory_space<hbm>> -> memref<10000x64xf32, #tpu.memory_space<hbm>>
        %dma_start3A_207 = arith.constant 0 : i32
        %dma_start3A_208 = arith.constant 0 : i32
        %dma_start3A_209 = tpu.memref_slice %dma_start3A_206[%dma_start3A_207, %dma_start3A_208] : memref<10000x64xf32, #tpu.memory_space<hbm>> -> memref<10000x64xf32, #tpu.memory_space<hbm>>
        tpu.enqueue_indirect_dma source(%dma_start3A_209 : memref<10000x64xf32, #tpu.memory_space<hbm>>) target(%arg8 : memref<128x64xf32, #tpu.memory_space<vmem>>) offsets(%dma_start3A_202 : memref<128xi32, #tpu.memory_space<vmem>>) semaphore(%arg14 : memref<!tpu.dma_semaphore, #tpu.memory_space<semaphore_mem>>)
      } else {
      }
      %add3A_165 = arith.constant 3 : i32
      %add3A_166 = arith.addi %mul3A_63, %add3A_165 : i32
      %dma_wait3A_167 = arith.constant 0 : i32
      %dma_wait3A_168 = tpu.memref_slice %arg6[%add3A_166, %dma_wait3A_167] : memref<160x128xi32, #tpu.memory_space<vmem>> -> memref<1x128xi32, #tpu.memory_space<vmem>>
      %dma_wait3A_169 = tpu.memref_squeeze %dma_wait3A_168 : memref<1x128xi32, #tpu.memory_space<vmem>> -> memref<128xi32, #tpu.memory_space<vmem>>
      %dma_wait3A_170 = arith.constant 0 : i32
      %dma_wait3A_171 = arith.constant 0 : i32
      %dma_wait3A_172 = tpu.memref_slice %arg2[%arg0, %dma_wait3A_170, %dma_wait3A_171] : memref<2x10000x64xf32, #tpu.memory_space<hbm>> -> memref<1x10000x64xf32, #tpu.memory_space<hbm>>
      %dma_wait3A_173 = tpu.memref_squeeze %dma_wait3A_172 : memref<1x10000x64xf32, #tpu.memory_space<hbm>> -> memref<10000x64xf32, #tpu.memory_space<hbm>>
      %dma_wait3A_174 = arith.constant 0 : i32
      %dma_wait3A_175 = arith.constant 0 : i32
      %dma_wait3A_176 = tpu.memref_slice %dma_wait3A_173[%dma_wait3A_174, %dma_wait3A_175] : memref<10000x64xf32, #tpu.memory_space<hbm>> -> memref<10000x64xf32, #tpu.memory_space<hbm>>
      tpu.wait_indirect_dma semaphore(%arg17 : memref<!tpu.dma_semaphore, #tpu.memory_space<semaphore_mem>>) src(%dma_wait3A_176 : memref<10000x64xf32, #tpu.memory_space<hbm>>) dst(%arg11 : memref<128x64xf32, #tpu.memory_space<vmem>>)
      %sub3A_177 = arith.constant 1 : i32
      %sub3A_178 = arith.subi %add3A_166, %sub3A_177 : i32
      %dma_wait3A_179 = arith.constant 0 : i32
      %dma_wait3A_180 = tpu.memref_slice %arg7[%sub3A_178, %dma_wait3A_179] : memref<160x128xi32, #tpu.memory_space<vmem>> -> memref<1x128xi32, #tpu.memory_space<vmem>>
      %dma_wait3A_181 = tpu.memref_squeeze %dma_wait3A_180 : memref<1x128xi32, #tpu.memory_space<vmem>> -> memref<128xi32, #tpu.memory_space<vmem>>
      %dma_wait3A_182 = arith.constant 0 : i32
      %dma_wait3A_183 = arith.constant 0 : i32
      %dma_wait3A_184 = tpu.memref_slice %arg13[%dma_wait3A_182, %dma_wait3A_183] : memref<10240x64xf32, #tpu.memory_space<vmem_shared>> -> memref<10240x64xf32, #tpu.memory_space<vmem_shared>>
      tpu.wait_indirect_dma semaphore(%arg20 : memref<!tpu.dma_semaphore, #tpu.memory_space<semaphore_mem>>) src(%arg10 : memref<128x64xf32, #tpu.memory_space<vmem>>) dst(%dma_wait3A_184 : memref<10240x64xf32, #tpu.memory_space<vmem_shared>>)
      %dma_start3A_185 = arith.constant 0 : i32
      %dma_start3A_186 = tpu.memref_slice %arg7[%add3A_166, %dma_start3A_185] : memref<160x128xi32, #tpu.memory_space<vmem>> -> memref<1x128xi32, #tpu.memory_space<vmem>>
      %dma_start3A_187 = tpu.memref_squeeze %dma_start3A_186 : memref<1x128xi32, #tpu.memory_space<vmem>> -> memref<128xi32, #tpu.memory_space<vmem>>
      %dma_start3A_188 = arith.constant 0 : i32
      %dma_start3A_189 = arith.constant 0 : i32
      %dma_start3A_190 = tpu.memref_slice %arg13[%dma_start3A_188, %dma_start3A_189] : memref<10240x64xf32, #tpu.memory_space<vmem_shared>> -> memref<10240x64xf32, #tpu.memory_space<vmem_shared>>
      tpu.enqueue_indirect_dma source(%arg11 : memref<128x64xf32, #tpu.memory_space<vmem>>) target(%dma_start3A_190 : memref<10240x64xf32, #tpu.memory_space<vmem_shared>>) offsets(%dma_start3A_187 : memref<128xi32, #tpu.memory_space<vmem>>) semaphore(%arg21 : memref<!tpu.dma_semaphore, #tpu.memory_space<semaphore_mem>>) {add = true}
      %add3A_191 = arith.constant 2 : i32
      %add3A_192 = arith.addi %add3A_166, %add3A_191 : i32
      %lt3A_193 = arith.constant 160 : i32
      %lt3A_194 = arith.cmpi slt, %add3A_192, %lt3A_193 : i32
      %convert_element_type3A_195 = arith.extui %lt3A_194 : i1 to i32
      %cond3A_196 = arith.constant 0 : i32
      %cond3A_197 = arith.cmpi ne, %convert_element_type3A_195, %cond3A_196 : i32
      scf.if %cond3A_197 {
        %add3A_198 = arith.constant 2 : i32
        %add3A_199 = arith.addi %add3A_166, %add3A_198 : i32
        %dma_start3A_200 = arith.constant 0 : i32
        %dma_start3A_201 = tpu.memref_slice %arg6[%add3A_199, %dma_start3A_200] : memref<160x128xi32, #tpu.memory_space<vmem>> -> memref<1x128xi32, #tpu.memory_space<vmem>>
        %dma_start3A_202 = tpu.memref_squeeze %dma_start3A_201 : memref<1x128xi32, #tpu.memory_space<vmem>> -> memref<128xi32, #tpu.memory_space<vmem>>
        %dma_start3A_203 = arith.constant 0 : i32
        %dma_start3A_204 = arith.constant 0 : i32
        %dma_start3A_205 = tpu.memref_slice %arg2[%arg0, %dma_start3A_203, %dma_start3A_204] : memref<2x10000x64xf32, #tpu.memory_space<hbm>> -> memref<1x10000x64xf32, #tpu.memory_space<hbm>>
        %dma_start3A_206 = tpu.memref_squeeze %dma_start3A_205 : memref<1x10000x64xf32, #tpu.memory_space<hbm>> -> memref<10000x64xf32, #tpu.memory_space<hbm>>
        %dma_start3A_207 = arith.constant 0 : i32
        %dma_start3A_208 = arith.constant 0 : i32
        %dma_start3A_209 = tpu.memref_slice %dma_start3A_206[%dma_start3A_207, %dma_start3A_208] : memref<10000x64xf32, #tpu.memory_space<hbm>> -> memref<10000x64xf32, #tpu.memory_space<hbm>>
        tpu.enqueue_indirect_dma source(%dma_start3A_209 : memref<10000x64xf32, #tpu.memory_space<hbm>>) target(%arg9 : memref<128x64xf32, #tpu.memory_space<vmem>>) offsets(%dma_start3A_202 : memref<128xi32, #tpu.memory_space<vmem>>) semaphore(%arg15 : memref<!tpu.dma_semaphore, #tpu.memory_space<semaphore_mem>>)
      } else {
      }
    }
    %scan3A_49 = arith.constant 40 : i32
    %dma_wait3A = arith.constant 159 : i32
    %dma_wait3A_50 = arith.constant 0 : i32
    %dma_wait3A_51 = tpu.memref_slice %arg7[%dma_wait3A, %dma_wait3A_50] : memref<160x128xi32, #tpu.memory_space<vmem>> -> memref<1x128xi32, #tpu.memory_space<vmem>>
    %dma_wait3A_52 = tpu.memref_squeeze %dma_wait3A_51 : memref<1x128xi32, #tpu.memory_space<vmem>> -> memref<128xi32, #tpu.memory_space<vmem>>
    %dma_wait3A_53 = arith.constant 0 : i32
    %dma_wait3A_54 = arith.constant 0 : i32
    %dma_wait3A_55 = tpu.memref_slice %arg13[%dma_wait3A_53, %dma_wait3A_54] : memref<10240x64xf32, #tpu.memory_space<vmem_shared>> -> memref<10240x64xf32, #tpu.memory_space<vmem_shared>>
    tpu.wait_indirect_dma semaphore(%arg21 : memref<!tpu.dma_semaphore, #tpu.memory_space<semaphore_mem>>) src(%arg11 : memref<128x64xf32, #tpu.memory_space<vmem>>) dst(%dma_wait3A_55 : memref<10240x64xf32, #tpu.memory_space<vmem_shared>>)
    %barrier3A_56 = arith.constant 0 : index
    tpu.barrier barrier_id(%barrier3A_56)
    %mul3A_57 = arith.constant 640 : i32
    %mul3A_58 = arith.muli %arg1, %mul3A_57 : i32
    %mul3A_59 = arith.constant 640 : i32
    %mul3A_60 = arith.muli %arg1, %mul3A_59 : i32
    "tpu.region"() ({
      %run_scoped3A = tpu.sem_alloc : memref<!tpu.dma_semaphore, #tpu.memory_space<semaphore_mem>>
      %dma_start3A_61 = arith.constant 0 : i32
      %dma_start3A_62 = tpu.memref_slice %arg5[%arg0, %mul3A_60, %dma_start3A_61] : memref<2x10240x64xf32, #tpu.memory_space<hbm>> -> memref<1x640x64xf32, #tpu.memory_space<hbm>>
      %dma_start3A_63 = tpu.memref_squeeze %dma_start3A_62 : memref<1x640x64xf32, #tpu.memory_space<hbm>> -> memref<640x64xf32, #tpu.memory_space<hbm>>
      %dma_start3A_64 = arith.constant 0 : i32
      %dma_start3A_65 = tpu.memref_slice %arg13[%mul3A_58, %dma_start3A_64] : memref<10240x64xf32, #tpu.memory_space<vmem_shared>> -> memref<640x64xf32, #tpu.memory_space<vmem_shared>>
      tpu.enqueue_dma source(%dma_start3A_65 : memref<640x64xf32, #tpu.memory_space<vmem_shared>>) target(%dma_start3A_63 : memref<640x64xf32, #tpu.memory_space<hbm>>) target_semaphore(%run_scoped3A : memref<!tpu.dma_semaphore, #tpu.memory_space<semaphore_mem>>)
      %dma_wait3A_66 = arith.constant 0 : i32
      %dma_wait3A_67 = tpu.memref_slice %arg5[%arg0, %mul3A_60, %dma_wait3A_66] : memref<2x10240x64xf32, #tpu.memory_space<hbm>> -> memref<1x640x64xf32, #tpu.memory_space<hbm>>
      %dma_wait3A_68 = tpu.memref_squeeze %dma_wait3A_67 : memref<1x640x64xf32, #tpu.memory_space<hbm>> -> memref<640x64xf32, #tpu.memory_space<hbm>>
      %dma_wait3A_69 = arith.constant 0 : i32
      %dma_wait3A_70 = tpu.memref_slice %arg13[%mul3A_58, %dma_wait3A_69] : memref<10240x64xf32, #tpu.memory_space<vmem_shared>> -> memref<640x64xf32, #tpu.memory_space<vmem_shared>>
      tpu.wait_dma2 semaphore(%run_scoped3A : memref<!tpu.dma_semaphore, #tpu.memory_space<semaphore_mem>>) src(%dma_wait3A_70 : memref<640x64xf32, #tpu.memory_space<vmem_shared>>) dst(%dma_wait3A_68 : memref<640x64xf32, #tpu.memory_space<hbm>>)
      tpu.yield
    }) : () -> ()
    return
  }
}

#map = affine_map<(d0, d1) -> (0, 0, 0)>
module attributes {stable_mosaic.version = 14 : i64} {
  func.func @k(%arg0: i32, %arg1: i32, %arg2: memref<2x10000x64xf32, #tpu.memory_space<hbm>>, %arg3: memref<16x160x128xi32, #tpu.memory_space<hbm>>, %arg4: memref<16x160x128xi32, #tpu.memory_space<hbm>>, %arg5: memref<2x10240x64xf32, #tpu.memory_space<hbm>>, %arg6: memref<160x128xi32, #tpu.memory_space<vmem>>, %arg7: memref<160x128xi32, #tpu.memory_space<vmem>>, %arg8: memref<128x64xf32, #tpu.memory_space<vmem>>, %arg9: memref<128x64xf32, #tpu.memory_space<vmem>>, %arg10: memref<128x64xf32, #tpu.memory_space<vmem>>, %arg11: memref<128x64xf32, #tpu.memory_space<vmem>>, %arg12: memref<128x64xf32, #tpu.memory_space<vmem>>, %arg13: memref<10240x64xf32, #tpu.memory_space<vmem_shared>>, %arg14: memref<!tpu.dma_semaphore, #tpu.memory_space<semaphore_mem>>, %arg15: memref<!tpu.dma_semaphore, #tpu.memory_space<semaphore_mem>>, %arg16: memref<!tpu.dma_semaphore, #tpu.memory_space<semaphore_mem>>, %arg17: memref<!tpu.dma_semaphore, #tpu.memory_space<semaphore_mem>>, %arg18: memref<!tpu.dma_semaphore, #tpu.memory_space<semaphore_mem>>, %arg19: memref<!tpu.dma_semaphore, #tpu.memory_space<semaphore_mem>>, %arg20: memref<!tpu.dma_semaphore, #tpu.memory_space<semaphore_mem>>, %arg21: memref<!tpu.dma_semaphore, #tpu.memory_space<semaphore_mem>>) attributes {dimension_semantics = [#tpu.dimension_semantics<core_parallel>, #tpu.dimension_semantics<subcore_parallel>], iteration_bounds = array<i64: 2, 16>, scalar_prefetch = 0 : i64, scratch_operands = 16 : i64, tpu.core_type = #tpu.core_type<sc_vector_subcore>, window_params = [{transform_indices = #map}, {transform_indices = #map}, {transform_indices = #map}, {transform_indices = #map}]} {
    "tpu.region"() ({
      %run_scoped3A = tpu.sem_alloc : memref<!tpu.dma_semaphore, #tpu.memory_space<semaphore_mem>>
      %dma_start3A_61 = arith.constant 0 : i32
      %dma_start3A_62 = arith.constant 0 : i32
      %dma_start3A_63 = tpu.memref_slice %arg3[%arg1, %dma_start3A_61, %dma_start3A_62] : memref<16x160x128xi32, #tpu.memory_space<hbm>> -> memref<1x160x128xi32, #tpu.memory_space<hbm>>
      %dma_start3A_64 = tpu.memref_squeeze %dma_start3A_63 : memref<1x160x128xi32, #tpu.memory_space<hbm>> -> memref<160x128xi32, #tpu.memory_space<hbm>>
      %dma_start3A_65 = arith.constant 0 : i32
      %dma_start3A_66 = arith.constant 0 : i32
      %dma_start3A_67 = tpu.memref_slice %arg3[%arg1, %dma_start3A_65, %dma_start3A_66] : memref<16x160x128xi32, #tpu.memory_space<hbm>> -> memref<1x160x128xi32, #tpu.memory_space<hbm>>
      %dma_start3A_68 = tpu.memref_squeeze %dma_start3A_67 : memref<1x160x128xi32, #tpu.memory_space<hbm>> -> memref<160x128xi32, #tpu.memory_space<hbm>>
      tpu.enqueue_dma source(%dma_start3A_68 : memref<160x128xi32, #tpu.memory_space<hbm>>) target(%arg6 : memref<160x128xi32, #tpu.memory_space<vmem>>) target_semaphore(%run_scoped3A : memref<!tpu.dma_semaphore, #tpu.memory_space<semaphore_mem>>)
      %dma_wait3A_69 = arith.constant 0 : i32
      %dma_wait3A_70 = arith.constant 0 : i32
      %dma_wait3A_71 = tpu.memref_slice %arg3[%arg1, %dma_wait3A_69, %dma_wait3A_70] : memref<16x160x128xi32, #tpu.memory_space<hbm>> -> memref<1x160x128xi32, #tpu.memory_space<hbm>>
      %dma_wait3A_72 = tpu.memref_squeeze %dma_wait3A_71 : memref<1x160x128xi32, #tpu.memory_space<hbm>> -> memref<160x128xi32, #tpu.memory_space<hbm>>
      %dma_wait3A_73 = arith.constant 0 : i32
      %dma_wait3A_74 = arith.constant 0 : i32
      %dma_wait3A_75 = tpu.memref_slice %arg3[%arg1, %dma_wait3A_73, %dma_wait3A_74] : memref<16x160x128xi32, #tpu.memory_space<hbm>> -> memref<1x160x128xi32, #tpu.memory_space<hbm>>
      %dma_wait3A_76 = tpu.memref_squeeze %dma_wait3A_75 : memref<1x160x128xi32, #tpu.memory_space<hbm>> -> memref<160x128xi32, #tpu.memory_space<hbm>>
      tpu.wait_dma2 semaphore(%run_scoped3A : memref<!tpu.dma_semaphore, #tpu.memory_space<semaphore_mem>>) src(%dma_wait3A_76 : memref<160x128xi32, #tpu.memory_space<hbm>>) dst(%arg6 : memref<160x128xi32, #tpu.memory_space<vmem>>)
      tpu.yield
    }) : () -> ()
    "tpu.region"() ({
      %run_scoped3A = tpu.sem_alloc : memref<!tpu.dma_semaphore, #tpu.memory_space<semaphore_mem>>
      %dma_start3A_61 = arith.constant 0 : i32
      %dma_start3A_62 = arith.constant 0 : i32
      %dma_start3A_63 = tpu.memref_slice %arg4[%arg1, %dma_start3A_61, %dma_start3A_62] : memref<16x160x128xi32, #tpu.memory_space<hbm>> -> memref<1x160x128xi32, #tpu.memory_space<hbm>>
      %dma_start3A_64 = tpu.memref_squeeze %dma_start3A_63 : memref<1x160x128xi32, #tpu.memory_space<hbm>> -> memref<160x128xi32, #tpu.memory_space<hbm>>
      %dma_start3A_65 = arith.constant 0 : i32
      %dma_start3A_66 = arith.constant 0 : i32
      %dma_start3A_67 = tpu.memref_slice %arg4[%arg1, %dma_start3A_65, %dma_start3A_66] : memref<16x160x128xi32, #tpu.memory_space<hbm>> -> memref<1x160x128xi32, #tpu.memory_space<hbm>>
      %dma_start3A_68 = tpu.memref_squeeze %dma_start3A_67 : memref<1x160x128xi32, #tpu.memory_space<hbm>> -> memref<160x128xi32, #tpu.memory_space<hbm>>
      tpu.enqueue_dma source(%dma_start3A_68 : memref<160x128xi32, #tpu.memory_space<hbm>>) target(%arg7 : memref<160x128xi32, #tpu.memory_space<vmem>>) target_semaphore(%run_scoped3A : memref<!tpu.dma_semaphore, #tpu.memory_space<semaphore_mem>>)
      %dma_wait3A_69 = arith.constant 0 : i32
      %dma_wait3A_70 = arith.constant 0 : i32
      %dma_wait3A_71 = tpu.memref_slice %arg4[%arg1, %dma_wait3A_69, %dma_wait3A_70] : memref<16x160x128xi32, #tpu.memory_space<hbm>> -> memref<1x160x128xi32, #tpu.memory_space<hbm>>
      %dma_wait3A_72 = tpu.memref_squeeze %dma_wait3A_71 : memref<1x160x128xi32, #tpu.memory_space<hbm>> -> memref<160x128xi32, #tpu.memory_space<hbm>>
      %dma_wait3A_73 = arith.constant 0 : i32
      %dma_wait3A_74 = arith.constant 0 : i32
      %dma_wait3A_75 = tpu.memref_slice %arg4[%arg1, %dma_wait3A_73, %dma_wait3A_74] : memref<16x160x128xi32, #tpu.memory_space<hbm>> -> memref<1x160x128xi32, #tpu.memory_space<hbm>>
      %dma_wait3A_76 = tpu.memref_squeeze %dma_wait3A_75 : memref<1x160x128xi32, #tpu.memory_space<hbm>> -> memref<160x128xi32, #tpu.memory_space<hbm>>
      tpu.wait_dma2 semaphore(%run_scoped3A : memref<!tpu.dma_semaphore, #tpu.memory_space<semaphore_mem>>) src(%dma_wait3A_76 : memref<160x128xi32, #tpu.memory_space<hbm>>) dst(%arg7 : memref<160x128xi32, #tpu.memory_space<vmem>>)
      tpu.yield
    }) : () -> ()
    %dma_start3A = arith.constant 0 : i32
    %dma_start3A_0 = arith.constant 0 : i32
    %dma_start3A_1 = tpu.memref_slice %arg6[%dma_start3A, %dma_start3A_0] : memref<160x128xi32, #tpu.memory_space<vmem>> -> memref<1x128xi32, #tpu.memory_space<vmem>>
    %dma_start3A_2 = tpu.memref_squeeze %dma_start3A_1 : memref<1x128xi32, #tpu.memory_space<vmem>> -> memref<128xi32, #tpu.memory_space<vmem>>
    %dma_start3A_3 = arith.constant 0 : i32
    %dma_start3A_4 = arith.constant 0 : i32
    %dma_start3A_5 = tpu.memref_slice %arg2[%arg0, %dma_start3A_3, %dma_start3A_4] : memref<2x10000x64xf32, #tpu.memory_space<hbm>> -> memref<1x10000x64xf32, #tpu.memory_space<hbm>>
    %dma_start3A_6 = tpu.memref_squeeze %dma_start3A_5 : memref<1x10000x64xf32, #tpu.memory_space<hbm>> -> memref<10000x64xf32, #tpu.memory_space<hbm>>
    %dma_start3A_7 = arith.constant 0 : i32
    %dma_start3A_8 = arith.constant 0 : i32
    %dma_start3A_9 = tpu.memref_slice %dma_start3A_6[%dma_start3A_7, %dma_start3A_8] : memref<10000x64xf32, #tpu.memory_space<hbm>> -> memref<10000x64xf32, #tpu.memory_space<hbm>>
    tpu.enqueue_indirect_dma source(%dma_start3A_9 : memref<10000x64xf32, #tpu.memory_space<hbm>>) target(%arg8 : memref<128x64xf32, #tpu.memory_space<vmem>>) offsets(%dma_start3A_2 : memref<128xi32, #tpu.memory_space<vmem>>) semaphore(%arg14 : memref<!tpu.dma_semaphore, #tpu.memory_space<semaphore_mem>>)
    %dma_start3A_10 = arith.constant 1 : i32
    %dma_start3A_11 = arith.constant 0 : i32
    %dma_start3A_12 = tpu.memref_slice %arg6[%dma_start3A_10, %dma_start3A_11] : memref<160x128xi32, #tpu.memory_space<vmem>> -> memref<1x128xi32, #tpu.memory_space<vmem>>
    %dma_start3A_13 = tpu.memref_squeeze %dma_start3A_12 : memref<1x128xi32, #tpu.memory_space<vmem>> -> memref<128xi32, #tpu.memory_space<vmem>>
    %dma_start3A_14 = arith.constant 0 : i32
    %dma_start3A_15 = arith.constant 0 : i32
    %dma_start3A_16 = tpu.memref_slice %arg2[%arg0, %dma_start3A_14, %dma_start3A_15] : memref<2x10000x64xf32, #tpu.memory_space<hbm>> -> memref<1x10000x64xf32, #tpu.memory_space<hbm>>
    %dma_start3A_17 = tpu.memref_squeeze %dma_start3A_16 : memref<1x10000x64xf32, #tpu.memory_space<hbm>> -> memref<10000x64xf32, #tpu.memory_space<hbm>>
    %dma_start3A_18 = arith.constant 0 : i32
    %dma_start3A_19 = arith.constant 0 : i32
    %dma_start3A_20 = tpu.memref_slice %dma_start3A_17[%dma_start3A_18, %dma_start3A_19] : memref<10000x64xf32, #tpu.memory_space<hbm>> -> memref<10000x64xf32, #tpu.memory_space<hbm>>
    tpu.enqueue_indirect_dma source(%dma_start3A_20 : memref<10000x64xf32, #tpu.memory_space<hbm>>) target(%arg9 : memref<128x64xf32, #tpu.memory_space<vmem>>) offsets(%dma_start3A_13 : memref<128xi32, #tpu.memory_space<vmem>>) semaphore(%arg15 : memref<!tpu.dma_semaphore, #tpu.memory_space<semaphore_mem>>)
    %scan3A = arith.constant 0 : i32
    %scan3A_21 = arith.constant 0 : i32
    %scan3A_22 = arith.constant 128 : i32
    %scan3A_23 = arith.addi %scan3A_21, %scan3A_22 : i32
    %scan3A_24 = arith.constant 1 : i32
    scf.for %scan3A_61 = %scan3A_21 to %scan3A_23 step %scan3A_24  : i32 {
      %broadcast_in_dim3A = arith.constant 0.000000e+00 : f32
      %broadcast_in_dim3A_62 = vector.broadcast %broadcast_in_dim3A : f32 to vector<16xf32>
      %swap3A = arith.index_cast %scan3A_61 : i32 to index
      %swap3A_63 = arith.constant 0 : index
      %swap3A_64 = tpu.vector_load %arg12[%swap3A, %swap3A_63] {strides = array<i32>} : memref<128x64xf32, #tpu.memory_space<vmem>>, vector<1x16xf32>,
      %swap3A_65 = vector.shape_cast %swap3A_64 : vector<1x16xf32> to vector<16xf32>
      %swap3A_66 = vector.shape_cast %broadcast_in_dim3A_62 : vector<16xf32> to vector<1x16xf32>
      tpu.vector_store %arg12[%swap3A, %swap3A_63], %swap3A_66 {strides = array<i32>} : memref<128x64xf32, #tpu.memory_space<vmem>>, vector<1x16xf32>,
      %broadcast_in_dim3A_67 = arith.constant 0.000000e+00 : f32
      %broadcast_in_dim3A_68 = vector.broadcast %broadcast_in_dim3A_67 : f32 to vector<16xf32>
      %swap3A_69 = arith.index_cast %scan3A_61 : i32 to index
      %swap3A_70 = arith.constant 16 : index
      %swap3A_71 = tpu.vector_load %arg12[%swap3A_69, %swap3A_70] {strides = array<i32>} : memref<128x64xf32, #tpu.memory_space<vmem>>, vector<1x16xf32>,
      %swap3A_72 = vector.shape_cast %swap3A_71 : vector<1x16xf32> to vector<16xf32>
      %swap3A_73 = vector.shape_cast %broadcast_in_dim3A_68 : vector<16xf32> to vector<1x16xf32>
      tpu.vector_store %arg12[%swap3A_69, %swap3A_70], %swap3A_73 {strides = array<i32>} : memref<128x64xf32, #tpu.memory_space<vmem>>, vector<1x16xf32>,
      %broadcast_in_dim3A_74 = arith.constant 0.000000e+00 : f32
      %broadcast_in_dim3A_75 = vector.broadcast %broadcast_in_dim3A_74 : f32 to vector<16xf32>
      %swap3A_76 = arith.index_cast %scan3A_61 : i32 to index
      %swap3A_77 = arith.constant 32 : index
      %swap3A_78 = tpu.vector_load %arg12[%swap3A_76, %swap3A_77] {strides = array<i32>} : memref<128x64xf32, #tpu.memory_space<vmem>>, vector<1x16xf32>,
      %swap3A_79 = vector.shape_cast %swap3A_78 : vector<1x16xf32> to vector<16xf32>
      %swap3A_80 = vector.shape_cast %broadcast_in_dim3A_75 : vector<16xf32> to vector<1x16xf32>
      tpu.vector_store %arg12[%swap3A_76, %swap3A_77], %swap3A_80 {strides = array<i32>} : memref<128x64xf32, #tpu.memory_space<vmem>>, vector<1x16xf32>,
      %broadcast_in_dim3A_81 = arith.constant 0.000000e+00 : f32
      %broadcast_in_dim3A_82 = vector.broadcast %broadcast_in_dim3A_81 : f32 to vector<16xf32>
      %swap3A_83 = arith.index_cast %scan3A_61 : i32 to index
      %swap3A_84 = arith.constant 48 : index
      %swap3A_85 = tpu.vector_load %arg12[%swap3A_83, %swap3A_84] {strides = array<i32>} : memref<128x64xf32, #tpu.memory_space<vmem>>, vector<1x16xf32>,
      %swap3A_86 = vector.shape_cast %swap3A_85 : vector<1x16xf32> to vector<16xf32>
      %swap3A_87 = vector.shape_cast %broadcast_in_dim3A_82 : vector<16xf32> to vector<1x16xf32>
      tpu.vector_store %arg12[%swap3A_83, %swap3A_84], %swap3A_87 {strides = array<i32>} : memref<128x64xf32, #tpu.memory_space<vmem>>, vector<1x16xf32>,
    }
    %scan3A_25 = arith.constant 128 : i32
    %mul3A = arith.constant 640 : i32
    %mul3A_26 = arith.muli %arg1, %mul3A : i32
    %add3A = arith.constant 0 : i32
    %add3A_27 = arith.addi %mul3A_26, %add3A : i32
    "tpu.region"() ({
      %run_scoped3A = tpu.sem_alloc : memref<!tpu.dma_semaphore, #tpu.memory_space<semaphore_mem>>
      %dma_start3A_61 = arith.constant 0 : i32
      %dma_start3A_62 = tpu.memref_slice %arg13[%add3A_27, %dma_start3A_61] : memref<10240x64xf32, #tpu.memory_space<vmem_shared>> -> memref<128x64xf32, #tpu.memory_space<vmem_shared>>
      %dma_start3A_63 = arith.constant 0 : i32
      %dma_start3A_64 = tpu.memref_slice %arg13[%add3A_27, %dma_start3A_63] : memref<10240x64xf32, #tpu.memory_space<vmem_shared>> -> memref<128x64xf32, #tpu.memory_space<vmem_shared>>
      tpu.enqueue_dma source(%arg12 : memref<128x64xf32, #tpu.memory_space<vmem>>) target(%dma_start3A_64 : memref<128x64xf32, #tpu.memory_space<vmem_shared>>) target_semaphore(%run_scoped3A : memref<!tpu.dma_semaphore, #tpu.memory_space<semaphore_mem>>)
      %dma_wait3A_65 = arith.constant 0 : i32
      %dma_wait3A_66 = tpu.memref_slice %arg13[%add3A_27, %dma_wait3A_65] : memref<10240x64xf32, #tpu.memory_space<vmem_shared>> -> memref<128x64xf32, #tpu.memory_space<vmem_shared>>
      %dma_wait3A_67 = arith.constant 0 : i32
      %dma_wait3A_68 = tpu.memref_slice %arg13[%add3A_27, %dma_wait3A_67] : memref<10240x64xf32, #tpu.memory_space<vmem_shared>> -> memref<128x64xf32, #tpu.memory_space<vmem_shared>>
      tpu.wait_dma2 semaphore(%run_scoped3A : memref<!tpu.dma_semaphore, #tpu.memory_space<semaphore_mem>>) src(%arg12 : memref<128x64xf32, #tpu.memory_space<vmem>>) dst(%dma_wait3A_68 : memref<128x64xf32, #tpu.memory_space<vmem_shared>>)
      tpu.yield
    }) : () -> ()
    %mul3A_28 = arith.constant 640 : i32
    %mul3A_29 = arith.muli %arg1, %mul3A_28 : i32
    %add3A_30 = arith.constant 128 : i32
    %add3A_31 = arith.addi %mul3A_29, %add3A_30 : i32
    "tpu.region"() ({
      %run_scoped3A = tpu.sem_alloc : memref<!tpu.dma_semaphore, #tpu.memory_space<semaphore_mem>>
      %dma_start3A_61 = arith.constant 0 : i32
      %dma_start3A_62 = tpu.memref_slice %arg13[%add3A_31, %dma_start3A_61] : memref<10240x64xf32, #tpu.memory_space<vmem_shared>> -> memref<128x64xf32, #tpu.memory_space<vmem_shared>>
      %dma_start3A_63 = arith.constant 0 : i32
      %dma_start3A_64 = tpu.memref_slice %arg13[%add3A_31, %dma_start3A_63] : memref<10240x64xf32, #tpu.memory_space<vmem_shared>> -> memref<128x64xf32, #tpu.memory_space<vmem_shared>>
      tpu.enqueue_dma source(%arg12 : memref<128x64xf32, #tpu.memory_space<vmem>>) target(%dma_start3A_64 : memref<128x64xf32, #tpu.memory_space<vmem_shared>>) target_semaphore(%run_scoped3A : memref<!tpu.dma_semaphore, #tpu.memory_space<semaphore_mem>>)
      %dma_wait3A_65 = arith.constant 0 : i32
      %dma_wait3A_66 = tpu.memref_slice %arg13[%add3A_31, %dma_wait3A_65] : memref<10240x64xf32, #tpu.memory_space<vmem_shared>> -> memref<128x64xf32, #tpu.memory_space<vmem_shared>>
      %dma_wait3A_67 = arith.constant 0 : i32
      %dma_wait3A_68 = tpu.memref_slice %arg13[%add3A_31, %dma_wait3A_67] : memref<10240x64xf32, #tpu.memory_space<vmem_shared>> -> memref<128x64xf32, #tpu.memory_space<vmem_shared>>
      tpu.wait_dma2 semaphore(%run_scoped3A : memref<!tpu.dma_semaphore, #tpu.memory_space<semaphore_mem>>) src(%arg12 : memref<128x64xf32, #tpu.memory_space<vmem>>) dst(%dma_wait3A_68 : memref<128x64xf32, #tpu.memory_space<vmem_shared>>)
      tpu.yield
    }) : () -> ()
    %mul3A_32 = arith.constant 640 : i32
    %mul3A_33 = arith.muli %arg1, %mul3A_32 : i32
    %add3A_34 = arith.constant 256 : i32
    %add3A_35 = arith.addi %mul3A_33, %add3A_34 : i32
    "tpu.region"() ({
      %run_scoped3A = tpu.sem_alloc : memref<!tpu.dma_semaphore, #tpu.memory_space<semaphore_mem>>
      %dma_start3A_61 = arith.constant 0 : i32
      %dma_start3A_62 = tpu.memref_slice %arg13[%add3A_35, %dma_start3A_61] : memref<10240x64xf32, #tpu.memory_space<vmem_shared>> -> memref<128x64xf32, #tpu.memory_space<vmem_shared>>
      %dma_start3A_63 = arith.constant 0 : i32
      %dma_start3A_64 = tpu.memref_slice %arg13[%add3A_35, %dma_start3A_63] : memref<10240x64xf32, #tpu.memory_space<vmem_shared>> -> memref<128x64xf32, #tpu.memory_space<vmem_shared>>
      tpu.enqueue_dma source(%arg12 : memref<128x64xf32, #tpu.memory_space<vmem>>) target(%dma_start3A_64 : memref<128x64xf32, #tpu.memory_space<vmem_shared>>) target_semaphore(%run_scoped3A : memref<!tpu.dma_semaphore, #tpu.memory_space<semaphore_mem>>)
      %dma_wait3A_65 = arith.constant 0 : i32
      %dma_wait3A_66 = tpu.memref_slice %arg13[%add3A_35, %dma_wait3A_65] : memref<10240x64xf32, #tpu.memory_space<vmem_shared>> -> memref<128x64xf32, #tpu.memory_space<vmem_shared>>
      %dma_wait3A_67 = arith.constant 0 : i32
      %dma_wait3A_68 = tpu.memref_slice %arg13[%add3A_35, %dma_wait3A_67] : memref<10240x64xf32, #tpu.memory_space<vmem_shared>> -> memref<128x64xf32, #tpu.memory_space<vmem_shared>>
      tpu.wait_dma2 semaphore(%run_scoped3A : memref<!tpu.dma_semaphore, #tpu.memory_space<semaphore_mem>>) src(%arg12 : memref<128x64xf32, #tpu.memory_space<vmem>>) dst(%dma_wait3A_68 : memref<128x64xf32, #tpu.memory_space<vmem_shared>>)
      tpu.yield
    }) : () -> ()
    %mul3A_36 = arith.constant 640 : i32
    %mul3A_37 = arith.muli %arg1, %mul3A_36 : i32
    %add3A_38 = arith.constant 384 : i32
    %add3A_39 = arith.addi %mul3A_37, %add3A_38 : i32
    "tpu.region"() ({
      %run_scoped3A = tpu.sem_alloc : memref<!tpu.dma_semaphore, #tpu.memory_space<semaphore_mem>>
      %dma_start3A_61 = arith.constant 0 : i32
      %dma_start3A_62 = tpu.memref_slice %arg13[%add3A_39, %dma_start3A_61] : memref<10240x64xf32, #tpu.memory_space<vmem_shared>> -> memref<128x64xf32, #tpu.memory_space<vmem_shared>>
      %dma_start3A_63 = arith.constant 0 : i32
      %dma_start3A_64 = tpu.memref_slice %arg13[%add3A_39, %dma_start3A_63] : memref<10240x64xf32, #tpu.memory_space<vmem_shared>> -> memref<128x64xf32, #tpu.memory_space<vmem_shared>>
      tpu.enqueue_dma source(%arg12 : memref<128x64xf32, #tpu.memory_space<vmem>>) target(%dma_start3A_64 : memref<128x64xf32, #tpu.memory_space<vmem_shared>>) target_semaphore(%run_scoped3A : memref<!tpu.dma_semaphore, #tpu.memory_space<semaphore_mem>>)
      %dma_wait3A_65 = arith.constant 0 : i32
      %dma_wait3A_66 = tpu.memref_slice %arg13[%add3A_39, %dma_wait3A_65] : memref<10240x64xf32, #tpu.memory_space<vmem_shared>> -> memref<128x64xf32, #tpu.memory_space<vmem_shared>>
      %dma_wait3A_67 = arith.constant 0 : i32
      %dma_wait3A_68 = tpu.memref_slice %arg13[%add3A_39, %dma_wait3A_67] : memref<10240x64xf32, #tpu.memory_space<vmem_shared>> -> memref<128x64xf32, #tpu.memory_space<vmem_shared>>
      tpu.wait_dma2 semaphore(%run_scoped3A : memref<!tpu.dma_semaphore, #tpu.memory_space<semaphore_mem>>) src(%arg12 : memref<128x64xf32, #tpu.memory_space<vmem>>) dst(%dma_wait3A_68 : memref<128x64xf32, #tpu.memory_space<vmem_shared>>)
      tpu.yield
    }) : () -> ()
    %mul3A_40 = arith.constant 640 : i32
    %mul3A_41 = arith.muli %arg1, %mul3A_40 : i32
    %add3A_42 = arith.constant 512 : i32
    %add3A_43 = arith.addi %mul3A_41, %add3A_42 : i32
    "tpu.region"() ({
      %run_scoped3A = tpu.sem_alloc : memref<!tpu.dma_semaphore, #tpu.memory_space<semaphore_mem>>
      %dma_start3A_61 = arith.constant 0 : i32
      %dma_start3A_62 = tpu.memref_slice %arg13[%add3A_43, %dma_start3A_61] : memref<10240x64xf32, #tpu.memory_space<vmem_shared>> -> memref<128x64xf32, #tpu.memory_space<vmem_shared>>
      %dma_start3A_63 = arith.constant 0 : i32
      %dma_start3A_64 = tpu.memref_slice %arg13[%add3A_43, %dma_start3A_63] : memref<10240x64xf32, #tpu.memory_space<vmem_shared>> -> memref<128x64xf32, #tpu.memory_space<vmem_shared>>
      tpu.enqueue_dma source(%arg12 : memref<128x64xf32, #tpu.memory_space<vmem>>) target(%dma_start3A_64 : memref<128x64xf32, #tpu.memory_space<vmem_shared>>) target_semaphore(%run_scoped3A : memref<!tpu.dma_semaphore, #tpu.memory_space<semaphore_mem>>)
      %dma_wait3A_65 = arith.constant 0 : i32
      %dma_wait3A_66 = tpu.memref_slice %arg13[%add3A_43, %dma_wait3A_65] : memref<10240x64xf32, #tpu.memory_space<vmem_shared>> -> memref<128x64xf32, #tpu.memory_space<vmem_shared>>
      %dma_wait3A_67 = arith.constant 0 : i32
      %dma_wait3A_68 = tpu.memref_slice %arg13[%add3A_43, %dma_wait3A_67] : memref<10240x64xf32, #tpu.memory_space<vmem_shared>> -> memref<128x64xf32, #tpu.memory_space<vmem_shared>>
      tpu.wait_dma2 semaphore(%run_scoped3A : memref<!tpu.dma_semaphore, #tpu.memory_space<semaphore_mem>>) src(%arg12 : memref<128x64xf32, #tpu.memory_space<vmem>>) dst(%dma_wait3A_68 : memref<128x64xf32, #tpu.memory_space<vmem_shared>>)
      tpu.yield
    }) : () -> ()
    %barrier3A = arith.constant 0 : index
    tpu.barrier barrier_id(%barrier3A)
    %scan3A_44 = arith.constant 0 : i32
    %scan3A_45 = arith.constant 0 : i32
    %scan3A_46 = arith.constant 40 : i32
    %scan3A_47 = arith.addi %scan3A_45, %scan3A_46 : i32
    %scan3A_48 = arith.constant 1 : i32
    scf.for %scan3A_61 = %scan3A_45 to %scan3A_47 step %scan3A_48  : i32 {
      %mul3A_62 = arith.constant 4 : i32
      %mul3A_63 = arith.muli %mul3A_62, %scan3A_61 : i32
      %add3A_64 = arith.constant 0 : i32
      %add3A_65 = arith.addi %mul3A_63, %add3A_64 : i32
      %dma_wait3A_66 = arith.constant 0 : i32
      %dma_wait3A_67 = tpu.memref_slice %arg6[%add3A_65, %dma_wait3A_66] : memref<160x128xi32, #tpu.memory_space<vmem>> -> memref<1x128xi32, #tpu.memory_space<vmem>>
      %dma_wait3A_68 = tpu.memref_squeeze %dma_wait3A_67 : memref<1x128xi32, #tpu.memory_space<vmem>> -> memref<128xi32, #tpu.memory_space<vmem>>
      %dma_wait3A_69 = arith.constant 0 : i32
      %dma_wait3A_70 = arith.constant 0 : i32
      %dma_wait3A_71 = tpu.memref_slice %arg2[%arg0, %dma_wait3A_69, %dma_wait3A_70] : memref<2x10000x64xf32, #tpu.memory_space<hbm>> -> memref<1x10000x64xf32, #tpu.memory_space<hbm>>
      %dma_wait3A_72 = tpu.memref_squeeze %dma_wait3A_71 : memref<1x10000x64xf32, #tpu.memory_space<hbm>> -> memref<10000x64xf32, #tpu.memory_space<hbm>>
      %dma_wait3A_73 = arith.constant 0 : i32
      %dma_wait3A_74 = arith.constant 0 : i32
      %dma_wait3A_75 = tpu.memref_slice %dma_wait3A_72[%dma_wait3A_73, %dma_wait3A_74] : memref<10000x64xf32, #tpu.memory_space<hbm>> -> memref<10000x64xf32, #tpu.memory_space<hbm>>
      tpu.wait_indirect_dma semaphore(%arg14 : memref<!tpu.dma_semaphore, #tpu.memory_space<semaphore_mem>>) src(%dma_wait3A_75 : memref<10000x64xf32, #tpu.memory_space<hbm>>) dst(%arg8 : memref<128x64xf32, #tpu.memory_space<vmem>>)
      %gt3A = arith.constant 0 : i32
      %gt3A_76 = arith.cmpi sgt, %scan3A_61, %gt3A : i32
      %convert_element_type3A = arith.extui %gt3A_76 : i1 to i32
      %cond3A = arith.constant 0 : i32
      %cond3A_77 = arith.cmpi ne, %convert_element_type3A, %cond3A : i32
      scf.if %cond3A_77 {
        %sub3A_198 = arith.constant 1 : i32
        %sub3A_199 = arith.subi %add3A_65, %sub3A_198 : i32
        %dma_wait3A_200 = arith.constant 0 : i32
        %dma_wait3A_201 = tpu.memref_slice %arg7[%sub3A_199, %dma_wait3A_200] : memref<160x128xi32, #tpu.memory_space<vmem>> -> memref<1x128xi32, #tpu.memory_space<vmem>>
        %dma_wait3A_202 = tpu.memref_squeeze %dma_wait3A_201 : memref<1x128xi32, #tpu.memory_space<vmem>> -> memref<128xi32, #tpu.memory_space<vmem>>
        %dma_wait3A_203 = arith.constant 0 : i32
        %dma_wait3A_204 = arith.constant 0 : i32
        %dma_wait3A_205 = tpu.memref_slice %arg13[%dma_wait3A_203, %dma_wait3A_204] : memref<10240x64xf32, #tpu.memory_space<vmem_shared>> -> memref<10240x64xf32, #tpu.memory_space<vmem_shared>>
        tpu.wait_indirect_dma semaphore(%arg21 : memref<!tpu.dma_semaphore, #tpu.memory_space<semaphore_mem>>) src(%arg11 : memref<128x64xf32, #tpu.memory_space<vmem>>) dst(%dma_wait3A_205 : memref<10240x64xf32, #tpu.memory_space<vmem_shared>>)
      } else {
      }
      %dma_start3A_78 = arith.constant 0 : i32
      %dma_start3A_79 = tpu.memref_slice %arg7[%add3A_65, %dma_start3A_78] : memref<160x128xi32, #tpu.memory_space<vmem>> -> memref<1x128xi32, #tpu.memory_space<vmem>>
      %dma_start3A_80 = tpu.memref_squeeze %dma_start3A_79 : memref<1x128xi32, #tpu.memory_space<vmem>> -> memref<128xi32, #tpu.memory_space<vmem>>
      %dma_start3A_81 = arith.constant 0 : i32
      %dma_start3A_82 = arith.constant 0 : i32
      %dma_start3A_83 = tpu.memref_slice %arg13[%dma_start3A_81, %dma_start3A_82] : memref<10240x64xf32, #tpu.memory_space<vmem_shared>> -> memref<10240x64xf32, #tpu.memory_space<vmem_shared>>
      tpu.enqueue_indirect_dma source(%arg8 : memref<128x64xf32, #tpu.memory_space<vmem>>) target(%dma_start3A_83 : memref<10240x64xf32, #tpu.memory_space<vmem_shared>>) offsets(%dma_start3A_80 : memref<128xi32, #tpu.memory_space<vmem>>) semaphore(%arg18 : memref<!tpu.dma_semaphore, #tpu.memory_space<semaphore_mem>>) {add = true}
      %add3A_84 = arith.constant 2 : i32
      %add3A_85 = arith.addi %add3A_65, %add3A_84 : i32
      %dma_start3A_86 = arith.constant 0 : i32
      %dma_start3A_87 = tpu.memref_slice %arg6[%add3A_85, %dma_start3A_86] : memref<160x128xi32, #tpu.memory_space<vmem>> -> memref<1x128xi32, #tpu.memory_space<vmem>>
      %dma_start3A_88 = tpu.memref_squeeze %dma_start3A_87 : memref<1x128xi32, #tpu.memory_space<vmem>> -> memref<128xi32, #tpu.memory_space<vmem>>
      %dma_start3A_89 = arith.constant 0 : i32
      %dma_start3A_90 = arith.constant 0 : i32
      %dma_start3A_91 = tpu.memref_slice %arg2[%arg0, %dma_start3A_89, %dma_start3A_90] : memref<2x10000x64xf32, #tpu.memory_space<hbm>> -> memref<1x10000x64xf32, #tpu.memory_space<hbm>>
      %dma_start3A_92 = tpu.memref_squeeze %dma_start3A_91 : memref<1x10000x64xf32, #tpu.memory_space<hbm>> -> memref<10000x64xf32, #tpu.memory_space<hbm>>
      %dma_start3A_93 = arith.constant 0 : i32
      %dma_start3A_94 = arith.constant 0 : i32
      %dma_start3A_95 = tpu.memref_slice %dma_start3A_92[%dma_start3A_93, %dma_start3A_94] : memref<10000x64xf32, #tpu.memory_space<hbm>> -> memref<10000x64xf32, #tpu.memory_space<hbm>>
      tpu.enqueue_indirect_dma source(%dma_start3A_95 : memref<10000x64xf32, #tpu.memory_space<hbm>>) target(%arg10 : memref<128x64xf32, #tpu.memory_space<vmem>>) offsets(%dma_start3A_88 : memref<128xi32, #tpu.memory_space<vmem>>) semaphore(%arg16 : memref<!tpu.dma_semaphore, #tpu.memory_space<semaphore_mem>>)
      %add3A_96 = arith.constant 1 : i32
      %add3A_97 = arith.addi %mul3A_63, %add3A_96 : i32
      %dma_wait3A_98 = arith.constant 0 : i32
      %dma_wait3A_99 = tpu.memref_slice %arg6[%add3A_97, %dma_wait3A_98] : memref<160x128xi32, #tpu.memory_space<vmem>> -> memref<1x128xi32, #tpu.memory_space<vmem>>
      %dma_wait3A_100 = tpu.memref_squeeze %dma_wait3A_99 : memref<1x128xi32, #tpu.memory_space<vmem>> -> memref<128xi32, #tpu.memory_space<vmem>>
      %dma_wait3A_101 = arith.constant 0 : i32
      %dma_wait3A_102 = arith.constant 0 : i32
      %dma_wait3A_103 = tpu.memref_slice %arg2[%arg0, %dma_wait3A_101, %dma_wait3A_102] : memref<2x10000x64xf32, #tpu.memory_space<hbm>> -> memref<1x10000x64xf32, #tpu.memory_space<hbm>>
      %dma_wait3A_104 = tpu.memref_squeeze %dma_wait3A_103 : memref<1x10000x64xf32, #tpu.memory_space<hbm>> -> memref<10000x64xf32, #tpu.memory_space<hbm>>
      %dma_wait3A_105 = arith.constant 0 : i32
      %dma_wait3A_106 = arith.constant 0 : i32
      %dma_wait3A_107 = tpu.memref_slice %dma_wait3A_104[%dma_wait3A_105, %dma_wait3A_106] : memref<10000x64xf32, #tpu.memory_space<hbm>> -> memref<10000x64xf32, #tpu.memory_space<hbm>>
      tpu.wait_indirect_dma semaphore(%arg15 : memref<!tpu.dma_semaphore, #tpu.memory_space<semaphore_mem>>) src(%dma_wait3A_107 : memref<10000x64xf32, #tpu.memory_space<hbm>>) dst(%arg9 : memref<128x64xf32, #tpu.memory_space<vmem>>)
      %sub3A = arith.constant 1 : i32
      %sub3A_108 = arith.subi %add3A_97, %sub3A : i32
      %dma_wait3A_109 = arith.constant 0 : i32
      %dma_wait3A_110 = tpu.memref_slice %arg7[%sub3A_108, %dma_wait3A_109] : memref<160x128xi32, #tpu.memory_space<vmem>> -> memref<1x128xi32, #tpu.memory_space<vmem>>
      %dma_wait3A_111 = tpu.memref_squeeze %dma_wait3A_110 : memref<1x128xi32, #tpu.memory_space<vmem>> -> memref<128xi32, #tpu.memory_space<vmem>>
      %dma_wait3A_112 = arith.constant 0 : i32
      %dma_wait3A_113 = arith.constant 0 : i32
      %dma_wait3A_114 = tpu.memref_slice %arg13[%dma_wait3A_112, %dma_wait3A_113] : memref<10240x64xf32, #tpu.memory_space<vmem_shared>> -> memref<10240x64xf32, #tpu.memory_space<vmem_shared>>
      tpu.wait_indirect_dma semaphore(%arg18 : memref<!tpu.dma_semaphore, #tpu.memory_space<semaphore_mem>>) src(%arg8 : memref<128x64xf32, #tpu.memory_space<vmem>>) dst(%dma_wait3A_114 : memref<10240x64xf32, #tpu.memory_space<vmem_shared>>)
      %dma_start3A_115 = arith.constant 0 : i32
      %dma_start3A_116 = tpu.memref_slice %arg7[%add3A_97, %dma_start3A_115] : memref<160x128xi32, #tpu.memory_space<vmem>> -> memref<1x128xi32, #tpu.memory_space<vmem>>
      %dma_start3A_117 = tpu.memref_squeeze %dma_start3A_116 : memref<1x128xi32, #tpu.memory_space<vmem>> -> memref<128xi32, #tpu.memory_space<vmem>>
      %dma_start3A_118 = arith.constant 0 : i32
      %dma_start3A_119 = arith.constant 0 : i32
      %dma_start3A_120 = tpu.memref_slice %arg13[%dma_start3A_118, %dma_start3A_119] : memref<10240x64xf32, #tpu.memory_space<vmem_shared>> -> memref<10240x64xf32, #tpu.memory_space<vmem_shared>>
      tpu.enqueue_indirect_dma source(%arg9 : memref<128x64xf32, #tpu.memory_space<vmem>>) target(%dma_start3A_120 : memref<10240x64xf32, #tpu.memory_space<vmem_shared>>) offsets(%dma_start3A_117 : memref<128xi32, #tpu.memory_space<vmem>>) semaphore(%arg19 : memref<!tpu.dma_semaphore, #tpu.memory_space<semaphore_mem>>) {add = true}
      %add3A_121 = arith.constant 2 : i32
      %add3A_122 = arith.addi %add3A_97, %add3A_121 : i32
      %dma_start3A_123 = arith.constant 0 : i32
      %dma_start3A_124 = tpu.memref_slice %arg6[%add3A_122, %dma_start3A_123] : memref<160x128xi32, #tpu.memory_space<vmem>> -> memref<1x128xi32, #tpu.memory_space<vmem>>
      %dma_start3A_125 = tpu.memref_squeeze %dma_start3A_124 : memref<1x128xi32, #tpu.memory_space<vmem>> -> memref<128xi32, #tpu.memory_space<vmem>>
      %dma_start3A_126 = arith.constant 0 : i32
      %dma_start3A_127 = arith.constant 0 : i32
      %dma_start3A_128 = tpu.memref_slice %arg2[%arg0, %dma_start3A_126, %dma_start3A_127] : memref<2x10000x64xf32, #tpu.memory_space<hbm>> -> memref<1x10000x64xf32, #tpu.memory_space<hbm>>
      %dma_start3A_129 = tpu.memref_squeeze %dma_start3A_128 : memref<1x10000x64xf32, #tpu.memory_space<hbm>> -> memref<10000x64xf32, #tpu.memory_space<hbm>>
      %dma_start3A_130 = arith.constant 0 : i32
      %dma_start3A_131 = arith.constant 0 : i32
      %dma_start3A_132 = tpu.memref_slice %dma_start3A_129[%dma_start3A_130, %dma_start3A_131] : memref<10000x64xf32, #tpu.memory_space<hbm>> -> memref<10000x64xf32, #tpu.memory_space<hbm>>
      tpu.enqueue_indirect_dma source(%dma_start3A_132 : memref<10000x64xf32, #tpu.memory_space<hbm>>) target(%arg11 : memref<128x64xf32, #tpu.memory_space<vmem>>) offsets(%dma_start3A_125 : memref<128xi32, #tpu.memory_space<vmem>>) semaphore(%arg17 : memref<!tpu.dma_semaphore, #tpu.memory_space<semaphore_mem>>)
      %add3A_133 = arith.constant 2 : i32
      %add3A_134 = arith.addi %mul3A_63, %add3A_133 : i32
      %dma_wait3A_135 = arith.constant 0 : i32
      %dma_wait3A_136 = tpu.memref_slice %arg6[%add3A_134, %dma_wait3A_135] : memref<160x128xi32, #tpu.memory_space<vmem>> -> memref<1x128xi32, #tpu.memory_space<vmem>>
      %dma_wait3A_137 = tpu.memref_squeeze %dma_wait3A_136 : memref<1x128xi32, #tpu.memory_space<vmem>> -> memref<128xi32, #tpu.memory_space<vmem>>
      %dma_wait3A_138 = arith.constant 0 : i32
      %dma_wait3A_139 = arith.constant 0 : i32
      %dma_wait3A_140 = tpu.memref_slice %arg2[%arg0, %dma_wait3A_138, %dma_wait3A_139] : memref<2x10000x64xf32, #tpu.memory_space<hbm>> -> memref<1x10000x64xf32, #tpu.memory_space<hbm>>
      %dma_wait3A_141 = tpu.memref_squeeze %dma_wait3A_140 : memref<1x10000x64xf32, #tpu.memory_space<hbm>> -> memref<10000x64xf32, #tpu.memory_space<hbm>>
      %dma_wait3A_142 = arith.constant 0 : i32
      %dma_wait3A_143 = arith.constant 0 : i32
      %dma_wait3A_144 = tpu.memref_slice %dma_wait3A_141[%dma_wait3A_142, %dma_wait3A_143] : memref<10000x64xf32, #tpu.memory_space<hbm>> -> memref<10000x64xf32, #tpu.memory_space<hbm>>
      tpu.wait_indirect_dma semaphore(%arg16 : memref<!tpu.dma_semaphore, #tpu.memory_space<semaphore_mem>>) src(%dma_wait3A_144 : memref<10000x64xf32, #tpu.memory_space<hbm>>) dst(%arg10 : memref<128x64xf32, #tpu.memory_space<vmem>>)
      %sub3A_145 = arith.constant 1 : i32
      %sub3A_146 = arith.subi %add3A_134, %sub3A_145 : i32
      %dma_wait3A_147 = arith.constant 0 : i32
      %dma_wait3A_148 = tpu.memref_slice %arg7[%sub3A_146, %dma_wait3A_147] : memref<160x128xi32, #tpu.memory_space<vmem>> -> memref<1x128xi32, #tpu.memory_space<vmem>>
      %dma_wait3A_149 = tpu.memref_squeeze %dma_wait3A_148 : memref<1x128xi32, #tpu.memory_space<vmem>> -> memref<128xi32, #tpu.memory_space<vmem>>
      %dma_wait3A_150 = arith.constant 0 : i32
      %dma_wait3A_151 = arith.constant 0 : i32
      %dma_wait3A_152 = tpu.memref_slice %arg13[%dma_wait3A_150, %dma_wait3A_151] : memref<10240x64xf32, #tpu.memory_space<vmem_shared>> -> memref<10240x64xf32, #tpu.memory_space<vmem_shared>>
      tpu.wait_indirect_dma semaphore(%arg19 : memref<!tpu.dma_semaphore, #tpu.memory_space<semaphore_mem>>) src(%arg9 : memref<128x64xf32, #tpu.memory_space<vmem>>) dst(%dma_wait3A_152 : memref<10240x64xf32, #tpu.memory_space<vmem_shared>>)
      %dma_start3A_153 = arith.constant 0 : i32
      %dma_start3A_154 = tpu.memref_slice %arg7[%add3A_134, %dma_start3A_153] : memref<160x128xi32, #tpu.memory_space<vmem>> -> memref<1x128xi32, #tpu.memory_space<vmem>>
      %dma_start3A_155 = tpu.memref_squeeze %dma_start3A_154 : memref<1x128xi32, #tpu.memory_space<vmem>> -> memref<128xi32, #tpu.memory_space<vmem>>
      %dma_start3A_156 = arith.constant 0 : i32
      %dma_start3A_157 = arith.constant 0 : i32
      %dma_start3A_158 = tpu.memref_slice %arg13[%dma_start3A_156, %dma_start3A_157] : memref<10240x64xf32, #tpu.memory_space<vmem_shared>> -> memref<10240x64xf32, #tpu.memory_space<vmem_shared>>
      tpu.enqueue_indirect_dma source(%arg10 : memref<128x64xf32, #tpu.memory_space<vmem>>) target(%dma_start3A_158 : memref<10240x64xf32, #tpu.memory_space<vmem_shared>>) offsets(%dma_start3A_155 : memref<128xi32, #tpu.memory_space<vmem>>) semaphore(%arg20 : memref<!tpu.dma_semaphore, #tpu.memory_space<semaphore_mem>>) {add = true}
      %add3A_159 = arith.constant 2 : i32
      %add3A_160 = arith.addi %add3A_134, %add3A_159 : i32
      %lt3A = arith.constant 160 : i32
      %lt3A_161 = arith.cmpi slt, %add3A_160, %lt3A : i32
      %convert_element_type3A_162 = arith.extui %lt3A_161 : i1 to i32
      %cond3A_163 = arith.constant 0 : i32
      %cond3A_164 = arith.cmpi ne, %convert_element_type3A_162, %cond3A_163 : i32
      scf.if %cond3A_164 {
        %add3A_198 = arith.constant 2 : i32
        %add3A_199 = arith.addi %add3A_134, %add3A_198 : i32
        %dma_start3A_200 = arith.constant 0 : i32
        %dma_start3A_201 = tpu.memref_slice %arg6[%add3A_199, %dma_start3A_200] : memref<160x128xi32, #tpu.memory_space<vmem>> -> memref<1x128xi32, #tpu.memory_space<vmem>>
        %dma_start3A_202 = tpu.memref_squeeze %dma_start3A_201 : memref<1x128xi32, #tpu.memory_space<vmem>> -> memref<128xi32, #tpu.memory_space<vmem>>
        %dma_start3A_203 = arith.constant 0 : i32
        %dma_start3A_204 = arith.constant 0 : i32
        %dma_start3A_205 = tpu.memref_slice %arg2[%arg0, %dma_start3A_203, %dma_start3A_204] : memref<2x10000x64xf32, #tpu.memory_space<hbm>> -> memref<1x10000x64xf32, #tpu.memory_space<hbm>>
        %dma_start3A_206 = tpu.memref_squeeze %dma_start3A_205 : memref<1x10000x64xf32, #tpu.memory_space<hbm>> -> memref<10000x64xf32, #tpu.memory_space<hbm>>
        %dma_start3A_207 = arith.constant 0 : i32
        %dma_start3A_208 = arith.constant 0 : i32
        %dma_start3A_209 = tpu.memref_slice %dma_start3A_206[%dma_start3A_207, %dma_start3A_208] : memref<10000x64xf32, #tpu.memory_space<hbm>> -> memref<10000x64xf32, #tpu.memory_space<hbm>>
        tpu.enqueue_indirect_dma source(%dma_start3A_209 : memref<10000x64xf32, #tpu.memory_space<hbm>>) target(%arg8 : memref<128x64xf32, #tpu.memory_space<vmem>>) offsets(%dma_start3A_202 : memref<128xi32, #tpu.memory_space<vmem>>) semaphore(%arg14 : memref<!tpu.dma_semaphore, #tpu.memory_space<semaphore_mem>>)
      } else {
      }
      %add3A_165 = arith.constant 3 : i32
      %add3A_166 = arith.addi %mul3A_63, %add3A_165 : i32
      %dma_wait3A_167 = arith.constant 0 : i32
      %dma_wait3A_168 = tpu.memref_slice %arg6[%add3A_166, %dma_wait3A_167] : memref<160x128xi32, #tpu.memory_space<vmem>> -> memref<1x128xi32, #tpu.memory_space<vmem>>
      %dma_wait3A_169 = tpu.memref_squeeze %dma_wait3A_168 : memref<1x128xi32, #tpu.memory_space<vmem>> -> memref<128xi32, #tpu.memory_space<vmem>>
      %dma_wait3A_170 = arith.constant 0 : i32
      %dma_wait3A_171 = arith.constant 0 : i32
      %dma_wait3A_172 = tpu.memref_slice %arg2[%arg0, %dma_wait3A_170, %dma_wait3A_171] : memref<2x10000x64xf32, #tpu.memory_space<hbm>> -> memref<1x10000x64xf32, #tpu.memory_space<hbm>>
      %dma_wait3A_173 = tpu.memref_squeeze %dma_wait3A_172 : memref<1x10000x64xf32, #tpu.memory_space<hbm>> -> memref<10000x64xf32, #tpu.memory_space<hbm>>
      %dma_wait3A_174 = arith.constant 0 : i32
      %dma_wait3A_175 = arith.constant 0 : i32
      %dma_wait3A_176 = tpu.memref_slice %dma_wait3A_173[%dma_wait3A_174, %dma_wait3A_175] : memref<10000x64xf32, #tpu.memory_space<hbm>> -> memref<10000x64xf32, #tpu.memory_space<hbm>>
      tpu.wait_indirect_dma semaphore(%arg17 : memref<!tpu.dma_semaphore, #tpu.memory_space<semaphore_mem>>) src(%dma_wait3A_176 : memref<10000x64xf32, #tpu.memory_space<hbm>>) dst(%arg11 : memref<128x64xf32, #tpu.memory_space<vmem>>)
      %sub3A_177 = arith.constant 1 : i32
      %sub3A_178 = arith.subi %add3A_166, %sub3A_177 : i32
      %dma_wait3A_179 = arith.constant 0 : i32
      %dma_wait3A_180 = tpu.memref_slice %arg7[%sub3A_178, %dma_wait3A_179] : memref<160x128xi32, #tpu.memory_space<vmem>> -> memref<1x128xi32, #tpu.memory_space<vmem>>
      %dma_wait3A_181 = tpu.memref_squeeze %dma_wait3A_180 : memref<1x128xi32, #tpu.memory_space<vmem>> -> memref<128xi32, #tpu.memory_space<vmem>>
      %dma_wait3A_182 = arith.constant 0 : i32
      %dma_wait3A_183 = arith.constant 0 : i32
      %dma_wait3A_184 = tpu.memref_slice %arg13[%dma_wait3A_182, %dma_wait3A_183] : memref<10240x64xf32, #tpu.memory_space<vmem_shared>> -> memref<10240x64xf32, #tpu.memory_space<vmem_shared>>
      tpu.wait_indirect_dma semaphore(%arg20 : memref<!tpu.dma_semaphore, #tpu.memory_space<semaphore_mem>>) src(%arg10 : memref<128x64xf32, #tpu.memory_space<vmem>>) dst(%dma_wait3A_184 : memref<10240x64xf32, #tpu.memory_space<vmem_shared>>)
      %dma_start3A_185 = arith.constant 0 : i32
      %dma_start3A_186 = tpu.memref_slice %arg7[%add3A_166, %dma_start3A_185] : memref<160x128xi32, #tpu.memory_space<vmem>> -> memref<1x128xi32, #tpu.memory_space<vmem>>
      %dma_start3A_187 = tpu.memref_squeeze %dma_start3A_186 : memref<1x128xi32, #tpu.memory_space<vmem>> -> memref<128xi32, #tpu.memory_space<vmem>>
      %dma_start3A_188 = arith.constant 0 : i32
      %dma_start3A_189 = arith.constant 0 : i32
      %dma_start3A_190 = tpu.memref_slice %arg13[%dma_start3A_188, %dma_start3A_189] : memref<10240x64xf32, #tpu.memory_space<vmem_shared>> -> memref<10240x64xf32, #tpu.memory_space<vmem_shared>>
      tpu.enqueue_indirect_dma source(%arg11 : memref<128x64xf32, #tpu.memory_space<vmem>>) target(%dma_start3A_190 : memref<10240x64xf32, #tpu.memory_space<vmem_shared>>) offsets(%dma_start3A_187 : memref<128xi32, #tpu.memory_space<vmem>>) semaphore(%arg21 : memref<!tpu.dma_semaphore, #tpu.memory_space<semaphore_mem>>) {add = true}
      %add3A_191 = arith.constant 2 : i32
      %add3A_192 = arith.addi %add3A_166, %add3A_191 : i32
      %lt3A_193 = arith.constant 160 : i32
      %lt3A_194 = arith.cmpi slt, %add3A_192, %lt3A_193 : i32
      %convert_element_type3A_195 = arith.extui %lt3A_194 : i1 to i32
      %cond3A_196 = arith.constant 0 : i32
      %cond3A_197 = arith.cmpi ne, %convert_element_type3A_195, %cond3A_196 : i32
      scf.if %cond3A_197 {
        %add3A_198 = arith.constant 2 : i32
        %add3A_199 = arith.addi %add3A_166, %add3A_198 : i32
        %dma_start3A_200 = arith.constant 0 : i32
        %dma_start3A_201 = tpu.memref_slice %arg6[%add3A_199, %dma_start3A_200] : memref<160x128xi32, #tpu.memory_space<vmem>> -> memref<1x128xi32, #tpu.memory_space<vmem>>
        %dma_start3A_202 = tpu.memref_squeeze %dma_start3A_201 : memref<1x128xi32, #tpu.memory_space<vmem>> -> memref<128xi32, #tpu.memory_space<vmem>>
        %dma_start3A_203 = arith.constant 0 : i32
        %dma_start3A_204 = arith.constant 0 : i32
        %dma_start3A_205 = tpu.memref_slice %arg2[%arg0, %dma_start3A_203, %dma_start3A_204] : memref<2x10000x64xf32, #tpu.memory_space<hbm>> -> memref<1x10000x64xf32, #tpu.memory_space<hbm>>
        %dma_start3A_206 = tpu.memref_squeeze %dma_start3A_205 : memref<1x10000x64xf32, #tpu.memory_space<hbm>> -> memref<10000x64xf32, #tpu.memory_space<hbm>>
        %dma_start3A_207 = arith.constant 0 : i32
        %dma_start3A_208 = arith.constant 0 : i32
        %dma_start3A_209 = tpu.memref_slice %dma_start3A_206[%dma_start3A_207, %dma_start3A_208] : memref<10000x64xf32, #tpu.memory_space<hbm>> -> memref<10000x64xf32, #tpu.memory_space<hbm>>
        tpu.enqueue_indirect_dma source(%dma_start3A_209 : memref<10000x64xf32, #tpu.memory_space<hbm>>) target(%arg9 : memref<128x64xf32, #tpu.memory_space<vmem>>) offsets(%dma_start3A_202 : memref<128xi32, #tpu.memory_space<vmem>>) semaphore(%arg15 : memref<!tpu.dma_semaphore, #tpu.memory_space<semaphore_mem>>)
      } else {
      }
    }
    %scan3A_49 = arith.constant 40 : i32
    %dma_wait3A = arith.constant 159 : i32
    %dma_wait3A_50 = arith.constant 0 : i32
    %dma_wait3A_51 = tpu.memref_slice %arg7[%dma_wait3A, %dma_wait3A_50] : memref<160x128xi32, #tpu.memory_space<vmem>> -> memref<1x128xi32, #tpu.memory_space<vmem>>
    %dma_wait3A_52 = tpu.memref_squeeze %dma_wait3A_51 : memref<1x128xi32, #tpu.memory_space<vmem>> -> memref<128xi32, #tpu.memory_space<vmem>>
    %dma_wait3A_53 = arith.constant 0 : i32
    %dma_wait3A_54 = arith.constant 0 : i32
    %dma_wait3A_55 = tpu.memref_slice %arg13[%dma_wait3A_53, %dma_wait3A_54] : memref<10240x64xf32, #tpu.memory_space<vmem_shared>> -> memref<10240x64xf32, #tpu.memory_space<vmem_shared>>
    tpu.wait_indirect_dma semaphore(%arg21 : memref<!tpu.dma_semaphore, #tpu.memory_space<semaphore_mem>>) src(%arg11 : memref<128x64xf32, #tpu.memory_space<vmem>>) dst(%dma_wait3A_55 : memref<10240x64xf32, #tpu.memory_space<vmem_shared>>)
    %barrier3A_56 = arith.constant 0 : index
    tpu.barrier barrier_id(%barrier3A_56)
    %mul3A_57 = arith.constant 640 : i32
    %mul3A_58 = arith.muli %arg1, %mul3A_57 : i32
    %mul3A_59 = arith.constant 640 : i32
    %mul3A_60 = arith.muli %arg1, %mul3A_59 : i32
    "tpu.region"() ({
      %run_scoped3A = tpu.sem_alloc : memref<!tpu.dma_semaphore, #tpu.memory_space<semaphore_mem>>
      %dma_start3A_61 = arith.constant 0 : i32
      %dma_start3A_62 = tpu.memref_slice %arg5[%arg0, %mul3A_60, %dma_start3A_61] : memref<2x10240x64xf32, #tpu.memory_space<hbm>> -> memref<1x640x64xf32, #tpu.memory_space<hbm>>
      %dma_start3A_63 = tpu.memref_squeeze %dma_start3A_62 : memref<1x640x64xf32, #tpu.memory_space<hbm>> -> memref<640x64xf32, #tpu.memory_space<hbm>>
      %dma_start3A_64 = arith.constant 0 : i32
      %dma_start3A_65 = tpu.memref_slice %arg13[%mul3A_58, %dma_start3A_64] : memref<10240x64xf32, #tpu.memory_space<vmem_shared>> -> memref<640x64xf32, #tpu.memory_space<vmem_shared>>
      tpu.enqueue_dma source(%dma_start3A_65 : memref<640x64xf32, #tpu.memory_space<vmem_shared>>) target(%dma_start3A_63 : memref<640x64xf32, #tpu.memory_space<hbm>>) target_semaphore(%run_scoped3A : memref<!tpu.dma_semaphore, #tpu.memory_space<semaphore_mem>>)
      %dma_wait3A_66 = arith.constant 0 : i32
      %dma_wait3A_67 = tpu.memref_slice %arg5[%arg0, %mul3A_60, %dma_wait3A_66] : memref<2x10240x64xf32, #tpu.memory_space<hbm>> -> memref<1x640x64xf32, #tpu.memory_space<hbm>>
      %dma_wait3A_68 = tpu.memref_squeeze %dma_wait3A_67 : memref<1x640x64xf32, #tpu.memory_space<hbm>> -> memref<640x64xf32, #tpu.memory_space<hbm>>
      %dma_wait3A_69 = arith.constant 0 : i32
      %dma_wait3A_70 = tpu.memref_slice %arg13[%mul3A_58, %dma_wait3A_69] : memref<10240x64xf32, #tpu.memory_space<vmem_shared>> -> memref<640x64xf32, #tpu.memory_space<vmem_shared>>
      tpu.wait_dma2 semaphore(%run_scoped3A : memref<!tpu.dma_semaphore, #tpu.memory_space<semaphore_mem>>) src(%dma_wait3A_70 : memref<640x64xf32, #tpu.memory_space<vmem_shared>>) dst(%dma_wait3A_68 : memref<640x64xf32, #tpu.memory_space<hbm>>)
      tpu.yield
    }) : () -> ()
    return
  }
}

module attributes {stable_mosaic.version = 14 : i64} {
  func.func @body(%arg0: i32, %arg1: memref<1000x128xf32, #tpu.memory_space<vmem>>, %arg2: memref<2x128xf32, #tpu.memory_space<vmem>>, %arg3: memref<2x128xf32, #tpu.memory_space<vmem>>) attributes {dimension_semantics = [#tpu.dimension_semantics<arbitrary>], iteration_bounds = array<i64: 10>, scalar_prefetch = 0 : i64, scratch_operands = 1 : i64, tpu.core_type = #tpu.core_type<tc>, window_params = [{transform_indices = @transform_0, window_bounds = array<i64: 1000, 128>}, {pipeline_mode = #tpu.pipeline_mode<synchronous>, transform_indices = @transform_1, window_bounds = array<i64: 2, 128>}]} {
    %eq3A = arith.constant 0 : i32
    %eq3A_0 = arith.cmpi eq, %arg0, %eq3A : i32
    %convert_element_type3A = arith.extui %eq3A_0 : i1 to i32
    %cond3A = arith.constant 0 : i32
    %cond3A_1 = arith.cmpi ne, %convert_element_type3A, %cond3A : i32
    scf.if %cond3A_1 {
      %broadcast_in_dim3A_19 = arith.constant 0.000000e+00 : f32
      %broadcast_in_dim3A_20 = vector.broadcast %broadcast_in_dim3A_19 : f32 to vector<2x128xf32>
      %swap3A_21 = arith.constant 0 : index
      %swap3A_22 = arith.constant 0 : index
      %swap3A_23 = vector.load %arg3[%swap3A_21, %swap3A_22] : memref<2x128xf32, #tpu.memory_space<vmem>>, vector<2x128xf32>
      tpu.vector_store %arg3[%swap3A_21, %swap3A_22], %broadcast_in_dim3A_20 {strides = array<i32>} : memref<2x128xf32, #tpu.memory_space<vmem>>, vector<2x128xf32>,
    } else {
    }
    %get3A = arith.constant 0 : index
    %get3A_2 = arith.constant 0 : index
    %get3A_3 = vector.load %arg1[%get3A, %get3A_2] : memref<1000x128xf32, #tpu.memory_space<vmem>>, vector<1000x128xf32>
    %get3A_4 = arith.constant 0 : index
    %get3A_5 = arith.constant 0 : index
    %get3A_6 = vector.load %arg3[%get3A_4, %get3A_5] : memref<2x128xf32, #tpu.memory_space<vmem>>, vector<2x128xf32>
    %reduce_sum3A = arith.constant dense<0.000000e+00> : vector<128xf32>
    %reduce_sum3A_7 = vector.multi_reduction <add>, %get3A_3, %reduce_sum3A [0] : vector<1000x128xf32> to vector<128xf32>
    %broadcast_in_dim3A = vector.shape_cast %reduce_sum3A_7 : vector<128xf32> to vector<1x128xf32>
    %mul3A = arith.mulf %get3A_3, %get3A_3 : vector<1000x128xf32>
    %reduce_sum3A_8 = arith.constant dense<0.000000e+00> : vector<128xf32>
    %reduce_sum3A_9 = vector.multi_reduction <add>, %mul3A, %reduce_sum3A_8 [0] : vector<1000x128xf32> to vector<128xf32>
    %broadcast_in_dim3A_10 = vector.shape_cast %reduce_sum3A_9 : vector<128xf32> to vector<1x128xf32>
    %concatenate3A = tpu.concatenate %broadcast_in_dim3A, %broadcast_in_dim3A_10 in 0 : vector<1x128xf32>, vector<1x128xf32> -> vector<2x128xf32>
    %add3A = arith.addf %get3A_6, %concatenate3A : vector<2x128xf32>
    %swap3A = arith.constant 0 : index
    %swap3A_11 = arith.constant 0 : index
    %swap3A_12 = vector.load %arg3[%swap3A, %swap3A_11] : memref<2x128xf32, #tpu.memory_space<vmem>>, vector<2x128xf32>
    tpu.vector_store %arg3[%swap3A, %swap3A_11], %add3A {strides = array<i32>} : memref<2x128xf32, #tpu.memory_space<vmem>>, vector<2x128xf32>,
    %get3A_13 = arith.constant 0 : index
    %get3A_14 = arith.constant 0 : index
    %get3A_15 = vector.load %arg3[%get3A_13, %get3A_14] : memref<2x128xf32, #tpu.memory_space<vmem>>, vector<2x128xf32>
    %swap3A_16 = arith.constant 0 : index
    %swap3A_17 = arith.constant 0 : index
    %swap3A_18 = vector.load %arg2[%swap3A_16, %swap3A_17] : memref<2x128xf32, #tpu.memory_space<vmem>>, vector<2x128xf32>
    tpu.vector_store %arg2[%swap3A_16, %swap3A_17], %get3A_15 {strides = array<i32>} : memref<2x128xf32, #tpu.memory_space<vmem>>, vector<2x128xf32>,
    return
  }
  func.func @transform_0(%arg0: i32) -> (i32, i32) {
    %c0_i32 = arith.constant 0 : i32
    %c0_i32_0 = arith.constant 0 : i32
    return %arg0, %c0_i32 : i32, i32
  }
  func.func @transform_1(%arg0: i32) -> (i32, i32) {
    %c0_i32 = arith.constant 0 : i32
    %c0_i32_0 = arith.constant 0 : i32
    %c0_i32_1 = arith.constant 0 : i32
    return %c0_i32, %c0_i32_0 : i32, i32
  }
}

module attributes {stable_mosaic.version = 14 : i64} {
  func.func @body(%arg0: i32, %arg1: memref<1000x128xf32, #tpu.memory_space<vmem>>, %arg2: memref<128x128xf32, #tpu.memory_space<vmem>>, %arg3: memref<2x128xf32, #tpu.memory_space<vmem>>, %arg4: memref<1x128xf32, #tpu.memory_space<vmem>>, %arg5: memref<1x128xf32, #tpu.memory_space<vmem>>, %arg6: memref<1000x128xf32, #tpu.memory_space<vmem>>, %arg7: memref<2x128xf32, #tpu.memory_space<vmem>>, %arg8: memref<2x128xf32, #tpu.memory_space<vmem>>) attributes {dimension_semantics = [#tpu.dimension_semantics<arbitrary>], iteration_bounds = array<i64: 10>, scalar_prefetch = 0 : i64, scratch_operands = 1 : i64, tpu.core_type = #tpu.core_type<tc>, window_params = [{transform_indices = @transform_0, window_bounds = array<i64: 1000, 128>}, {pipeline_mode = #tpu.pipeline_mode<synchronous>, transform_indices = @transform_1, window_bounds = array<i64: 128, 128>}, {pipeline_mode = #tpu.pipeline_mode<synchronous>, transform_indices = @transform_2, window_bounds = array<i64: 2, 128>}, {pipeline_mode = #tpu.pipeline_mode<synchronous>, transform_indices = @transform_3, window_bounds = array<i64: 1, 128>}, {pipeline_mode = #tpu.pipeline_mode<synchronous>, transform_indices = @transform_4, window_bounds = array<i64: 1, 128>}, {transform_indices = @transform_5, window_bounds = array<i64: 1000, 128>}, {pipeline_mode = #tpu.pipeline_mode<synchronous>, transform_indices = @transform_6, window_bounds = array<i64: 2, 128>}]} {
    %get3A = arith.constant 0 : index
    %get3A_0 = arith.constant 0 : index
    %get3A_1 = vector.load %arg3[%get3A, %get3A_0] : memref<2x128xf32, #tpu.memory_space<vmem>>, vector<2x128xf32>
    %slice3A = vector.extract_strided_slice %get3A_1 {offsets = [0, 0], sizes = [1, 128], strides = [1, 1]} : vector<2x128xf32> to vector<1x128xf32>
    %div3A = arith.constant 1.000000e+04 : f32
    %div3A_2 = vector.broadcast %div3A : f32 to vector<1x128xf32>
    %div3A_3 = arith.divf %slice3A, %div3A_2 : vector<1x128xf32>
    %slice3A_4 = vector.extract_strided_slice %get3A_1 {offsets = [1, 0], sizes = [1, 128], strides = [1, 1]} : vector<2x128xf32> to vector<1x128xf32>
    %div3A_5 = arith.constant 1.000000e+04 : f32
    %div3A_6 = vector.broadcast %div3A_5 : f32 to vector<1x128xf32>
    %div3A_7 = arith.divf %slice3A_4, %div3A_6 : vector<1x128xf32>
    %mul3A = arith.mulf %div3A_3, %div3A_3 : vector<1x128xf32>
    %sub3A = arith.subf %div3A_7, %mul3A : vector<1x128xf32>
    %get3A_8 = arith.constant 0 : index
    %get3A_9 = arith.constant 0 : index
    %get3A_10 = vector.load %arg4[%get3A_8, %get3A_9] : memref<1x128xf32, #tpu.memory_space<vmem>>, vector<1x128xf32>
    %add3A = arith.constant 9.99999974E-6 : f32
    %add3A_11 = vector.broadcast %add3A : f32 to vector<1x128xf32>
    %add3A_12 = arith.addf %sub3A, %add3A_11 : vector<1x128xf32>
    %rsqrt3A = math.rsqrt %add3A_12 : vector<1x128xf32>
    %mul3A_13 = arith.mulf %get3A_10, %rsqrt3A : vector<1x128xf32>
    %get3A_14 = arith.constant 0 : index
    %get3A_15 = arith.constant 0 : index
    %get3A_16 = vector.load %arg5[%get3A_14, %get3A_15] : memref<1x128xf32, #tpu.memory_space<vmem>>, vector<1x128xf32>
    %mul3A_17 = arith.mulf %mul3A_13, %div3A_3 : vector<1x128xf32>
    %sub3A_18 = arith.subf %get3A_16, %mul3A_17 : vector<1x128xf32>
    %get3A_19 = arith.constant 0 : index
    %get3A_20 = arith.constant 0 : index
    %get3A_21 = vector.load %arg1[%get3A_19, %get3A_20] : memref<1000x128xf32, #tpu.memory_space<vmem>>, vector<1000x128xf32>
    %mul3A_22 = vector.broadcast %mul3A_13 : vector<1x128xf32> to vector<1000x128xf32>
    %mul3A_23 = arith.mulf %get3A_21, %mul3A_22 : vector<1000x128xf32>
    %add3A_24 = vector.broadcast %sub3A_18 : vector<1x128xf32> to vector<1000x128xf32>
    %add3A_25 = arith.addf %mul3A_23, %add3A_24 : vector<1000x128xf32>
    %get3A_26 = arith.constant 0 : index
    %get3A_27 = arith.constant 0 : index
    %get3A_28 = vector.load %arg2[%get3A_26, %get3A_27] : memref<128x128xf32, #tpu.memory_space<vmem>>, vector<128x128xf32>
    %dot_general3A = arith.constant dense<0.000000e+00> : vector<1000x128xf32>
    %dot_general3A_29 = tpu.matmul %add3A_25, %get3A_28, %dot_general3A {dimension_numbers = #tpu.dot_dimension_numbers<[1], [0], [0], [1], [0, 0, 1, 1], [], []>, transpose_lhs_hint = false} : vector<1000x128xf32>, vector<128x128xf32>, vector<1000x128xf32> -> vector<1000x128xf32>
    %max3A = arith.constant 0.000000e+00 : f32
    %max3A_30 = vector.broadcast %max3A : f32 to vector<1000x128xf32>
    %max3A_31 = arith.maximumf %dot_general3A_29, %max3A_30 : vector<1000x128xf32>
    %swap3A = arith.constant 0 : index
    %swap3A_32 = arith.constant 0 : index
    %swap3A_33 = vector.load %arg6[%swap3A, %swap3A_32] : memref<1000x128xf32, #tpu.memory_space<vmem>>, vector<1000x128xf32>
    tpu.vector_store %arg6[%swap3A, %swap3A_32], %max3A_31 {strides = array<i32>} : memref<1000x128xf32, #tpu.memory_space<vmem>>, vector<1000x128xf32>,
    %eq3A = arith.constant 0 : i32
    %eq3A_34 = arith.cmpi eq, %arg0, %eq3A : i32
    %convert_element_type3A = arith.extui %eq3A_34 : i1 to i32
    %cond3A = arith.constant 0 : i32
    %cond3A_35 = arith.cmpi ne, %convert_element_type3A, %cond3A : i32
    scf.if %cond3A_35 {
      %broadcast_in_dim3A_54 = arith.constant 0.000000e+00 : f32
      %broadcast_in_dim3A_55 = vector.broadcast %broadcast_in_dim3A_54 : f32 to vector<2x128xf32>
      %swap3A_56 = arith.constant 0 : index
      %swap3A_57 = arith.constant 0 : index
      %swap3A_58 = vector.load %arg8[%swap3A_56, %swap3A_57] : memref<2x128xf32, #tpu.memory_space<vmem>>, vector<2x128xf32>
      tpu.vector_store %arg8[%swap3A_56, %swap3A_57], %broadcast_in_dim3A_55 {strides = array<i32>} : memref<2x128xf32, #tpu.memory_space<vmem>>, vector<2x128xf32>,
    } else {
    }
    %get3A_36 = arith.constant 0 : index
    %get3A_37 = arith.constant 0 : index
    %get3A_38 = vector.load %arg8[%get3A_36, %get3A_37] : memref<2x128xf32, #tpu.memory_space<vmem>>, vector<2x128xf32>
    %reduce_sum3A = arith.constant dense<0.000000e+00> : vector<128xf32>
    %reduce_sum3A_39 = vector.multi_reduction <add>, %max3A_31, %reduce_sum3A [0] : vector<1000x128xf32> to vector<128xf32>
    %broadcast_in_dim3A = vector.shape_cast %reduce_sum3A_39 : vector<128xf32> to vector<1x128xf32>
    %mul3A_40 = arith.mulf %max3A_31, %max3A_31 : vector<1000x128xf32>
    %reduce_sum3A_41 = arith.constant dense<0.000000e+00> : vector<128xf32>
    %reduce_sum3A_42 = vector.multi_reduction <add>, %mul3A_40, %reduce_sum3A_41 [0] : vector<1000x128xf32> to vector<128xf32>
    %broadcast_in_dim3A_43 = vector.shape_cast %reduce_sum3A_42 : vector<128xf32> to vector<1x128xf32>
    %concatenate3A = tpu.concatenate %broadcast_in_dim3A, %broadcast_in_dim3A_43 in 0 : vector<1x128xf32>, vector<1x128xf32> -> vector<2x128xf32>
    %add3A_44 = arith.addf %get3A_38, %concatenate3A : vector<2x128xf32>
    %swap3A_45 = arith.constant 0 : index
    %swap3A_46 = arith.constant 0 : index
    %swap3A_47 = vector.load %arg8[%swap3A_45, %swap3A_46] : memref<2x128xf32, #tpu.memory_space<vmem>>, vector<2x128xf32>
    tpu.vector_store %arg8[%swap3A_45, %swap3A_46], %add3A_44 {strides = array<i32>} : memref<2x128xf32, #tpu.memory_space<vmem>>, vector<2x128xf32>,
    %get3A_48 = arith.constant 0 : index
    %get3A_49 = arith.constant 0 : index
    %get3A_50 = vector.load %arg8[%get3A_48, %get3A_49] : memref<2x128xf32, #tpu.memory_space<vmem>>, vector<2x128xf32>
    %swap3A_51 = arith.constant 0 : index
    %swap3A_52 = arith.constant 0 : index
    %swap3A_53 = vector.load %arg7[%swap3A_51, %swap3A_52] : memref<2x128xf32, #tpu.memory_space<vmem>>, vector<2x128xf32>
    tpu.vector_store %arg7[%swap3A_51, %swap3A_52], %get3A_50 {strides = array<i32>} : memref<2x128xf32, #tpu.memory_space<vmem>>, vector<2x128xf32>,
    return
  }
  func.func @transform_0(%arg0: i32) -> (i32, i32) {
    %c0_i32 = arith.constant 0 : i32
    %c0_i32_0 = arith.constant 0 : i32
    return %arg0, %c0_i32 : i32, i32
  }
  func.func @transform_1(%arg0: i32) -> (i32, i32) {
    %c0_i32 = arith.constant 0 : i32
    %c0_i32_0 = arith.constant 0 : i32
    %c0_i32_1 = arith.constant 0 : i32
    return %c0_i32, %c0_i32_0 : i32, i32
  }
  func.func @transform_2(%arg0: i32) -> (i32, i32) {
    %c0_i32 = arith.constant 0 : i32
    %c0_i32_0 = arith.constant 0 : i32
    %c0_i32_1 = arith.constant 0 : i32
    return %c0_i32, %c0_i32_0 : i32, i32
  }
  func.func @transform_3(%arg0: i32) -> (i32, i32) {
    %c0_i32 = arith.constant 0 : i32
    %c0_i32_0 = arith.constant 0 : i32
    %c0_i32_1 = arith.constant 0 : i32
    return %c0_i32, %c0_i32_0 : i32, i32
  }
  func.func @transform_4(%arg0: i32) -> (i32, i32) {
    %c0_i32 = arith.constant 0 : i32
    %c0_i32_0 = arith.constant 0 : i32
    %c0_i32_1 = arith.constant 0 : i32
    return %c0_i32, %c0_i32_0 : i32, i32
  }
  func.func @transform_5(%arg0: i32) -> (i32, i32) {
    %c0_i32 = arith.constant 0 : i32
    %c0_i32_0 = arith.constant 0 : i32
    return %arg0, %c0_i32 : i32, i32
  }
  func.func @transform_6(%arg0: i32) -> (i32, i32) {
    %c0_i32 = arith.constant 0 : i32
    %c0_i32_0 = arith.constant 0 : i32
    %c0_i32_1 = arith.constant 0 : i32
    return %c0_i32, %c0_i32_0 : i32, i32
  }
}

module attributes {stable_mosaic.version = 14 : i64} {
  func.func @body(%arg0: i32, %arg1: memref<1000x128xf32, #tpu.memory_space<vmem>>, %arg2: memref<128x128xf32, #tpu.memory_space<vmem>>, %arg3: memref<2x128xf32, #tpu.memory_space<vmem>>, %arg4: memref<1x128xf32, #tpu.memory_space<vmem>>, %arg5: memref<1x128xf32, #tpu.memory_space<vmem>>, %arg6: memref<2x1000x16xf32, #tpu.memory_space<vmem>>, %arg7: memref<2x1000x64xf32, #tpu.memory_space<vmem>>) attributes {dimension_semantics = [#tpu.dimension_semantics<arbitrary>], iteration_bounds = array<i64: 10>, scalar_prefetch = 0 : i64, scratch_operands = 0 : i64, tpu.core_type = #tpu.core_type<tc>, window_params = [{transform_indices = @transform_0, window_bounds = array<i64: 1000, 128>}, {pipeline_mode = #tpu.pipeline_mode<synchronous>, transform_indices = @transform_1, window_bounds = array<i64: 128, 128>}, {pipeline_mode = #tpu.pipeline_mode<synchronous>, transform_indices = @transform_2, window_bounds = array<i64: 2, 128>}, {pipeline_mode = #tpu.pipeline_mode<synchronous>, transform_indices = @transform_3, window_bounds = array<i64: 1, 128>}, {pipeline_mode = #tpu.pipeline_mode<synchronous>, transform_indices = @transform_4, window_bounds = array<i64: 1, 128>}, {transform_indices = @transform_5, window_bounds = array<i64: 2, 1000, 16>}, {transform_indices = @transform_6, window_bounds = array<i64: 2, 1000, 64>}]} {
    %get3A = arith.constant 0 : index
    %get3A_0 = arith.constant 0 : index
    %get3A_1 = vector.load %arg3[%get3A, %get3A_0] : memref<2x128xf32, #tpu.memory_space<vmem>>, vector<2x128xf32>
    %slice3A = vector.extract_strided_slice %get3A_1 {offsets = [0, 0], sizes = [1, 128], strides = [1, 1]} : vector<2x128xf32> to vector<1x128xf32>
    %div3A = arith.constant 1.000000e+04 : f32
    %div3A_2 = vector.broadcast %div3A : f32 to vector<1x128xf32>
    %div3A_3 = arith.divf %slice3A, %div3A_2 : vector<1x128xf32>
    %slice3A_4 = vector.extract_strided_slice %get3A_1 {offsets = [1, 0], sizes = [1, 128], strides = [1, 1]} : vector<2x128xf32> to vector<1x128xf32>
    %div3A_5 = arith.constant 1.000000e+04 : f32
    %div3A_6 = vector.broadcast %div3A_5 : f32 to vector<1x128xf32>
    %div3A_7 = arith.divf %slice3A_4, %div3A_6 : vector<1x128xf32>
    %mul3A = arith.mulf %div3A_3, %div3A_3 : vector<1x128xf32>
    %sub3A = arith.subf %div3A_7, %mul3A : vector<1x128xf32>
    %get3A_8 = arith.constant 0 : index
    %get3A_9 = arith.constant 0 : index
    %get3A_10 = vector.load %arg4[%get3A_8, %get3A_9] : memref<1x128xf32, #tpu.memory_space<vmem>>, vector<1x128xf32>
    %add3A = arith.constant 9.99999974E-6 : f32
    %add3A_11 = vector.broadcast %add3A : f32 to vector<1x128xf32>
    %add3A_12 = arith.addf %sub3A, %add3A_11 : vector<1x128xf32>
    %rsqrt3A = math.rsqrt %add3A_12 : vector<1x128xf32>
    %mul3A_13 = arith.mulf %get3A_10, %rsqrt3A : vector<1x128xf32>
    %get3A_14 = arith.constant 0 : index
    %get3A_15 = arith.constant 0 : index
    %get3A_16 = vector.load %arg5[%get3A_14, %get3A_15] : memref<1x128xf32, #tpu.memory_space<vmem>>, vector<1x128xf32>
    %mul3A_17 = arith.mulf %mul3A_13, %div3A_3 : vector<1x128xf32>
    %sub3A_18 = arith.subf %get3A_16, %mul3A_17 : vector<1x128xf32>
    %get3A_19 = arith.constant 0 : index
    %get3A_20 = arith.constant 0 : index
    %get3A_21 = vector.load %arg1[%get3A_19, %get3A_20] : memref<1000x128xf32, #tpu.memory_space<vmem>>, vector<1000x128xf32>
    %mul3A_22 = vector.broadcast %mul3A_13 : vector<1x128xf32> to vector<1000x128xf32>
    %mul3A_23 = arith.mulf %get3A_21, %mul3A_22 : vector<1000x128xf32>
    %add3A_24 = vector.broadcast %sub3A_18 : vector<1x128xf32> to vector<1000x128xf32>
    %add3A_25 = arith.addf %mul3A_23, %add3A_24 : vector<1000x128xf32>
    %get3A_26 = arith.constant 0 : index
    %get3A_27 = arith.constant 0 : index
    %get3A_28 = arith.constant 0 : index
    %get3A_29 = vector.load %arg6[%get3A_26, %get3A_27, %get3A_28] : memref<2x1000x16xf32, #tpu.memory_space<vmem>>, vector<1x1000x1xf32>
    %get3A_30 = vector.shape_cast %get3A_29 : vector<1x1000x1xf32> to vector<1000x1xf32>
    %get3A_31 = arith.constant 1 : index
    %get3A_32 = arith.constant 0 : index
    %get3A_33 = arith.constant 0 : index
    %get3A_34 = vector.load %arg6[%get3A_31, %get3A_32, %get3A_33] : memref<2x1000x16xf32, #tpu.memory_space<vmem>>, vector<1x1000x1xf32>
    %get3A_35 = vector.shape_cast %get3A_34 : vector<1x1000x1xf32> to vector<1000x1xf32>
    %add3A_36 = arith.addf %get3A_30, %get3A_35 : vector<1000x1xf32>
    %add3A_37 = arith.constant 1.000000e+00 : f32
    %add3A_38 = vector.broadcast %add3A_37 : f32 to vector<1000x1xf32>
    %add3A_39 = arith.addf %add3A_36, %add3A_38 : vector<1000x1xf32>
    %rsqrt3A_40 = math.rsqrt %add3A_39 : vector<1000x1xf32>
    %get3A_41 = arith.constant 0 : index
    %get3A_42 = arith.constant 0 : index
    %get3A_43 = vector.load %arg2[%get3A_41, %get3A_42] : memref<128x128xf32, #tpu.memory_space<vmem>>, vector<128x128xf32>
    %dot_general3A = arith.constant dense<0.000000e+00> : vector<1000x128xf32>
    %dot_general3A_44 = tpu.matmul %add3A_25, %get3A_43, %dot_general3A {dimension_numbers = #tpu.dot_dimension_numbers<[1], [0], [0], [1], [0, 0, 1, 1], [], []>, transpose_lhs_hint = false} : vector<1000x128xf32>, vector<128x128xf32>, vector<1000x128xf32> -> vector<1000x128xf32>
    %mul3A_45 = vector.broadcast %rsqrt3A_40 : vector<1000x1xf32> to vector<1000x128xf32>
    %mul3A_46 = arith.mulf %mul3A_45, %dot_general3A_44 : vector<1000x128xf32>
    %slice3A_47 = vector.extract_strided_slice %mul3A_46 {offsets = [0, 0], sizes = [1000, 64], strides = [1, 1]} : vector<1000x128xf32> to vector<1000x64xf32>
    %slice3A_48 = vector.extract_strided_slice %mul3A_46 {offsets = [0, 64], sizes = [1000, 64], strides = [1, 1]} : vector<1000x128xf32> to vector<1000x64xf32>
    %stack3A = vector.shape_cast %slice3A_47 : vector<1000x64xf32> to vector<1x1000x64xf32>
    %stack3A_49 = vector.shape_cast %slice3A_48 : vector<1000x64xf32> to vector<1x1000x64xf32>
    %stack3A_50 = tpu.concatenate %stack3A, %stack3A_49 in 0 : vector<1x1000x64xf32>, vector<1x1000x64xf32> -> vector<2x1000x64xf32>
    %swap3A = arith.constant 0 : index
    %swap3A_51 = arith.constant 0 : index
    %swap3A_52 = arith.constant 0 : index
    %swap3A_53 = vector.load %arg7[%swap3A, %swap3A_51, %swap3A_52] : memref<2x1000x64xf32, #tpu.memory_space<vmem>>, vector<2x1000x64xf32>
    tpu.vector_store %arg7[%swap3A, %swap3A_51, %swap3A_52], %stack3A_50 {strides = array<i32>} : memref<2x1000x64xf32, #tpu.memory_space<vmem>>, vector<2x1000x64xf32>,
    return
  }
  func.func @transform_0(%arg0: i32) -> (i32, i32) {
    %c0_i32 = arith.constant 0 : i32
    %c0_i32_0 = arith.constant 0 : i32
    return %arg0, %c0_i32 : i32, i32
  }
  func.func @transform_1(%arg0: i32) -> (i32, i32) {
    %c0_i32 = arith.constant 0 : i32
    %c0_i32_0 = arith.constant 0 : i32
    %c0_i32_1 = arith.constant 0 : i32
    return %c0_i32, %c0_i32_0 : i32, i32
  }
  func.func @transform_2(%arg0: i32) -> (i32, i32) {
    %c0_i32 = arith.constant 0 : i32
    %c0_i32_0 = arith.constant 0 : i32
    %c0_i32_1 = arith.constant 0 : i32
    return %c0_i32, %c0_i32_0 : i32, i32
  }
  func.func @transform_3(%arg0: i32) -> (i32, i32) {
    %c0_i32 = arith.constant 0 : i32
    %c0_i32_0 = arith.constant 0 : i32
    %c0_i32_1 = arith.constant 0 : i32
    return %c0_i32, %c0_i32_0 : i32, i32
  }
  func.func @transform_4(%arg0: i32) -> (i32, i32) {
    %c0_i32 = arith.constant 0 : i32
    %c0_i32_0 = arith.constant 0 : i32
    %c0_i32_1 = arith.constant 0 : i32
    return %c0_i32, %c0_i32_0 : i32, i32
  }
  func.func @transform_5(%arg0: i32) -> (i32, i32, i32) {
    %c0_i32 = arith.constant 0 : i32
    %c0_i32_0 = arith.constant 0 : i32
    %c0_i32_1 = arith.constant 0 : i32
    return %c0_i32, %arg0, %c0_i32_0 : i32, i32, i32
  }
  func.func @transform_6(%arg0: i32) -> (i32, i32, i32) {
    %c0_i32 = arith.constant 0 : i32
    %c0_i32_0 = arith.constant 0 : i32
    %c0_i32_1 = arith.constant 0 : i32
    return %c0_i32, %arg0, %c0_i32_0 : i32, i32, i32
  }
}

module attributes {stable_mosaic.version = 14 : i64} {
  func.func @body(%arg0: i32, %arg1: memref<2x1000x64xf32, #tpu.memory_space<vmem>>, %arg2: memref<2x1000x64xf32, #tpu.memory_space<vmem>>, %arg3: memref<2x1000x16xf32, #tpu.memory_space<vmem>>, %arg4: memref<1x128xf32, #tpu.memory_space<vmem>>, %arg5: memref<1000x128xf32, #tpu.memory_space<vmem>>, %arg6: memref<2x128xf32, #tpu.memory_space<vmem>>, %arg7: memref<2x128xf32, #tpu.memory_space<vmem>>) attributes {dimension_semantics = [#tpu.dimension_semantics<arbitrary>], iteration_bounds = array<i64: 10>, scalar_prefetch = 0 : i64, scratch_operands = 1 : i64, tpu.core_type = #tpu.core_type<tc>, window_params = [{transform_indices = @transform_0, window_bounds = array<i64: 2, 1000, 64>}, {transform_indices = @transform_1, window_bounds = array<i64: 2, 1000, 64>}, {transform_indices = @transform_2, window_bounds = array<i64: 2, 1000, 16>}, {pipeline_mode = #tpu.pipeline_mode<synchronous>, transform_indices = @transform_3, window_bounds = array<i64: 1, 128>}, {transform_indices = @transform_4, window_bounds = array<i64: 1000, 128>}, {pipeline_mode = #tpu.pipeline_mode<synchronous>, transform_indices = @transform_5, window_bounds = array<i64: 2, 128>}]} {
    %get3A = arith.constant 0 : index
    %get3A_0 = arith.constant 0 : index
    %get3A_1 = arith.constant 0 : index
    %get3A_2 = vector.load %arg3[%get3A, %get3A_0, %get3A_1] : memref<2x1000x16xf32, #tpu.memory_space<vmem>>, vector<1x1000x1xf32>
    %get3A_3 = vector.shape_cast %get3A_2 : vector<1x1000x1xf32> to vector<1000x1xf32>
    %get3A_4 = arith.constant 1 : index
    %get3A_5 = arith.constant 0 : index
    %get3A_6 = arith.constant 0 : index
    %get3A_7 = vector.load %arg3[%get3A_4, %get3A_5, %get3A_6] : memref<2x1000x16xf32, #tpu.memory_space<vmem>>, vector<1x1000x1xf32>
    %get3A_8 = vector.shape_cast %get3A_7 : vector<1x1000x1xf32> to vector<1000x1xf32>
    %add3A = arith.addf %get3A_3, %get3A_8 : vector<1000x1xf32>
    %add3A_9 = arith.constant 1.000000e+00 : f32
    %add3A_10 = vector.broadcast %add3A_9 : f32 to vector<1000x1xf32>
    %add3A_11 = arith.addf %add3A, %add3A_10 : vector<1000x1xf32>
    %rsqrt3A = math.rsqrt %add3A_11 : vector<1000x1xf32>
    %get3A_12 = arith.constant 0 : index
    %get3A_13 = arith.constant 0 : index
    %get3A_14 = arith.constant 0 : index
    %get3A_15 = vector.load %arg1[%get3A_12, %get3A_13, %get3A_14] : memref<2x1000x64xf32, #tpu.memory_space<vmem>>, vector<1x1000x64xf32>
    %get3A_16 = vector.shape_cast %get3A_15 : vector<1x1000x64xf32> to vector<1000x64xf32>
    %get3A_17 = arith.constant 1 : index
    %get3A_18 = arith.constant 0 : index
    %get3A_19 = arith.constant 0 : index
    %get3A_20 = vector.load %arg1[%get3A_17, %get3A_18, %get3A_19] : memref<2x1000x64xf32, #tpu.memory_space<vmem>>, vector<1x1000x64xf32>
    %get3A_21 = vector.shape_cast %get3A_20 : vector<1x1000x64xf32> to vector<1000x64xf32>
    %concatenate3A = tpu.concatenate %get3A_16, %get3A_21 in 1 : vector<1000x64xf32>, vector<1000x64xf32> -> vector<1000x128xf32>
    %get3A_22 = arith.constant 0 : index
    %get3A_23 = arith.constant 0 : index
    %get3A_24 = arith.constant 0 : index
    %get3A_25 = vector.load %arg2[%get3A_22, %get3A_23, %get3A_24] : memref<2x1000x64xf32, #tpu.memory_space<vmem>>, vector<1x1000x64xf32>
    %get3A_26 = vector.shape_cast %get3A_25 : vector<1x1000x64xf32> to vector<1000x64xf32>
    %get3A_27 = arith.constant 1 : index
    %get3A_28 = arith.constant 0 : index
    %get3A_29 = arith.constant 0 : index
    %get3A_30 = vector.load %arg2[%get3A_27, %get3A_28, %get3A_29] : memref<2x1000x64xf32, #tpu.memory_space<vmem>>, vector<1x1000x64xf32>
    %get3A_31 = vector.shape_cast %get3A_30 : vector<1x1000x64xf32> to vector<1000x64xf32>
    %concatenate3A_32 = tpu.concatenate %get3A_26, %get3A_31 in 1 : vector<1000x64xf32>, vector<1000x64xf32> -> vector<1000x128xf32>
    %add3A_33 = arith.addf %concatenate3A, %concatenate3A_32 : vector<1000x128xf32>
    %mul3A = vector.broadcast %rsqrt3A : vector<1000x1xf32> to vector<1000x128xf32>
    %mul3A_34 = arith.mulf %mul3A, %add3A_33 : vector<1000x128xf32>
    %get3A_35 = arith.constant 0 : index
    %get3A_36 = arith.constant 0 : index
    %get3A_37 = vector.load %arg4[%get3A_35, %get3A_36] : memref<1x128xf32, #tpu.memory_space<vmem>>, vector<1x128xf32>
    %add3A_38 = vector.broadcast %get3A_37 : vector<1x128xf32> to vector<1000x128xf32>
    %add3A_39 = arith.addf %mul3A_34, %add3A_38 : vector<1000x128xf32>
    %max3A = arith.constant 0.000000e+00 : f32
    %max3A_40 = vector.broadcast %max3A : f32 to vector<1000x128xf32>
    %max3A_41 = arith.maximumf %add3A_39, %max3A_40 : vector<1000x128xf32>
    %swap3A = arith.constant 0 : index
    %swap3A_42 = arith.constant 0 : index
    %swap3A_43 = vector.load %arg5[%swap3A, %swap3A_42] : memref<1000x128xf32, #tpu.memory_space<vmem>>, vector<1000x128xf32>
    tpu.vector_store %arg5[%swap3A, %swap3A_42], %max3A_41 {strides = array<i32>} : memref<1000x128xf32, #tpu.memory_space<vmem>>, vector<1000x128xf32>,
    %eq3A = arith.constant 0 : i32
    %eq3A_44 = arith.cmpi eq, %arg0, %eq3A : i32
    %convert_element_type3A = arith.extui %eq3A_44 : i1 to i32
    %cond3A = arith.constant 0 : i32
    %cond3A_45 = arith.cmpi ne, %convert_element_type3A, %cond3A : i32
    scf.if %cond3A_45 {
      %broadcast_in_dim3A_65 = arith.constant 0.000000e+00 : f32
      %broadcast_in_dim3A_66 = vector.broadcast %broadcast_in_dim3A_65 : f32 to vector<2x128xf32>
      %swap3A_67 = arith.constant 0 : index
      %swap3A_68 = arith.constant 0 : index
      %swap3A_69 = vector.load %arg7[%swap3A_67, %swap3A_68] : memref<2x128xf32, #tpu.memory_space<vmem>>, vector<2x128xf32>
      tpu.vector_store %arg7[%swap3A_67, %swap3A_68], %broadcast_in_dim3A_66 {strides = array<i32>} : memref<2x128xf32, #tpu.memory_space<vmem>>, vector<2x128xf32>,
    } else {
    }
    %get3A_46 = arith.constant 0 : index
    %get3A_47 = arith.constant 0 : index
    %get3A_48 = vector.load %arg7[%get3A_46, %get3A_47] : memref<2x128xf32, #tpu.memory_space<vmem>>, vector<2x128xf32>
    %reduce_sum3A = arith.constant dense<0.000000e+00> : vector<128xf32>
    %reduce_sum3A_49 = vector.multi_reduction <add>, %max3A_41, %reduce_sum3A [0] : vector<1000x128xf32> to vector<128xf32>
    %broadcast_in_dim3A = vector.shape_cast %reduce_sum3A_49 : vector<128xf32> to vector<1x128xf32>
    %mul3A_50 = arith.mulf %max3A_41, %max3A_41 : vector<1000x128xf32>
    %reduce_sum3A_51 = arith.constant dense<0.000000e+00> : vector<128xf32>
    %reduce_sum3A_52 = vector.multi_reduction <add>, %mul3A_50, %reduce_sum3A_51 [0] : vector<1000x128xf32> to vector<128xf32>
    %broadcast_in_dim3A_53 = vector.shape_cast %reduce_sum3A_52 : vector<128xf32> to vector<1x128xf32>
    %concatenate3A_54 = tpu.concatenate %broadcast_in_dim3A, %broadcast_in_dim3A_53 in 0 : vector<1x128xf32>, vector<1x128xf32> -> vector<2x128xf32>
    %add3A_55 = arith.addf %get3A_48, %concatenate3A_54 : vector<2x128xf32>
    %swap3A_56 = arith.constant 0 : index
    %swap3A_57 = arith.constant 0 : index
    %swap3A_58 = vector.load %arg7[%swap3A_56, %swap3A_57] : memref<2x128xf32, #tpu.memory_space<vmem>>, vector<2x128xf32>
    tpu.vector_store %arg7[%swap3A_56, %swap3A_57], %add3A_55 {strides = array<i32>} : memref<2x128xf32, #tpu.memory_space<vmem>>, vector<2x128xf32>,
    %get3A_59 = arith.constant 0 : index
    %get3A_60 = arith.constant 0 : index
    %get3A_61 = vector.load %arg7[%get3A_59, %get3A_60] : memref<2x128xf32, #tpu.memory_space<vmem>>, vector<2x128xf32>
    %swap3A_62 = arith.constant 0 : index
    %swap3A_63 = arith.constant 0 : index
    %swap3A_64 = vector.load %arg6[%swap3A_62, %swap3A_63] : memref<2x128xf32, #tpu.memory_space<vmem>>, vector<2x128xf32>
    tpu.vector_store %arg6[%swap3A_62, %swap3A_63], %get3A_61 {strides = array<i32>} : memref<2x128xf32, #tpu.memory_space<vmem>>, vector<2x128xf32>,
    return
  }
  func.func @transform_0(%arg0: i32) -> (i32, i32, i32) {
    %c0_i32 = arith.constant 0 : i32
    %c0_i32_0 = arith.constant 0 : i32
    %c0_i32_1 = arith.constant 0 : i32
    return %c0_i32, %arg0, %c0_i32_0 : i32, i32, i32
  }
  func.func @transform_1(%arg0: i32) -> (i32, i32, i32) {
    %c0_i32 = arith.constant 0 : i32
    %c0_i32_0 = arith.constant 0 : i32
    %c0_i32_1 = arith.constant 0 : i32
    return %c0_i32, %arg0, %c0_i32_0 : i32, i32, i32
  }
  func.func @transform_2(%arg0: i32) -> (i32, i32, i32) {
    %c0_i32 = arith.constant 0 : i32
    %c0_i32_0 = arith.constant 0 : i32
    %c0_i32_1 = arith.constant 0 : i32
    return %c0_i32, %arg0, %c0_i32_0 : i32, i32, i32
  }
  func.func @transform_3(%arg0: i32) -> (i32, i32) {
    %c0_i32 = arith.constant 0 : i32
    %c0_i32_0 = arith.constant 0 : i32
    %c0_i32_1 = arith.constant 0 : i32
    return %c0_i32, %c0_i32_0 : i32, i32
  }
  func.func @transform_4(%arg0: i32) -> (i32, i32) {
    %c0_i32 = arith.constant 0 : i32
    %c0_i32_0 = arith.constant 0 : i32
    return %arg0, %c0_i32 : i32, i32
  }
  func.func @transform_5(%arg0: i32) -> (i32, i32) {
    %c0_i32 = arith.constant 0 : i32
    %c0_i32_0 = arith.constant 0 : i32
    %c0_i32_1 = arith.constant 0 : i32
    return %c0_i32, %c0_i32_0 : i32, i32
  }
}

module attributes {stable_mosaic.version = 14 : i64} {
  func.func @body(%arg0: i32, %arg1: memref<2x1000x64xf32, #tpu.memory_space<vmem>>, %arg2: memref<2x1000x64xf32, #tpu.memory_space<vmem>>, %arg3: memref<2x1000x16xf32, #tpu.memory_space<vmem>>, %arg4: memref<1x128xf32, #tpu.memory_space<vmem>>, %arg5: memref<1x1x1000xi32, #tpu.memory_space<vmem>>, %arg6: memref<128x128xf32, #tpu.memory_space<vmem>>, %arg7: memref<128x128xf32, #tpu.memory_space<vmem>>) attributes {dimension_semantics = [#tpu.dimension_semantics<arbitrary>], iteration_bounds = array<i64: 10>, scalar_prefetch = 0 : i64, scratch_operands = 1 : i64, tpu.core_type = #tpu.core_type<tc>, window_params = [{transform_indices = @transform_0, window_bounds = array<i64: 2, 1000, 64>}, {transform_indices = @transform_1, window_bounds = array<i64: 2, 1000, 64>}, {transform_indices = @transform_2, window_bounds = array<i64: 2, 1000, 16>}, {pipeline_mode = #tpu.pipeline_mode<synchronous>, transform_indices = @transform_3, window_bounds = array<i64: 1, 128>}, {transform_indices = @transform_4, window_bounds = array<i64: 1, 1, 1000>}, {pipeline_mode = #tpu.pipeline_mode<synchronous>, transform_indices = @transform_5, window_bounds = array<i64: 128, 128>}]} {
    %get3A = arith.constant 0 : index
    %get3A_0 = arith.constant 0 : index
    %get3A_1 = arith.constant 0 : index
    %get3A_2 = vector.load %arg3[%get3A, %get3A_0, %get3A_1] : memref<2x1000x16xf32, #tpu.memory_space<vmem>>, vector<1x1000x1xf32>
    %get3A_3 = vector.shape_cast %get3A_2 : vector<1x1000x1xf32> to vector<1000x1xf32>
    %get3A_4 = arith.constant 1 : index
    %get3A_5 = arith.constant 0 : index
    %get3A_6 = arith.constant 0 : index
    %get3A_7 = vector.load %arg3[%get3A_4, %get3A_5, %get3A_6] : memref<2x1000x16xf32, #tpu.memory_space<vmem>>, vector<1x1000x1xf32>
    %get3A_8 = vector.shape_cast %get3A_7 : vector<1x1000x1xf32> to vector<1000x1xf32>
    %add3A = arith.addf %get3A_3, %get3A_8 : vector<1000x1xf32>
    %add3A_9 = arith.constant 1.000000e+00 : f32
    %add3A_10 = vector.broadcast %add3A_9 : f32 to vector<1000x1xf32>
    %add3A_11 = arith.addf %add3A, %add3A_10 : vector<1000x1xf32>
    %rsqrt3A = math.rsqrt %add3A_11 : vector<1000x1xf32>
    %get3A_12 = arith.constant 0 : index
    %get3A_13 = arith.constant 0 : index
    %get3A_14 = arith.constant 0 : index
    %get3A_15 = vector.load %arg1[%get3A_12, %get3A_13, %get3A_14] : memref<2x1000x64xf32, #tpu.memory_space<vmem>>, vector<1x1000x64xf32>
    %get3A_16 = vector.shape_cast %get3A_15 : vector<1x1000x64xf32> to vector<1000x64xf32>
    %get3A_17 = arith.constant 1 : index
    %get3A_18 = arith.constant 0 : index
    %get3A_19 = arith.constant 0 : index
    %get3A_20 = vector.load %arg1[%get3A_17, %get3A_18, %get3A_19] : memref<2x1000x64xf32, #tpu.memory_space<vmem>>, vector<1x1000x64xf32>
    %get3A_21 = vector.shape_cast %get3A_20 : vector<1x1000x64xf32> to vector<1000x64xf32>
    %concatenate3A = tpu.concatenate %get3A_16, %get3A_21 in 1 : vector<1000x64xf32>, vector<1000x64xf32> -> vector<1000x128xf32>
    %get3A_22 = arith.constant 0 : index
    %get3A_23 = arith.constant 0 : index
    %get3A_24 = arith.constant 0 : index
    %get3A_25 = vector.load %arg2[%get3A_22, %get3A_23, %get3A_24] : memref<2x1000x64xf32, #tpu.memory_space<vmem>>, vector<1x1000x64xf32>
    %get3A_26 = vector.shape_cast %get3A_25 : vector<1x1000x64xf32> to vector<1000x64xf32>
    %get3A_27 = arith.constant 1 : index
    %get3A_28 = arith.constant 0 : index
    %get3A_29 = arith.constant 0 : index
    %get3A_30 = vector.load %arg2[%get3A_27, %get3A_28, %get3A_29] : memref<2x1000x64xf32, #tpu.memory_space<vmem>>, vector<1x1000x64xf32>
    %get3A_31 = vector.shape_cast %get3A_30 : vector<1x1000x64xf32> to vector<1000x64xf32>
    %concatenate3A_32 = tpu.concatenate %get3A_26, %get3A_31 in 1 : vector<1000x64xf32>, vector<1000x64xf32> -> vector<1000x128xf32>
    %add3A_33 = arith.addf %concatenate3A, %concatenate3A_32 : vector<1000x128xf32>
    %mul3A = vector.broadcast %rsqrt3A : vector<1000x1xf32> to vector<1000x128xf32>
    %mul3A_34 = arith.mulf %mul3A, %add3A_33 : vector<1000x128xf32>
    %get3A_35 = arith.constant 0 : index
    %get3A_36 = arith.constant 0 : index
    %get3A_37 = vector.load %arg4[%get3A_35, %get3A_36] : memref<1x128xf32, #tpu.memory_space<vmem>>, vector<1x128xf32>
    %add3A_38 = vector.broadcast %get3A_37 : vector<1x128xf32> to vector<1000x128xf32>
    %add3A_39 = arith.addf %mul3A_34, %add3A_38 : vector<1000x128xf32>
    %max3A = arith.constant 0.000000e+00 : f32
    %max3A_40 = vector.broadcast %max3A : f32 to vector<1000x128xf32>
    %max3A_41 = arith.maximumf %add3A_39, %max3A_40 : vector<1000x128xf32>
    %get3A_42 = arith.constant 0 : index
    %get3A_43 = arith.constant 0 : index
    %get3A_44 = arith.constant 0 : index
    %get3A_45 = vector.load %arg5[%get3A_42, %get3A_43, %get3A_44] : memref<1x1x1000xi32, #tpu.memory_space<vmem>>, vector<1x1x1000xi32>
    %get3A_46 = vector.shape_cast %get3A_45 : vector<1x1x1000xi32> to vector<1x1000xi32>
    %iota3A = tpu.iota {dimensions = array<i32: 0>} : vector<128x1000xi32>
    %eq3A = vector.broadcast %get3A_46 : vector<1x1000xi32> to vector<128x1000xi32>
    %eq3A_47 = arith.cmpi eq, %iota3A, %eq3A : vector<128x1000xi32>
    %convert_element_type3A = arith.extui %eq3A_47 : vector<128x1000xi1> to vector<128x1000xi32>
    %convert_element_type3A_48 = arith.sitofp %convert_element_type3A : vector<128x1000xi32> to vector<128x1000xf32>
    %eq3A_49 = arith.constant 0 : i32
    %eq3A_50 = arith.cmpi eq, %arg0, %eq3A_49 : i32
    %convert_element_type3A_51 = arith.extui %eq3A_50 : i1 to i32
    %cond3A = arith.constant 0 : i32
    %cond3A_52 = arith.cmpi ne, %convert_element_type3A_51, %cond3A : i32
    scf.if %cond3A_52 {
      %broadcast_in_dim3A = arith.constant 0.000000e+00 : f32
      %broadcast_in_dim3A_66 = vector.broadcast %broadcast_in_dim3A : f32 to vector<128x128xf32>
      %swap3A_67 = arith.constant 0 : index
      %swap3A_68 = arith.constant 0 : index
      %swap3A_69 = vector.load %arg7[%swap3A_67, %swap3A_68] : memref<128x128xf32, #tpu.memory_space<vmem>>, vector<128x128xf32>
      tpu.vector_store %arg7[%swap3A_67, %swap3A_68], %broadcast_in_dim3A_66 {strides = array<i32>} : memref<128x128xf32, #tpu.memory_space<vmem>>, vector<128x128xf32>,
    } else {
    }
    %get3A_53 = arith.constant 0 : index
    %get3A_54 = arith.constant 0 : index
    %get3A_55 = vector.load %arg7[%get3A_53, %get3A_54] : memref<128x128xf32, #tpu.memory_space<vmem>>, vector<128x128xf32>
    %dot_general3A = arith.constant dense<0.000000e+00> : vector<128x128xf32>
    %dot_general3A_56 = tpu.matmul %convert_element_type3A_48, %max3A_41, %dot_general3A {dimension_numbers = #tpu.dot_dimension_numbers<[1], [0], [0], [1], [0, 0, 1, 1], [], []>, transpose_lhs_hint = false} : vector<128x1000xf32>, vector<1000x128xf32>, vector<128x128xf32> -> vector<128x128xf32>
    %add3A_57 = arith.addf %get3A_55, %dot_general3A_56 : vector<128x128xf32>
    %swap3A = arith.constant 0 : index
    %swap3A_58 = arith.constant 0 : index
    %swap3A_59 = vector.load %arg7[%swap3A, %swap3A_58] : memref<128x128xf32, #tpu.memory_space<vmem>>, vector<128x128xf32>
    tpu.vector_store %arg7[%swap3A, %swap3A_58], %add3A_57 {strides = array<i32>} : memref<128x128xf32, #tpu.memory_space<vmem>>, vector<128x128xf32>,
    %get3A_60 = arith.constant 0 : index
    %get3A_61 = arith.constant 0 : index
    %get3A_62 = vector.load %arg7[%get3A_60, %get3A_61] : memref<128x128xf32, #tpu.memory_space<vmem>>, vector<128x128xf32>
    %swap3A_63 = arith.constant 0 : index
    %swap3A_64 = arith.constant 0 : index
    %swap3A_65 = vector.load %arg6[%swap3A_63, %swap3A_64] : memref<128x128xf32, #tpu.memory_space<vmem>>, vector<128x128xf32>
    tpu.vector_store %arg6[%swap3A_63, %swap3A_64], %get3A_62 {strides = array<i32>} : memref<128x128xf32, #tpu.memory_space<vmem>>, vector<128x128xf32>,
    return
  }
  func.func @transform_0(%arg0: i32) -> (i32, i32, i32) {
    %c0_i32 = arith.constant 0 : i32
    %c0_i32_0 = arith.constant 0 : i32
    %c0_i32_1 = arith.constant 0 : i32
    return %c0_i32, %arg0, %c0_i32_0 : i32, i32, i32
  }
  func.func @transform_1(%arg0: i32) -> (i32, i32, i32) {
    %c0_i32 = arith.constant 0 : i32
    %c0_i32_0 = arith.constant 0 : i32
    %c0_i32_1 = arith.constant 0 : i32
    return %c0_i32, %arg0, %c0_i32_0 : i32, i32, i32
  }
  func.func @transform_2(%arg0: i32) -> (i32, i32, i32) {
    %c0_i32 = arith.constant 0 : i32
    %c0_i32_0 = arith.constant 0 : i32
    %c0_i32_1 = arith.constant 0 : i32
    return %c0_i32, %arg0, %c0_i32_0 : i32, i32, i32
  }
  func.func @transform_3(%arg0: i32) -> (i32, i32) {
    %c0_i32 = arith.constant 0 : i32
    %c0_i32_0 = arith.constant 0 : i32
    %c0_i32_1 = arith.constant 0 : i32
    return %c0_i32, %c0_i32_0 : i32, i32
  }
  func.func @transform_4(%arg0: i32) -> (i32, i32, i32) {
    %c0_i32 = arith.constant 0 : i32
    %c0_i32_0 = arith.constant 0 : i32
    %c0_i32_1 = arith.constant 0 : i32
    return %arg0, %c0_i32, %c0_i32_0 : i32, i32, i32
  }
  func.func @transform_5(%arg0: i32) -> (i32, i32) {
    %c0_i32 = arith.constant 0 : i32
    %c0_i32_0 = arith.constant 0 : i32
    %c0_i32_1 = arith.constant 0 : i32
    return %c0_i32, %c0_i32_0 : i32, i32
  }
}

module attributes {stable_mosaic.version = 14 : i64} {
  func.func @body(%arg0: memref<128x128xf32, #tpu.memory_space<vmem>>, %arg1: memref<1x128xf32, #tpu.memory_space<vmem>>, %arg2: memref<1x128xf32, #tpu.memory_space<vmem>>, %arg3: memref<1x128xf32, #tpu.memory_space<vmem>>, %arg4: memref<1x128xf32, #tpu.memory_space<vmem>>, %arg5: memref<128x128xf32, #tpu.memory_space<vmem>>, %arg6: memref<1x128xf32, #tpu.memory_space<vmem>>, %arg7: memref<128x10xf32, #tpu.memory_space<vmem>>, %arg8: memref<1x10xf32, #tpu.memory_space<vmem>>, %arg9: memref<128x10xf32, #tpu.memory_space<vmem>>) attributes {dimension_semantics = [], scalar_prefetch = 0 : i64, scratch_operands = 0 : i64, tpu.core_type = #tpu.core_type<tc>} {
    %get3A = arith.constant 0 : index
    %get3A_0 = arith.constant 0 : index
    %get3A_1 = vector.load %arg0[%get3A, %get3A_0] : memref<128x128xf32, #tpu.memory_space<vmem>>, vector<128x128xf32>
    %reduce_sum3A = arith.constant dense<0.000000e+00> : vector<128xf32>
    %reduce_sum3A_2 = vector.multi_reduction <add>, %get3A_1, %reduce_sum3A [0] : vector<128x128xf32> to vector<128xf32>
    %broadcast_in_dim3A = vector.shape_cast %reduce_sum3A_2 : vector<128xf32> to vector<1x128xf32>
    %div3A = arith.constant 1.280000e+02 : f32
    %div3A_3 = vector.broadcast %div3A : f32 to vector<1x128xf32>
    %div3A_4 = arith.divf %broadcast_in_dim3A, %div3A_3 : vector<1x128xf32>
    %mul3A = arith.mulf %get3A_1, %get3A_1 : vector<128x128xf32>
    %reduce_sum3A_5 = arith.constant dense<0.000000e+00> : vector<128xf32>
    %reduce_sum3A_6 = vector.multi_reduction <add>, %mul3A, %reduce_sum3A_5 [0] : vector<128x128xf32> to vector<128xf32>
    %broadcast_in_dim3A_7 = vector.shape_cast %reduce_sum3A_6 : vector<128xf32> to vector<1x128xf32>
    %div3A_8 = arith.constant 1.280000e+02 : f32
    %div3A_9 = vector.broadcast %div3A_8 : f32 to vector<1x128xf32>
    %div3A_10 = arith.divf %broadcast_in_dim3A_7, %div3A_9 : vector<1x128xf32>
    %mul3A_11 = arith.mulf %div3A_4, %div3A_4 : vector<1x128xf32>
    %sub3A = arith.subf %div3A_10, %mul3A_11 : vector<1x128xf32>
    %get3A_12 = arith.constant 0 : index
    %get3A_13 = arith.constant 0 : index
    %get3A_14 = vector.load %arg1[%get3A_12, %get3A_13] : memref<1x128xf32, #tpu.memory_space<vmem>>, vector<1x128xf32>
    %add3A = arith.constant 9.99999974E-6 : f32
    %add3A_15 = vector.broadcast %add3A : f32 to vector<1x128xf32>
    %add3A_16 = arith.addf %sub3A, %add3A_15 : vector<1x128xf32>
    %rsqrt3A = math.rsqrt %add3A_16 : vector<1x128xf32>
    %mul3A_17 = arith.mulf %get3A_14, %rsqrt3A : vector<1x128xf32>
    %sub3A_18 = vector.broadcast %div3A_4 : vector<1x128xf32> to vector<128x128xf32>
    %sub3A_19 = arith.subf %get3A_1, %sub3A_18 : vector<128x128xf32>
    %mul3A_20 = vector.broadcast %mul3A_17 : vector<1x128xf32> to vector<128x128xf32>
    %mul3A_21 = arith.mulf %mul3A_20, %sub3A_19 : vector<128x128xf32>
    %get3A_22 = arith.constant 0 : index
    %get3A_23 = arith.constant 0 : index
    %get3A_24 = vector.load %arg2[%get3A_22, %get3A_23] : memref<1x128xf32, #tpu.memory_space<vmem>>, vector<1x128xf32>
    %add3A_25 = vector.broadcast %get3A_24 : vector<1x128xf32> to vector<128x128xf32>
    %add3A_26 = arith.addf %mul3A_21, %add3A_25 : vector<128x128xf32>
    %get3A_27 = arith.constant 0 : index
    %get3A_28 = arith.constant 0 : index
    %get3A_29 = vector.load %arg5[%get3A_27, %get3A_28] : memref<128x128xf32, #tpu.memory_space<vmem>>, vector<128x128xf32>
    %dot_general3A = arith.constant dense<0.000000e+00> : vector<128x128xf32>
    %dot_general3A_30 = tpu.matmul %add3A_26, %get3A_29, %dot_general3A {dimension_numbers = #tpu.dot_dimension_numbers<[1], [0], [0], [1], [0, 0, 1, 1], [], []>, transpose_lhs_hint = false} : vector<128x128xf32>, vector<128x128xf32>, vector<128x128xf32> -> vector<128x128xf32>
    %get3A_31 = arith.constant 0 : index
    %get3A_32 = arith.constant 0 : index
    %get3A_33 = vector.load %arg6[%get3A_31, %get3A_32] : memref<1x128xf32, #tpu.memory_space<vmem>>, vector<1x128xf32>
    %add3A_34 = vector.broadcast %get3A_33 : vector<1x128xf32> to vector<128x128xf32>
    %add3A_35 = arith.addf %dot_general3A_30, %add3A_34 : vector<128x128xf32>
    %max3A = arith.constant 0.000000e+00 : f32
    %max3A_36 = vector.broadcast %max3A : f32 to vector<128x128xf32>
    %max3A_37 = arith.maximumf %add3A_35, %max3A_36 : vector<128x128xf32>
    %reduce_sum3A_38 = arith.constant dense<0.000000e+00> : vector<128xf32>
    %reduce_sum3A_39 = vector.multi_reduction <add>, %max3A_37, %reduce_sum3A_38 [0] : vector<128x128xf32> to vector<128xf32>
    %broadcast_in_dim3A_40 = vector.shape_cast %reduce_sum3A_39 : vector<128xf32> to vector<1x128xf32>
    %div3A_41 = arith.constant 1.280000e+02 : f32
    %div3A_42 = vector.broadcast %div3A_41 : f32 to vector<1x128xf32>
    %div3A_43 = arith.divf %broadcast_in_dim3A_40, %div3A_42 : vector<1x128xf32>
    %mul3A_44 = arith.mulf %max3A_37, %max3A_37 : vector<128x128xf32>
    %reduce_sum3A_45 = arith.constant dense<0.000000e+00> : vector<128xf32>
    %reduce_sum3A_46 = vector.multi_reduction <add>, %mul3A_44, %reduce_sum3A_45 [0] : vector<128x128xf32> to vector<128xf32>
    %broadcast_in_dim3A_47 = vector.shape_cast %reduce_sum3A_46 : vector<128xf32> to vector<1x128xf32>
    %div3A_48 = arith.constant 1.280000e+02 : f32
    %div3A_49 = vector.broadcast %div3A_48 : f32 to vector<1x128xf32>
    %div3A_50 = arith.divf %broadcast_in_dim3A_47, %div3A_49 : vector<1x128xf32>
    %mul3A_51 = arith.mulf %div3A_43, %div3A_43 : vector<1x128xf32>
    %sub3A_52 = arith.subf %div3A_50, %mul3A_51 : vector<1x128xf32>
    %get3A_53 = arith.constant 0 : index
    %get3A_54 = arith.constant 0 : index
    %get3A_55 = vector.load %arg3[%get3A_53, %get3A_54] : memref<1x128xf32, #tpu.memory_space<vmem>>, vector<1x128xf32>
    %add3A_56 = arith.constant 9.99999974E-6 : f32
    %add3A_57 = vector.broadcast %add3A_56 : f32 to vector<1x128xf32>
    %add3A_58 = arith.addf %sub3A_52, %add3A_57 : vector<1x128xf32>
    %rsqrt3A_59 = math.rsqrt %add3A_58 : vector<1x128xf32>
    %mul3A_60 = arith.mulf %get3A_55, %rsqrt3A_59 : vector<1x128xf32>
    %sub3A_61 = vector.broadcast %div3A_43 : vector<1x128xf32> to vector<128x128xf32>
    %sub3A_62 = arith.subf %max3A_37, %sub3A_61 : vector<128x128xf32>
    %mul3A_63 = vector.broadcast %mul3A_60 : vector<1x128xf32> to vector<128x128xf32>
    %mul3A_64 = arith.mulf %mul3A_63, %sub3A_62 : vector<128x128xf32>
    %get3A_65 = arith.constant 0 : index
    %get3A_66 = arith.constant 0 : index
    %get3A_67 = vector.load %arg4[%get3A_65, %get3A_66] : memref<1x128xf32, #tpu.memory_space<vmem>>, vector<1x128xf32>
    %add3A_68 = vector.broadcast %get3A_67 : vector<1x128xf32> to vector<128x128xf32>
    %add3A_69 = arith.addf %mul3A_64, %add3A_68 : vector<128x128xf32>
    %get3A_70 = arith.constant 0 : index
    %get3A_71 = arith.constant 0 : index
    %get3A_72 = vector.load %arg7[%get3A_70, %get3A_71] : memref<128x10xf32, #tpu.memory_space<vmem>>, vector<128x10xf32>
    %dot_general3A_73 = arith.constant dense<0.000000e+00> : vector<128x10xf32>
    %dot_general3A_74 = tpu.matmul %add3A_69, %get3A_72, %dot_general3A_73 {dimension_numbers = #tpu.dot_dimension_numbers<[1], [0], [0], [1], [0, 0, 1, 1], [], []>, transpose_lhs_hint = false} : vector<128x128xf32>, vector<128x10xf32>, vector<128x10xf32> -> vector<128x10xf32>
    %get3A_75 = arith.constant 0 : index
    %get3A_76 = arith.constant 0 : index
    %get3A_77 = vector.load %arg8[%get3A_75, %get3A_76] : memref<1x10xf32, #tpu.memory_space<vmem>>, vector<1x10xf32>
    %add3A_78 = vector.broadcast %get3A_77 : vector<1x10xf32> to vector<128x10xf32>
    %add3A_79 = arith.addf %dot_general3A_74, %add3A_78 : vector<128x10xf32>
    %reduce_max3A = arith.constant dense<0xFF800000> : vector<128xf32>
    %reduce_max3A_80 = vector.multi_reduction <maximumf>, %add3A_79, %reduce_max3A [1] : vector<128x10xf32> to vector<128xf32>
    %broadcast_in_dim3A_81 = vector.shape_cast %reduce_max3A_80 : vector<128xf32> to vector<128x1xf32>
    %sub3A_82 = vector.broadcast %broadcast_in_dim3A_81 : vector<128x1xf32> to vector<128x10xf32>
    %sub3A_83 = arith.subf %add3A_79, %sub3A_82 : vector<128x10xf32>
    %exp3A = math.exp %sub3A_83 : vector<128x10xf32>
    %reduce_sum3A_84 = arith.constant dense<0.000000e+00> : vector<128xf32>
    %reduce_sum3A_85 = vector.multi_reduction <add>, %exp3A, %reduce_sum3A_84 [1] : vector<128x10xf32> to vector<128xf32>
    %broadcast_in_dim3A_86 = vector.shape_cast %reduce_sum3A_85 : vector<128xf32> to vector<128x1xf32>
    %log3A = math.log %broadcast_in_dim3A_86 : vector<128x1xf32>
    %add3A_87 = arith.addf %broadcast_in_dim3A_81, %log3A : vector<128x1xf32>
    %sub3A_88 = vector.broadcast %add3A_87 : vector<128x1xf32> to vector<128x10xf32>
    %sub3A_89 = arith.subf %add3A_79, %sub3A_88 : vector<128x10xf32>
    %swap3A = arith.constant 0 : index
    %swap3A_90 = arith.constant 0 : index
    %swap3A_91 = vector.load %arg9[%swap3A, %swap3A_90] : memref<128x10xf32, #tpu.memory_space<vmem>>, vector<128x10xf32>
    tpu.vector_store %arg9[%swap3A, %swap3A_90], %sub3A_89 {strides = array<i32>} : memref<128x10xf32, #tpu.memory_space<vmem>>, vector<128x10xf32>,
    return
  }
}

</mosaic_0001>

<sc_bundles>
// kernel: kernel.15.cloned.1.call-start
scs
__scs_entry_jumppad:
0x0: {  	(pc) =	sbr.rel $0x88, $3  }
0x1: {  	(tag) =	ssettag $0x0;
	lr =	simm.s32 $0x1  }
0x2: {  	[smem:$0x3F91] =	sst lr;
	_ =	strace $0xD0000000  }
0x3: {  	_ = 	snop  }
0x4: {  	_ = 	snop  }
0x5: {  	_ = 	snop  }
0x6: {  	_ = 	snop  }
0x7: {  	_ = 	snop  }
__scs_overlays_trampoline_lowered:
0x8: {  	[smem:$0x3FA0] =	sst s0  }
0x9: {  	[smem:$0x3FA1] =	sst s1  }
0xa: {  	[smem:$0x3FA2] =	sst s2  }
0xb: {  	[smem:$0x3FA3] =	sst s3  }
0xc: {  	[smem:$0x3FA4] =	sst s4  }
0xd: {  	[smem:$0x3FA5] =	sst s5  }
0xe: {  	[smem:$0x3FA6] =	sst s6  }
0xf: {  	[smem:$0x3FA7] =	sst s7  }
0x10: {  	[smem:$0x3FA8] =	sst s8  }
0x11: {  	[smem:$0x3FA9] =	sst s9;
	s0 =	simm.s32 @!p0 $0x0  }
0x12: {  	s1 =	sld [smem:$0x3F8F];
	s0 =	simm.s32 @p0 $0x1  }
0x13: {  	[smem:$0x3FAA] =	sst s0;
	s0 =	simm.s32 @!p1 $0x0  }
0x14: {  	s2 =	sld [smem:$0x3F8E];
	s0 =	simm.s32 @p1 $0x1  }
0x15: {  	[smem:$0x3FAB] =	sst s0;
	s0 =	simm.s32 @!p2 $0x0  }
0x16: {  	s3 =	sld [smem:$0x3FDB];
	s0 =	simm.s32 @p2 $0x1  }
0x17: {  	s4 =	simm.s32 $0x1BF5;
	[smem:$0x3FAD] =	sst s0  }
0x18: {  	s0 =	sld [smem:$0x3F90];
	_ =	swait.ge [sflag:s4], $0x0  }
0x19: {  	s7 =	sld [smem:$0x3F91]  }
0x1a: {  	s8 =	sadd.s32 $0xFFFFE003, lr  }
0x1b: {  	s9 =	sadd.s32 $0xFFFFFEF7, lr;
	s5 =	simm.s32 $0xFFFFFFFF;
	p2 =	slt.u32 s8, $0xFFFFF086  }
0x1c: {  	p1 =	slt.u32 s9, $0xF7A;
	s5 =	simm.s32 @!p2 $0x0  }
0x1d: {  	s5 =	simm.s32 @p1 $0x1;
	p0 =	seq.s32 s7, s2  }
0x1e: {  	s7 =	smul.u32 @!p0 $0xF7A, s2;
	p2 =	seq.s32 @!p0 s5, $0x0  }
0x1f: {  	s9 =	smul.u32 $0xF7A, s1;
	s8 =	simm.s32 @!p0 $0x1BF5;
	p2 =	por !p2, p0  }
0x20: {  	[sflag:s8] =	ssyncset.s32 @!p0 $0xFFFFF086;
	s6 =	sadd.s32 @!p0 s3, s7;
	s7 =	simm.s32 @!p0 $0x108  }
0x21: {  	s3 =	sadd.s32 s3, s9;
	s6 =	sadd.s32 @!p0 $0x88, s6;
	s7 =	simm.s32 @p2 $0x1082  }
0x22: {  	[simem:s7], [sflag:s8] =	dma.local @!p0 [hbm:s6], $0xF7A  }
0x23: {  	s9 =	sor.u32 $0xD0000000, s2;
	s6 =	simm.s32 $0x108;
	_ =	swait.ge @!p0 [sflag:s8], $0x0  }
0x24: {  	s3 =	sadd.s32 $0x88, s3;
	s6 =	simm.s32 @!p1 $0x1082;
	[sflag:s4] =	ssyncset.s32 $0xFFFFF086  }
0x25: {  	[simem:s6], [sflag:s4] =	dma.local [hbm:s3], $0xF7A  }
0x26: {  	[smem:$0x3F91] =	sst s1;
	(tag) =	ssettag s2;
	_ =	strace s9  }
0x27: {  	s1 =	sld [smem:$0x3FA1]  }
0x28: {  	s2 =	sld [smem:$0x3FA2]  }
0x29: {  	s4 =	sld [smem:$0x3FA4]  }
0x2a: {  	p0 =	seq.s32 s5, $0x0;
	s5 =	sld [smem:$0x3FA5]  }
0x2b: {  	s6 =	sld [smem:$0x3FA6]  }
0x2c: {  	s7 =	sld [smem:$0x3FA7]  }
0x2d: {  	s3 =	simm.s32 $0x108;
	s8 =	sld [smem:$0x3FA8]  }
0x2e: {  	s3 =	simm.s32 @!p0 $0x1082;
	s9 =	sld [smem:$0x3FA9]  }
0x2f: {  	lr =	sadd.s32 s0, s3;
	s0 =	sld [smem:$0x3FA0]  }
0x30: {  	s3 =	sld [smem:$0x3FA3]  }
0x31: {  	[smem:$0x3FAC] =	sst s10  }
0x32: {  	s10 =	sld [smem:$0x3FAA];
	_ =	sdelay $0x3  }
0x33: {  	p0 =	seq.s32 s10, $0x1;
	s10 =	sld [smem:$0x3FAC];
	_ =	sdelay $0x3  }
0x34: {  	[smem:$0x3FAC] =	sst s10  }
0x35: {  	s10 =	sld [smem:$0x3FAB];
	_ =	sdelay $0x3  }
0x36: {  	p1 =	seq.s32 s10, $0x1;
	s10 =	sld [smem:$0x3FAC];
	_ =	sdelay $0x3  }
0x37: {  	[smem:$0x3FAC] =	sst s10  }
0x38: {  	s10 =	sld [smem:$0x3FAD]  }
0x39: {  	_ = 	snop;
	(pc) =	sbr.ind lr, $3  }
0x3a: {  	_ = 	snop  }
0x3b: {  	_ = 	snop  }
0x3c: {  	p2 =	seq.s32 s10, $0x1;
	s10 =	sld [smem:$0x3FAC]  }
0x3d: {  	_ =	shalt  }
0x3e: {  	_ =	shalt  }
0x3f: {  	_ =	shalt  }
0x40: {  	_ =	shalt  }
0x41: {  	_ =	shalt  }
0x42: {  	_ =	shalt  }
0x43: {  	_ =	shalt  }
0x44: {  	_ =	shalt  }
0x45: {  	_ =	shalt  }
0x46: {  	_ =	shalt  }
0x47: {  	_ =	shalt  }
0x48: {  	_ =	shalt  }
0x49: {  	_ =	shalt  }
0x4a: {  	_ =	shalt  }
0x4b: {  	_ =	shalt  }
0x4c: {  	_ =	shalt  }
0x4d: {  	_ =	shalt  }
0x4e: {  	_ =	shalt  }
0x4f: {  	_ =	shalt  }
0x50: {  	_ =	shalt  }
0x51: {  	_ =	shalt  }
0x52: {  	_ =	shalt  }
0x53: {  	_ =	shalt  }
0x54: {  	_ =	shalt  }
0x55: {  	_ =	shalt  }
0x56: {  	_ =	shalt  }
0x57: {  	_ =	shalt  }
0x58: {  	_ =	shalt  }
0x59: {  	_ =	shalt  }
0x5a: {  	_ =	shalt  }
0x5b: {  	_ =	shalt  }
0x5c: {  	_ =	shalt  }
0x5d: {  	_ =	shalt  }
0x5e: {  	_ =	shalt  }
0x5f: {  	_ =	shalt  }
0x60: {  	_ =	shalt  }
0x61: {  	_ =	shalt  }
0x62: {  	_ =	shalt  }
0x63: {  	_ =	shalt  }
0x64: {  	_ =	shalt  }
0x65: {  	_ =	shalt  }
0x66: {  	_ =	shalt  }
0x67: {  	_ =	shalt  }
0x68: {  	_ =	shalt  }
0x69: {  	_ =	shalt  }
0x6a: {  	_ =	shalt  }
0x6b: {  	_ =	shalt  }
0x6c: {  	_ =	shalt  }
0x6d: {  	_ =	shalt  }
0x6e: {  	_ =	shalt  }
0x6f: {  	_ =	shalt  }
0x70: {  	_ =	shalt  }
0x71: {  	_ =	shalt  }
0x72: {  	_ =	shalt  }
0x73: {  	_ =	shalt  }
0x74: {  	_ =	shalt  }
0x75: {  	_ =	shalt  }
0x76: {  	_ =	shalt  }
0x77: {  	_ =	shalt  }
0x78: {  	_ =	shalt  }
0x79: {  	_ =	shalt  }
0x7a: {  	_ =	shalt  }
0x7b: {  	_ =	shalt  }
0x7c: {  	_ =	shalt  }
0x7d: {  	_ =	shalt  }
0x7e: {  	_ =	shalt  }
0x7f: {  	_ =	shalt  }
0x80: {  	_ =	shalt  }
0x81: {  	_ =	shalt  }
0x82: {  	_ =	shalt  }
0x83: {  	_ =	shalt  }
0x84: {  	_ =	shalt  }
0x85: {  	_ =	shalt  }
0x86: {  	_ =	shalt  }
0x87: {  	_ =	shalt  }
.Lfunc_end0:
.L_simem_size_0:
called_computation_lowered:
.L_overlay_start_0:
0x88: {  	s2 =	sld [smem:$0x3FD9]  }
0x89: {  	s3 =	sld [smem:$0x3FFE];
	_ =	sdelay $0x1  }
0x8a: {  	s1 =	srdreg.scid  }
0x8b: {  	s0 =	sand.u32 $0x1, s1  }
0x8c: {  	s16 =	sshll.u32 s0, $0xA;
	s2 =	sadd.s32 s3, s2  }
0x8d: {  	s2 =	sadd.s32 s2, s16  }
0x8e: {  	[smem:$0x3FB8] =	sst s2  }
0x8f: {  	_ = 	snop  }
0x90: {  	(tm) =	ssettm $0x1  }
0x91: {  	s17 =	sld [smem:$0x3FFB];
	_ =	sdelay $0x3  }
0x92: {  	_ =	strace s17  }
0x93: {  	s2 =	sld [smem:$0x3FFC];
	_ =	sdelay $0x3  }
0x94: {  	_ =	strace s2  }
0x95: {  	s2 =	sld [smem:$0x3FFD];
	_ =	sdelay $0x3  }
0x96: {  	_ =	strace s2  }
0x97: {  	_ =	strace $0x8FFFFFFF  }
0x98: {  	s18 =	sld [smem:$0x3FDB];
	_ =	sdelay $0x1  }
0x99: {  	s19 =	simm.s32 $_scs_section_size  }
0x9a: {  	s4 =	simm.s32 $_size__tile_overlayer_lowered;
	s5 =	simm.s32 $_tile_overlayer_lowered  }
0x9b: {  	s22 =	simm.s32 $0x1BFF;
	s21 =	sshll.u32 s5, $0x1;
	s2 =	sadd.s32 s19, s18  }
0x9c: {  	s6 =	simm.s32 $0x0;
	s20 =	sshll.u32 s4, $0x1;
	s4 =	sadd.s32 s21, s2  }
0x9d: {  	[timem:s6], [sflag:s22] =	dma.local [hbm:s4], s20  }
0x9e: {  	_ =	swait.ge [sflag:s22], s20  }
0x9f: {  	s3 =	ssub.s32 $0x0, s20;
	[sflag:s22] =	ssyncset.done $0x0  }
0xa0: {  	[sflag:s22] =	ssyncadd.s32 s3;
	_ =	sdelay $0x1  }
0xa1: {  	s23 =	simm.s32 $0x1B8B  }
0xa2: {  	_ =	swait.ge [sflag:s23], $0x1  }
0xa3: {  	[sflag:s23] =	ssyncset.done $0x0  }
0xa4: {  	s25 =	simm.s32 $0x1B8E;
	s24 =	sld [smem:$0x3FFE];
	[sflag:s23] =	ssyncadd.s32 $0xFFFFFFFF  }
0xa5: {  	s26 =	simm.s32 $execute0_lowered;
	[smem:$0x3FD2] =	sst s25  }
0xa6: {  	s4 =	sshll.u32 s26, $0x1;
	_ =	strace $0x80000046;
	[dreg:$0x1] =	wrdreg $0xFFFFFFFF  }
0xa7: {  	s28 =	simm.s32 $_size_execute0_lowered;
	s2 =	sadd.s32 s2, s4;
	[dreg:$0x0] =	wrdreg $0x0  }
0xa8: {  	s4 =	sshll.u32 s28, $0x1;
	[dreg:$0x2] =	wrdreg s2  }
0xa9: {  	[dreg:$0x3] =	wrdreg s4  }
0xaa: {  	[dreg:$0x4] =	wrdreg $0xC0  }
0xab: {  	_ =	task [dreg:s6], $0x5FFFF  }
0xac: {  	[dreg:$0x1] =	wrdreg $0xFFFFFFFF  }
0xad: {  	[dreg:$0x0] =	wrdreg $0x60  }
0xae: {  	[dreg:$0x2] =	wrdreg s24  }
0xaf: {  	[dreg:$0x3] =	wrdreg $0xA8000  }
0xb0: {  	[dreg:$0x4] =	wrdreg $0x9  }
0xb1: {  	_ =	task.clear_ibuf [dreg:s6], $0x5FFFF;
	_ =	strace $0x90000046  }
0xb2: {  	s29 =	simm.s32 $0x9;
	_ =	strace $0x80000048  }
0xb3: {  	_ =	swait.ge [sflag:s29], $0x1  }
0xb4: {  	[sflag:s29] =	ssyncadd.s32 $0xFFFFFFFF  }
0xb5: {  	_ =	strace $0x90000048  }
0xb6: {  	_ =	sfence  }
0xb7: {  	s30 =	sld [smem:$0x0];
	_ =	sdelay $0x2  }
0xb8: {  	s31 =	sshll.u32 s1, $0xD;
	s1 =	sshrl.u32 s1, $0x2  }
0xb9: {  	s3 =	sand.u32 $0x4000, s31;
	s1 =	sadd.s32 s1, s30  }
0xba: {  	s0 =	sor.u32 s3, s0;
	s1 =	sshll.u32 s1, $0x11  }
0xbb: {  	s0 =	sor.u32 s1, s0  }
0xbc: {  	s0 =	sadd.s32 $0x8F2B, s0  }
0xbd: {  	[sflag:s0] =	ssyncadd.remote.s32 $0x1  }
0xbe: {  	_ =	sfence.sel $0xFFFF  }
0xbf: {  	[dreg:$0x0] =	wrdreg $0xFFFFFFFF;
	(pc) =	sbr.abs _section_cstart, $3  }
0xc0: {  	[dreg:$0x1] =	wrdreg $0xFFFFFFFF  }
0xc1: {  	_ =	task.clear_ibuf [dreg:s6], $0x2FFFF;
	_ =	strace $0x9FFFFFFF  }
0xc2: {  	(tm) =	ssettm $0x7FFFFFFF  }
0xc3: {  	_ =	shalt  }
tec
execute0_lowered:
.L_overlay_start_1:
0x0: {  	(tag) =	ssettag $0x1  }
0x1: {  	s4 =	rddreg [dreg:$0x0]  }
0x2: {  	s2 =	rddreg [dreg:$0x1]  }
0x3: {  	s1 =	srdreg.scid;
	s0 =	rddreg [dreg:$0x2]  }
0x4: {  	s3 =	simm.s32 $0x0;
	s13 =	simm.s32 $0x2;
	s14 =	simm.s32 $0x6800  }
0x5: {  	s15 =	simm.s32 $0x80;
	s16 =	simm.s32 $0x2800;
	s5 =	sand.u32 $0x1, s1  }
0x6: {  	s17 =	simm.s32 $0x1;
	s1 =	stileid.u32;
	s7 =	smul.u32 $0x140000, s5  }
0x7: {  	s20 =	simm.s32 $0x0;
	[smem:$0x7FF] =	sst s3;
	s28 =	smul.u32 $0x14000, s1  }
0x8: {  	s6 =	sshll.u32 s5, $0x4;
	_ =	strace $0x80000047;
	s29 =	smul.u32 $0x50000, s1  }
0x9: {  	s5 =	ssub.s32 $0x2, s5;
	s18 =	sshll.u32 s1, $0x6;
	s10 =	sor.u32 s1, s6  }
0xa: {  	s30 =	sshrl.u32 s5, $0x1;
	s18 =	sor.u32 $0x1C02, s18;
	s8 =	smul.u32 $0x500, s10  }
0xb: {  	s6 =	sadd.s32 s28, s7;
	s31 =	sshrl.u32 s29, $0x2;
	s12 =	ssub.s32 s5, s30  }
0xc: {  	p0 =	seq.s32 s10, $0x1F;
	s10 =	simm.s32 $0x14;
	s6 =	sshrl.u32 s6, $0x3  }
0xd: {  	s5 =	sadd.s32 s31, s2;
	s10 =	simm.s32 @!p0 $0x50;
	s12 =	smax.u32 s12, $0x1  }
0xe: {  	s8 =	sadd.s32 s8, s4;
	s11 =	sadd.s32 s6, s4;
	s6 =	sadd.s32 $0x4000, s5  }
0xf: {  	s7 =	sadd.s32 $0x8000, s5;
	s9 =	sadd.s32 $0x10000, s5;
	s19 =	sshrl.u32 s5, $0x3  }
0x10: {  	v0 =	vimm.f32 $1.000000000e+00;
	v1 =	vimm.f32 $0.0e+00;
	s4 =	sadd.s32 $0x3600, s8;
	s8 =	sadd.s32 $0xC000, s5;
	s11 =	sadd.s32 $0x17600, s11  }
.LBB2_1:
0x11: {  	[tilespmem:s3], [sflag:$0x2] =	stream.linear.gather [hbm4b:s4+s3], $0x2800, $0x38;
	[tilespmem:$0xD000] =	vst v63  }
0x12: {  	_ =	swait.ge [sflag:s13], $0x2800  }
0x13: {  	[sflag:s13] =	ssyncset.done $0x0  }
0x14: {  	s21 =	simm.s32 $0x200;
	s22 =	simm.s32 $0x0;
	[sflag:s13] =	ssyncadd.s32 $0xFFFFD800  }
.LBB2_2:
0x15: {  	p0 =	sne.s32 s21, $0xFE00;
	[tilespmem:s22+$0x2800] =	vst v0;
	s23 =	smov.u32 s21;
	s21 =	sadd.s32 $0x200, s21  }
.Ltmp0:
0x16: {  	[tilespmem:s22+$0x6800] =	vst v1;
	(pc) =	sbr.rel @p0 .LBB2_2-.Ltmp0, $2  }
0x17: {  	_ =	sdelay $0x2  }
0x18: {  	s22 =	sshra.s32 s23, $0x2  }
0x19: {  	[tilespmem:s22+$0x2800] =	vst v0  }
0x1a: {  	[tilespmem:s22+$0x6800] =	vst v1  }
0x1b: {  	[spmem:s5] =	stream.linear.scatter [tilespmem:s14], [sflag:$0x2], $0x4000, $0x38;
	[tilespmem:$0xD000] =	vst v63  }
0x1c: {  	_ =	swait.ge [sflag:s13], $0x4000  }
0x1d: {  	[sflag:s13] =	ssyncset.done $0x0  }
0x1e: {  	[sflag:s13] =	ssyncadd.s32 $0xFFFFC000  }
0x1f: {  	[spmem:s6] =	stream.linear.scatter [tilespmem:s14], [sflag:$0x2], $0x4000, $0x38;
	[tilespmem:$0xD000] =	vst v63  }
0x20: {  	_ =	swait.ge [sflag:s13], $0x4000  }
0x21: {  	[sflag:s13] =	ssyncset.done $0x0  }
0x22: {  	[sflag:s13] =	ssyncadd.s32 $0xFFFFC000  }
0x23: {  	[spmem:s7] =	stream.linear.scatter [tilespmem:s14], [sflag:$0x2], $0x4000, $0x38;
	[tilespmem:$0xD000] =	vst v63  }
0x24: {  	_ =	swait.ge [sflag:s13], $0x4000  }
0x25: {  	[sflag:s13] =	ssyncset.done $0x0  }
0x26: {  	[sflag:s13] =	ssyncadd.s32 $0xFFFFC000  }
0x27: {  	[spmem:s8] =	stream.linear.scatter [tilespmem:s14], [sflag:$0x2], $0x4000, $0x38;
	[tilespmem:$0xD000] =	vst v63  }
0x28: {  	_ =	swait.ge [sflag:s13], $0x4000  }
0x29: {  	[sflag:s13] =	ssyncset.done $0x0  }
0x2a: {  	p0 =	sne.s32 s10, $0x1;
	[sflag:s13] =	ssyncadd.s32 $0xFFFFC000  }
0x2b: {  	[spmem:s9] =	stream.linear.scatter [tilespmem:s14], [sflag:$0x2], $0x4000, $0x38;
	[tilespmem:$0xD000] =	vst v63  }
.Ltmp1:
0x2c: {  	_ =	swait.ge [sflag:s13], $0x4000;
	(pc) =	sbr.rel @!p0 .LBB2_5-.Ltmp1, $4  }
0x2d: {  	[sflag:s13] =	ssyncset.done $0x0  }
0x2e: {  	[sflag:s13] =	ssyncadd.s32 $0xFFFFC000  }
0x2f: {  	s21 =	simm.s32 $0x0;
	s22 =	sadd.s32 $0xFFFFFFFF, s10;
	[bflag:$0x0] =	sbarrier.arrive $0xFFFF  }
0x30: {  	[spmem:s2] =	stream.indirect.scatter.add.f32 [tilespmem:s16], [sflag:$0x1], $0x10, s21, s15, $0xb8;
	[tilespmem:$0xD000] =	vst v63  }
.LBB2_4:
0x31: {  	p1 =	sne.s32 s22, $0x1  }
.Ltmp2:
0x32: {  	_ = 	snop;
	(pc) =	sbr.rel @p1 .LBB2_4-.Ltmp2, $3  }
0x33: {  	_ = 	snop  }
0x34: {  	s22 =	sadd.s32 $0xFFFFFFFF, s22;
	s21 =	sadd.s32 $0x80, s21;
	_ =	sdelay $0x1  }
0x35: {  	[spmem:s2] =	stream.indirect.scatter.add.f32 [tilespmem:s16], [sflag:$0x1], $0x10, s21, s15, $0xb8;
	[tilespmem:$0xD000] =	vst v63  }
.LBB2_5:
.Ltmp3:
0x36: {  	(pc) =	sbr.rel @!p0 .LBB2_7-.Ltmp3, $3  }
0x37: {  	_ =	sdelay $0x1  }
0x38: {  	_ =	swait.ge [sflag:s17], $0x800  }
0x39: {  	s21 =	sadd.s32 $0xFFFFFFFF, s10;
	[sflag:s17] =	ssyncset.done $0x0  }
.LBB2_6:
0x3a: {  	p0 =	sne.s32 s21, $0x1;
	s21 =	sadd.s32 $0xFFFFFFFF, s21;
	[sflag:s17] =	ssyncadd.s32 $0xFFFFF800  }
.Ltmp4:
0x3b: {  	(pc) =	sbr.rel @p0 .LBB2_6-.Ltmp4, $3  }
0x3c: {  	_ =	sdelay $0x1  }
0x3d: {  	_ =	swait.ge [sflag:s17], $0x800  }
0x3e: {  	[sflag:s17] =	ssyncset.done $0x0  }
.LBB2_7:
0x3f: {  	s20 =	sadd.s32 $0x1, s20  }
0x40: {  	[sflag:s17] =	ssyncadd.s32 $0xFFFFF800;
	p0 =	sne.s32 s20, s12  }
.Ltmp5:
0x41: {  	[bflag:$0x0] =	sbarrier.arrive $0xFFFF;
	(pc) =	sbr.rel @p0 .LBB2_1-.Ltmp5, $4  }
0x42: {  	[hbm:s11], [sflag:s18] =	dma.local [spmem:s19], $0x2800  }
0x43: {  	_ =	swait.ge [sflag:s13], $0x2800  }
0x44: {  	[sflag:s13] =	ssyncset.done $0x0  }
0x45: {  	[sflag:s13] =	ssyncadd.s32 $0xFFFFD800  }
0x46: {  	_ =	sfence.sel $0x180000  }
0x47: {  	[bflag:$0x0] =	sbarrier.arrive $0xFFFF  }
0x48: {  	p0 =	sne.s32 s1, $0x0;
	_ =	strace $0x90000047  }
0x49: {  	s0 =	sadd.s32 @!p0 $0x100000, s0;
	[bflag:$0x2] =	sbarrier.arrive $0xFFFF  }
0x4a: {  	[sflag:s0] =	ssyncadd.tile.s32 @!p0 $0x1;
	_ =	shalt  }
.Lfunc_end2:
_tile_overlayer_lowered:
.L_overlay_start_2:
0x4b: {  	(tag) =	ssettag $0x2  }
0x4c: {  	s0 =	rddreg [dreg:$0x0];
	s2 =	stileid.u32  }
0x4d: {  	s1 =	rddreg [dreg:$0x1];
	p0 =	sne.s32 s2, $0x0  }
0x4e: {  	s3 =	rddreg [dreg:$0x2];
	[bflag:$0x3] =	sbarrier.arrive $0xFFFF;
	s2 =	simm.s32 @!p0 $0x1C02  }
0x4f: {  	[timem:s3], [sflag:s2] =	dma.local @!p0 [hbm:s0], s1  }
0x50: {  	s0 =	simm.s32 @!p0 $0x2  }
0x51: {  	_ =	swait.ge @!p0 [sflag:s0], s1  }
0x52: {  	s1 =	ssub.s32 @!p0 $0x0, s1;
	[sflag:s0] =	ssyncset.done @!p0 $0x0  }
0x53: {  	[sflag:s0] =	ssyncadd.s32 @!p0 s1  }
0x54: {  	[bflag:$0x3] =	sbarrier.arrive $0xFFFF  }
0x55: {  	_ =	shalt  }

// kernel: kernel.18.cloned.1.call-start
scs
__scs_entry_jumppad:
0x0: {  	(pc) =	sbr.rel $0x88, $3  }
0x1: {  	(tag) =	ssettag $0x0;
	lr =	simm.s32 $0x1  }
0x2: {  	[smem:$0x3F91] =	sst lr;
	_ =	strace $0xD0000000  }
0x3: {  	_ = 	snop  }
0x4: {  	_ = 	snop  }
0x5: {  	_ = 	snop  }
0x6: {  	_ = 	snop  }
0x7: {  	_ = 	snop  }
__scs_overlays_trampoline_lowered:
0x8: {  	[smem:$0x3FA0] =	sst s0  }
0x9: {  	[smem:$0x3FA1] =	sst s1  }
0xa: {  	[smem:$0x3FA2] =	sst s2  }
0xb: {  	[smem:$0x3FA3] =	sst s3  }
0xc: {  	[smem:$0x3FA4] =	sst s4  }
0xd: {  	[smem:$0x3FA5] =	sst s5  }
0xe: {  	[smem:$0x3FA6] =	sst s6  }
0xf: {  	[smem:$0x3FA7] =	sst s7  }
0x10: {  	[smem:$0x3FA8] =	sst s8  }
0x11: {  	[smem:$0x3FA9] =	sst s9;
	s0 =	simm.s32 @!p0 $0x0  }
0x12: {  	s1 =	sld [smem:$0x3F8F];
	s0 =	simm.s32 @p0 $0x1  }
0x13: {  	[smem:$0x3FAA] =	sst s0;
	s0 =	simm.s32 @!p1 $0x0  }
0x14: {  	s2 =	sld [smem:$0x3F8E];
	s0 =	simm.s32 @p1 $0x1  }
0x15: {  	[smem:$0x3FAB] =	sst s0;
	s0 =	simm.s32 @!p2 $0x0  }
0x16: {  	s3 =	sld [smem:$0x3FDB];
	s0 =	simm.s32 @p2 $0x1  }
0x17: {  	s4 =	simm.s32 $0x1BF5;
	[smem:$0x3FAD] =	sst s0  }
0x18: {  	s0 =	sld [smem:$0x3F90];
	_ =	swait.ge [sflag:s4], $0x0  }
0x19: {  	s7 =	sld [smem:$0x3F91]  }
0x1a: {  	s8 =	sadd.s32 $0xFFFFE003, lr  }
0x1b: {  	s9 =	sadd.s32 $0xFFFFFEF7, lr;
	s5 =	simm.s32 $0xFFFFFFFF;
	p2 =	slt.u32 s8, $0xFFFFF086  }
0x1c: {  	p1 =	slt.u32 s9, $0xF7A;
	s5 =	simm.s32 @!p2 $0x0  }
0x1d: {  	s5 =	simm.s32 @p1 $0x1;
	p0 =	seq.s32 s7, s2  }
0x1e: {  	s7 =	smul.u32 @!p0 $0xF7A, s2;
	p2 =	seq.s32 @!p0 s5, $0x0  }
0x1f: {  	s9 =	smul.u32 $0xF7A, s1;
	s8 =	simm.s32 @!p0 $0x1BF5;
	p2 =	por !p2, p0  }
0x20: {  	[sflag:s8] =	ssyncset.s32 @!p0 $0xFFFFF086;
	s6 =	sadd.s32 @!p0 s3, s7;
	s7 =	simm.s32 @!p0 $0x108  }
0x21: {  	s3 =	sadd.s32 s3, s9;
	s6 =	sadd.s32 @!p0 $0x88, s6;
	s7 =	simm.s32 @p2 $0x1082  }
0x22: {  	[simem:s7], [sflag:s8] =	dma.local @!p0 [hbm:s6], $0xF7A  }
0x23: {  	s9 =	sor.u32 $0xD0000000, s2;
	s6 =	simm.s32 $0x108;
	_ =	swait.ge @!p0 [sflag:s8], $0x0  }
0x24: {  	s3 =	sadd.s32 $0x88, s3;
	s6 =	simm.s32 @!p1 $0x1082;
	[sflag:s4] =	ssyncset.s32 $0xFFFFF086  }
0x25: {  	[simem:s6], [sflag:s4] =	dma.local [hbm:s3], $0xF7A  }
0x26: {  	[smem:$0x3F91] =	sst s1;
	(tag) =	ssettag s2;
	_ =	strace s9  }
0x27: {  	s1 =	sld [smem:$0x3FA1]  }
0x28: {  	s2 =	sld [smem:$0x3FA2]  }
0x29: {  	s4 =	sld [smem:$0x3FA4]  }
0x2a: {  	p0 =	seq.s32 s5, $0x0;
	s5 =	sld [smem:$0x3FA5]  }
0x2b: {  	s6 =	sld [smem:$0x3FA6]  }
0x2c: {  	s7 =	sld [smem:$0x3FA7]  }
0x2d: {  	s3 =	simm.s32 $0x108;
	s8 =	sld [smem:$0x3FA8]  }
0x2e: {  	s3 =	simm.s32 @!p0 $0x1082;
	s9 =	sld [smem:$0x3FA9]  }
0x2f: {  	lr =	sadd.s32 s0, s3;
	s0 =	sld [smem:$0x3FA0]  }
0x30: {  	s3 =	sld [smem:$0x3FA3]  }
0x31: {  	[smem:$0x3FAC] =	sst s10  }
0x32: {  	s10 =	sld [smem:$0x3FAA];
	_ =	sdelay $0x3  }
0x33: {  	p0 =	seq.s32 s10, $0x1;
	s10 =	sld [smem:$0x3FAC];
	_ =	sdelay $0x3  }
0x34: {  	[smem:$0x3FAC] =	sst s10  }
0x35: {  	s10 =	sld [smem:$0x3FAB];
	_ =	sdelay $0x3  }
0x36: {  	p1 =	seq.s32 s10, $0x1;
	s10 =	sld [smem:$0x3FAC];
	_ =	sdelay $0x3  }
0x37: {  	[smem:$0x3FAC] =	sst s10  }
0x38: {  	s10 =	sld [smem:$0x3FAD]  }
0x39: {  	_ = 	snop;
	(pc) =	sbr.ind lr, $3  }
0x3a: {  	_ = 	snop  }
0x3b: {  	_ = 	snop  }
0x3c: {  	p2 =	seq.s32 s10, $0x1;
	s10 =	sld [smem:$0x3FAC]  }
0x3d: {  	_ =	shalt  }
0x3e: {  	_ =	shalt  }
0x3f: {  	_ =	shalt  }
0x40: {  	_ =	shalt  }
0x41: {  	_ =	shalt  }
0x42: {  	_ =	shalt  }
0x43: {  	_ =	shalt  }
0x44: {  	_ =	shalt  }
0x45: {  	_ =	shalt  }
0x46: {  	_ =	shalt  }
0x47: {  	_ =	shalt  }
0x48: {  	_ =	shalt  }
0x49: {  	_ =	shalt  }
0x4a: {  	_ =	shalt  }
0x4b: {  	_ =	shalt  }
0x4c: {  	_ =	shalt  }
0x4d: {  	_ =	shalt  }
0x4e: {  	_ =	shalt  }
0x4f: {  	_ =	shalt  }
0x50: {  	_ =	shalt  }
0x51: {  	_ =	shalt  }
0x52: {  	_ =	shalt  }
0x53: {  	_ =	shalt  }
0x54: {  	_ =	shalt  }
0x55: {  	_ =	shalt  }
0x56: {  	_ =	shalt  }
0x57: {  	_ =	shalt  }
0x58: {  	_ =	shalt  }
0x59: {  	_ =	shalt  }
0x5a: {  	_ =	shalt  }
0x5b: {  	_ =	shalt  }
0x5c: {  	_ =	shalt  }
0x5d: {  	_ =	shalt  }
0x5e: {  	_ =	shalt  }
0x5f: {  	_ =	shalt  }
0x60: {  	_ =	shalt  }
0x61: {  	_ =	shalt  }
0x62: {  	_ =	shalt  }
0x63: {  	_ =	shalt  }
0x64: {  	_ =	shalt  }
0x65: {  	_ =	shalt  }
0x66: {  	_ =	shalt  }
0x67: {  	_ =	shalt  }
0x68: {  	_ =	shalt  }
0x69: {  	_ =	shalt  }
0x6a: {  	_ =	shalt  }
0x6b: {  	_ =	shalt  }
0x6c: {  	_ =	shalt  }
0x6d: {  	_ =	shalt  }
0x6e: {  	_ =	shalt  }
0x6f: {  	_ =	shalt  }
0x70: {  	_ =	shalt  }
0x71: {  	_ =	shalt  }
0x72: {  	_ =	shalt  }
0x73: {  	_ =	shalt  }
0x74: {  	_ =	shalt  }
0x75: {  	_ =	shalt  }
0x76: {  	_ =	shalt  }
0x77: {  	_ =	shalt  }
0x78: {  	_ =	shalt  }
0x79: {  	_ =	shalt  }
0x7a: {  	_ =	shalt  }
0x7b: {  	_ =	shalt  }
0x7c: {  	_ =	shalt  }
0x7d: {  	_ =	shalt  }
0x7e: {  	_ =	shalt  }
0x7f: {  	_ =	shalt  }
0x80: {  	_ =	shalt  }
0x81: {  	_ =	shalt  }
0x82: {  	_ =	shalt  }
0x83: {  	_ =	shalt  }
0x84: {  	_ =	shalt  }
0x85: {  	_ =	shalt  }
0x86: {  	_ =	shalt  }
0x87: {  	_ =	shalt  }
.Lfunc_end0:
.L_simem_size_0:
called_computation.1_lowered:
.L_overlay_start_0:
0x88: {  	s2 =	sld [smem:$0x3FD9]  }
0x89: {  	s3 =	sld [smem:$0x3FFE];
	_ =	sdelay $0x1  }
0x8a: {  	s1 =	srdreg.scid  }
0x8b: {  	s0 =	sand.u32 $0x1, s1  }
0x8c: {  	s16 =	sshll.u32 s0, $0xA;
	s2 =	sadd.s32 s3, s2  }
0x8d: {  	s2 =	sadd.s32 s2, s16  }
0x8e: {  	[smem:$0x3FB8] =	sst s2  }
0x8f: {  	_ = 	snop  }
0x90: {  	(tm) =	ssettm $0x1  }
0x91: {  	s17 =	sld [smem:$0x3FFB];
	_ =	sdelay $0x3  }
0x92: {  	_ =	strace s17  }
0x93: {  	s2 =	sld [smem:$0x3FFC];
	_ =	sdelay $0x3  }
0x94: {  	_ =	strace s2  }
0x95: {  	s2 =	sld [smem:$0x3FFD];
	_ =	sdelay $0x3  }
0x96: {  	_ =	strace s2  }
0x97: {  	_ =	strace $0x8FFFFFFF  }
0x98: {  	s18 =	sld [smem:$0x3FDB];
	_ =	sdelay $0x1  }
0x99: {  	s19 =	simm.s32 $_scs_section_size  }
0x9a: {  	s4 =	simm.s32 $_size__tile_overlayer_lowered;
	s5 =	simm.s32 $_tile_overlayer_lowered  }
0x9b: {  	s22 =	simm.s32 $0x1BFF;
	s21 =	sshll.u32 s5, $0x1;
	s2 =	sadd.s32 s19, s18  }
0x9c: {  	s6 =	simm.s32 $0x0;
	s20 =	sshll.u32 s4, $0x1;
	s4 =	sadd.s32 s21, s2  }
0x9d: {  	[timem:s6], [sflag:s22] =	dma.local [hbm:s4], s20  }
0x9e: {  	_ =	swait.ge [sflag:s22], s20  }
0x9f: {  	s3 =	ssub.s32 $0x0, s20;
	[sflag:s22] =	ssyncset.done $0x0  }
0xa0: {  	[sflag:s22] =	ssyncadd.s32 s3;
	_ =	sdelay $0x1  }
0xa1: {  	s23 =	simm.s32 $0x1B8B  }
0xa2: {  	_ =	swait.ge [sflag:s23], $0x1  }
0xa3: {  	[sflag:s23] =	ssyncset.done $0x0  }
0xa4: {  	s25 =	simm.s32 $0x1B8E;
	s24 =	sld [smem:$0x3FFE];
	[sflag:s23] =	ssyncadd.s32 $0xFFFFFFFF  }
0xa5: {  	s26 =	simm.s32 $execute0_lowered;
	[smem:$0x3FD2] =	sst s25  }
0xa6: {  	s4 =	sshll.u32 s26, $0x1;
	_ =	strace $0x80000049;
	[dreg:$0x1] =	wrdreg $0xFFFFFFFF  }
0xa7: {  	s28 =	simm.s32 $_size_execute0_lowered;
	s2 =	sadd.s32 s2, s4;
	[dreg:$0x0] =	wrdreg $0x0  }
0xa8: {  	s4 =	sshll.u32 s28, $0x1;
	[dreg:$0x2] =	wrdreg s2  }
0xa9: {  	[dreg:$0x3] =	wrdreg s4  }
0xaa: {  	[dreg:$0x4] =	wrdreg $0xC0  }
0xab: {  	_ =	task [dreg:s6], $0x5FFFF  }
0xac: {  	[dreg:$0x1] =	wrdreg $0xFFFFFFFF  }
0xad: {  	[dreg:$0x0] =	wrdreg $0x60  }
0xae: {  	[dreg:$0x2] =	wrdreg s24  }
0xaf: {  	[dreg:$0x3] =	wrdreg $0x140000  }
0xb0: {  	[dreg:$0x4] =	wrdreg $0x9  }
0xb1: {  	_ =	task.clear_ibuf [dreg:s6], $0x5FFFF;
	_ =	strace $0x90000049  }
0xb2: {  	s29 =	simm.s32 $0x9;
	_ =	strace $0x8000004B  }
0xb3: {  	_ =	swait.ge [sflag:s29], $0x1  }
0xb4: {  	[sflag:s29] =	ssyncadd.s32 $0xFFFFFFFF  }
0xb5: {  	_ =	strace $0x9000004B  }
0xb6: {  	_ =	sfence  }
0xb7: {  	s30 =	sld [smem:$0x0];
	_ =	sdelay $0x2  }
0xb8: {  	s31 =	sshll.u32 s1, $0xD;
	s1 =	sshrl.u32 s1, $0x2  }
0xb9: {  	s3 =	sand.u32 $0x4000, s31;
	s1 =	sadd.s32 s1, s30  }
0xba: {  	s0 =	sor.u32 s3, s0;
	s1 =	sshll.u32 s1, $0x11  }
0xbb: {  	s0 =	sor.u32 s1, s0  }
0xbc: {  	s0 =	sadd.s32 $0x8F2B, s0  }
0xbd: {  	[sflag:s0] =	ssyncadd.remote.s32 $0x1  }
0xbe: {  	_ =	sfence.sel $0xFFFF  }
0xbf: {  	[dreg:$0x0] =	wrdreg $0xFFFFFFFF;
	(pc) =	sbr.abs _section_cstart, $3  }
0xc0: {  	[dreg:$0x1] =	wrdreg $0xFFFFFFFF  }
0xc1: {  	_ =	task.clear_ibuf [dreg:s6], $0x2FFFF;
	_ =	strace $0x9FFFFFFF  }
0xc2: {  	(tm) =	ssettm $0x7FFFFFFF  }
0xc3: {  	_ =	shalt  }
tec
execute0_lowered:
.L_overlay_start_1:
0x0: {  	(tag) =	ssettag $0x1  }
0x1: {  	s0 =	rddreg [dreg:$0x0];
	s1 =	srdreg.scid  }
0x2: {  	s2 =	rddreg [dreg:$0x1];
	s9 =	stileid.u32  }
0x3: {  	s3 =	simm.s32 $0x0;
	s14 =	simm.s32 $0x9;
	s15 =	simm.s32 $0x5000  }
0x4: {  	s16 =	simm.s32 $0x80;
	s17 =	simm.s32 $0xA000;
	s18 =	simm.s32 $0xC000  }
0x5: {  	s19 =	simm.s32 $0x12000;
	s20 =	simm.s32 $0x1;
	s22 =	simm.s32 $0xE000  }
0x6: {  	s23 =	simm.s32 $0x2;
	s24 =	simm.s32 $0x5;
	s7 =	smul.u32 $0xA000, s9  }
0x7: {  	s28 =	simm.s32 $0x10000;
	s29 =	simm.s32 $0x3;
	s25 =	smul.u32 $0xA00, s9  }
0x8: {  	s30 =	simm.s32 $0x6;
	s1 =	sand.u32 $0x1, s1;
	s9 =	smul.u32 $0x28000, s9  }
0x9: {  	s21 =	simm.s32 $0x7;
	s31 =	simm.s32 $0x8;
	s4 =	smul.u32 $0x13880, s1  }
0xa: {  	[smem:$0x7FF] =	sst s3;
	s5 =	smul.u32 $0xA0000, s1;
	s1 =	ssub.s32 $0x2, s1  }
0xb: {  	_ =	strace $0x8000004A;
	s8 =	sshrl.u32 s1, $0x1;
	s10 =	sadd.s32 s25, s0  }
0xc: {  	s26 =	sshrl.u32 s9, $0x2;
	s6 =	sadd.s32 s4, s0;
	s5 =	sadd.s32 s7, s5  }
0xd: {  	s1 =	ssub.s32 s1, s8;
	s4 =	sadd.s32 $0x3600, s10;
	s7 =	sadd.s32 s7, s2  }
.Ltmp0:
0xe: {  	s11 =	sadd.s32 s26, s2;
	s5 =	sshrl.u32 s5, $0x3;
	(pc) =	sbr.rel .LBB2_1-.Ltmp0, $4  }
0xf: {  	[dreg:$0x3] =	wrdreg s4;
	s6 =	sadd.s32 $0x67600, s6;
	s8 =	sadd.s32 $0x2000, s11  }
0x10: {  	s9 =	sadd.s32 $0x4000, s11;
	s13 =	smax.u32 s1, $0x1;
	s1 =	simm.s32 $0x4  }
0x11: {  	s0 =	sadd.s32 s5, s0;
	s5 =	sadd.s32 $0xD600, s10;
	s10 =	sadd.s32 $0x6000, s11  }
0x12: {  	v0 =	vimm.f32 $0.0e+00;
	s11 =	sadd.s32 $0x8000, s11;
	s12 =	sadd.s32 $0x8E800, s0;
	s0 =	simm.s32 $0x0  }
.LBB2_6:
0x13: {  	_ =	swait.ge [sflag:s1], $0x2000  }
0x14: {  	[sflag:s1] =	ssyncset.done $0x0  }
0x15: {  	[sflag:s1] =	ssyncadd.s32 $0xFFFFE000  }
0x16: {  	_ =	swait.ge [sflag:s21], $0x2000  }
0x17: {  	[sflag:s21] =	ssyncset.done $0x0  }
0x18: {  	s4 =	sadd.s32 $0x5380, s26;
	[sflag:s21] =	ssyncadd.s32 $0xFFFFE000  }
0x19: {  	[spmem:s2] =	stream.indirect.scatter.add.f32 [tilespmem:s28], [sflag:$0x8], $0x40, s4, s16, $0xb8;
	[tilespmem:$0x1E000] =	vst v63  }
0x1a: {  	s26 =	stileid.u32;
	_ =	swait.ge [sflag:s31], $0x2000  }
0x1b: {  	s25 =	sshrl.u32 s7, $0x3;
	s0 =	sadd.s32 $0x1, s0;
	[sflag:s31] =	ssyncset.done $0x0  }
0x1c: {  	p0 =	sne.s32 s0, s13;
	s4 =	sshll.u32 s26, $0x6;
	[sflag:s31] =	ssyncadd.s32 $0xFFFFE000  }
.Ltmp1:
0x1d: {  	s4 =	sor.u32 $0x1C09, s4;
	[bflag:$0x0] =	sbarrier.arrive $0xFFFF;
	(pc) =	sbr.rel @!p0 .LBB2_7-.Ltmp1, $4  }
0x1e: {  	[hbm:s12], [sflag:s4] =	dma.local [spmem:s25], $0x1400  }
0x1f: {  	_ =	swait.ge [sflag:s14], $0x1400  }
0x20: {  	[sflag:s14] =	ssyncset.done $0x0  }
0x21: {  	[sflag:s14] =	ssyncadd.s32 $0xFFFFEC00  }
.LBB2_1:
0x22: {  	s4 =	rddreg [dreg:$0x3]  }
0x23: {  	[tilespmem:s3], [sflag:$0x9] =	stream.linear.gather [hbm4b:s4+s3], $0x5000, $0x38;
	[tilespmem:$0x1E000] =	vst v63  }
0x24: {  	_ =	swait.ge [sflag:s14], $0x5000  }
0x25: {  	[sflag:s14] =	ssyncset.done $0x0  }
0x26: {  	[sflag:s14] =	ssyncadd.s32 $0xFFFFB000  }
0x27: {  	[tilespmem:s15], [sflag:$0x9] =	stream.linear.gather [hbm4b:s5+s3], $0x5000, $0x38;
	[tilespmem:$0x1E000] =	vst v63  }
0x28: {  	_ =	swait.ge [sflag:s14], $0x5000  }
0x29: {  	[sflag:s14] =	ssyncset.done $0x0  }
0x2a: {  	[sflag:s14] =	ssyncadd.s32 $0xFFFFB000  }
0x2b: {  	[tilespmem:s17], [sflag:$0x1] =	stream.indirect.gather [hbm4b:s6+s16], $0x40, s3, s16, $0xb8;
	[tilespmem:$0x1E000] =	vst v63  }
0x2c: {  	s26 =	simm.s32 $0x100;
	s25 =	simm.s32 $0x0  }
0x2d: {  	[tilespmem:s18], [sflag:$0x2] =	stream.indirect.gather [hbm4b:s6+s16], $0x40, s16, s16, $0xb8;
	[tilespmem:$0x1E000] =	vst v63  }
.LBB2_2:
0x2e: {  	p0 =	sne.s32 s26, $0x7F00;
	[tilespmem:s25+$0x12030] =	vst v0;
	s4 =	smov.u32 s26;
	s26 =	sadd.s32 $0x100, s26  }
.Ltmp2:
0x2f: {  	[tilespmem:s25+$0x12020] =	vst v0;
	(pc) =	sbr.rel @p0 .LBB2_2-.Ltmp2, $3  }
0x30: {  	[tilespmem:s25+$0x12000] =	vst v0  }
0x31: {  	[tilespmem:s25+$0x12010] =	vst v0;
	_ =	sdelay $0x1  }
0x32: {  	s25 =	sshra.s32 s4, $0x2  }
0x33: {  	[tilespmem:s25+$0x12030] =	vst v0  }
0x34: {  	[tilespmem:s25+$0x12020] =	vst v0  }
0x35: {  	[tilespmem:s25+$0x12000] =	vst v0  }
0x36: {  	[tilespmem:s25+$0x12010] =	vst v0  }
0x37: {  	[spmem:s7] =	stream.linear.scatter [tilespmem:s19], [sflag:$0x9], $0x2000, $0x38;
	[tilespmem:$0x1E000] =	vst v63  }
0x38: {  	_ =	swait.ge [sflag:s14], $0x2000  }
0x39: {  	[sflag:s14] =	ssyncset.done $0x0  }
0x3a: {  	[sflag:s14] =	ssyncadd.s32 $0xFFFFE000  }
0x3b: {  	[spmem:s8] =	stream.linear.scatter [tilespmem:s19], [sflag:$0x9], $0x2000, $0x38;
	[tilespmem:$0x1E000] =	vst v63  }
0x3c: {  	_ =	swait.ge [sflag:s14], $0x2000  }
0x3d: {  	[sflag:s14] =	ssyncset.done $0x0  }
0x3e: {  	[sflag:s14] =	ssyncadd.s32 $0xFFFFE000  }
0x3f: {  	[spmem:s9] =	stream.linear.scatter [tilespmem:s19], [sflag:$0x9], $0x2000, $0x38;
	[tilespmem:$0x1E000] =	vst v63  }
0x40: {  	_ =	swait.ge [sflag:s14], $0x2000  }
0x41: {  	[sflag:s14] =	ssyncset.done $0x0  }
0x42: {  	[sflag:s14] =	ssyncadd.s32 $0xFFFFE000  }
0x43: {  	[spmem:s10] =	stream.linear.scatter [tilespmem:s19], [sflag:$0x9], $0x2000, $0x38;
	[tilespmem:$0x1E000] =	vst v63  }
0x44: {  	_ =	swait.ge [sflag:s14], $0x2000  }
0x45: {  	[sflag:s14] =	ssyncset.done $0x0  }
0x46: {  	[sflag:s14] =	ssyncadd.s32 $0xFFFFE000  }
0x47: {  	[spmem:s11] =	stream.linear.scatter [tilespmem:s19], [sflag:$0x9], $0x2000, $0x38;
	[tilespmem:$0x1E000] =	vst v63  }
0x48: {  	_ =	swait.ge [sflag:s14], $0x2000  }
0x49: {  	[sflag:s14] =	ssyncset.done $0x0  }
0x4a: {  	[sflag:s14] =	ssyncadd.s32 $0xFFFFE000  }
0x4b: {  	[bflag:$0x0] =	sbarrier.arrive $0xFFFF  }
0x4c: {  	_ =	swait.ge [sflag:s20], $0x2000  }
0x4d: {  	[sflag:s20] =	ssyncset.done $0x0  }
0x4e: {  	[sflag:s20] =	ssyncadd.s32 $0xFFFFE000  }
0x4f: {  	[spmem:s2] =	stream.indirect.scatter.add.f32 [tilespmem:s17], [sflag:$0x5], $0x40, s15, s16, $0xb8;
	[tilespmem:$0x1E000] =	vst v63  }
0x50: {  	s4 =	simm.s32 $0x100  }
0x51: {  	[tilespmem:s22], [sflag:$0x3] =	stream.indirect.gather [hbm4b:s6+s16], $0x40, s4, s16, $0xb8;
	[tilespmem:$0x1E000] =	vst v63  }
0x52: {  	_ =	swait.ge [sflag:s23], $0x2000  }
0x53: {  	[sflag:s23] =	ssyncset.done $0x0  }
0x54: {  	[sflag:s23] =	ssyncadd.s32 $0xFFFFE000  }
0x55: {  	_ =	swait.ge [sflag:s24], $0x2000  }
0x56: {  	[sflag:s24] =	ssyncset.done $0x0  }
0x57: {  	s25 =	simm.s32 $0x5080;
	[sflag:s24] =	ssyncadd.s32 $0xFFFFE000  }
0x58: {  	[spmem:s2] =	stream.indirect.scatter.add.f32 [tilespmem:s18], [sflag:$0x6], $0x40, s25, s16, $0xb8;
	[tilespmem:$0x1E000] =	vst v63  }
0x59: {  	s26 =	simm.s32 $0x180  }
0x5a: {  	[tilespmem:s28], [sflag:$0x4] =	stream.indirect.gather [hbm4b:s6+s16], $0x40, s26, s16, $0xb8;
	[tilespmem:$0x1E000] =	vst v63  }
0x5b: {  	_ =	swait.ge [sflag:s29], $0x2000  }
0x5c: {  	[sflag:s29] =	ssyncset.done $0x0  }
0x5d: {  	[sflag:s29] =	ssyncadd.s32 $0xFFFFE000  }
0x5e: {  	_ =	swait.ge [sflag:s30], $0x2000  }
0x5f: {  	[sflag:s30] =	ssyncset.done $0x0  }
0x60: {  	s25 =	simm.s32 $0x5100;
	[sflag:s30] =	ssyncadd.s32 $0xFFFFE000  }
0x61: {  	[spmem:s2] =	stream.indirect.scatter.add.f32 [tilespmem:s22], [sflag:$0x7], $0x40, s25, s16, $0xb8;
	[tilespmem:$0x1E000] =	vst v63  }
0x62: {  	s26 =	simm.s32 $0x200  }
0x63: {  	[tilespmem:s17], [sflag:$0x1] =	stream.indirect.gather [hbm4b:s6+s16], $0x40, s26, s16, $0xb8;
	[tilespmem:$0x1E000] =	vst v63  }
0x64: {  	_ =	swait.ge [sflag:s1], $0x2000  }
0x65: {  	[sflag:s1] =	ssyncset.done $0x0  }
0x66: {  	[sflag:s1] =	ssyncadd.s32 $0xFFFFE000  }
0x67: {  	_ =	swait.ge [sflag:s21], $0x2000  }
0x68: {  	[sflag:s21] =	ssyncset.done $0x0  }
0x69: {  	s25 =	simm.s32 $0x5180;
	[sflag:s21] =	ssyncadd.s32 $0xFFFFE000  }
0x6a: {  	[spmem:s2] =	stream.indirect.scatter.add.f32 [tilespmem:s28], [sflag:$0x8], $0x40, s25, s16, $0xb8;
	[tilespmem:$0x1E000] =	vst v63  }
0x6b: {  	s26 =	simm.s32 $0x280;
	s25 =	simm.s32 $0x0  }
0x6c: {  	[tilespmem:s18], [sflag:$0x2] =	stream.indirect.gather [hbm4b:s6+s16], $0x40, s26, s16, $0xb8;
	[tilespmem:$0x1E000] =	vst v63  }
.LBB2_4:
0x6d: {  	_ =	swait.ge [sflag:s20], $0x2000  }
0x6e: {  	[sflag:s20] =	ssyncset.done $0x0  }
0x6f: {  	[sflag:s20] =	ssyncadd.s32 $0xFFFFE000  }
0x70: {  	_ =	swait.ge [sflag:s31], $0x2000  }
0x71: {  	s26 =	sshra.s32 s25, $0x2;
	[sflag:s31] =	ssyncset.done $0x0  }
0x72: {  	s4 =	sadd.s32 $0x5200, s26;
	[sflag:s31] =	ssyncadd.s32 $0xFFFFE000  }
0x73: {  	[spmem:s2] =	stream.indirect.scatter.add.f32 [tilespmem:s17], [sflag:$0x5], $0x40, s4, s16, $0xb8;
	[tilespmem:$0x1E000] =	vst v63  }
0x74: {  	s4 =	sadd.s32 $0x300, s26  }
0x75: {  	[tilespmem:s22], [sflag:$0x3] =	stream.indirect.gather [hbm4b:s6+s16], $0x40, s4, s16, $0xb8;
	[tilespmem:$0x1E000] =	vst v63  }
0x76: {  	_ =	swait.ge [sflag:s23], $0x2000  }
0x77: {  	[sflag:s23] =	ssyncset.done $0x0  }
0x78: {  	[sflag:s23] =	ssyncadd.s32 $0xFFFFE000  }
0x79: {  	_ =	swait.ge [sflag:s24], $0x2000  }
0x7a: {  	[sflag:s24] =	ssyncset.done $0x0  }
0x7b: {  	s4 =	sadd.s32 $0x5280, s26;
	[sflag:s24] =	ssyncadd.s32 $0xFFFFE000  }
0x7c: {  	[spmem:s2] =	stream.indirect.scatter.add.f32 [tilespmem:s18], [sflag:$0x6], $0x40, s4, s16, $0xb8;
	[tilespmem:$0x1E000] =	vst v63  }
0x7d: {  	s4 =	sadd.s32 $0x380, s26  }
0x7e: {  	[tilespmem:s28], [sflag:$0x4] =	stream.indirect.gather [hbm4b:s6+s16], $0x40, s4, s16, $0xb8;
	[tilespmem:$0x1E000] =	vst v63  }
0x7f: {  	_ =	swait.ge [sflag:s29], $0x2000  }
0x80: {  	p0 =	seq.s32 s25, $0x13000;
	[sflag:s29] =	ssyncset.done $0x0  }
.Ltmp3:
0x81: {  	[sflag:s29] =	ssyncadd.s32 $0xFFFFE000;
	(pc) =	sbr.rel @p0 .LBB2_6-.Ltmp3, $4  }
0x82: {  	_ =	swait.ge [sflag:s30], $0x2000  }
0x83: {  	[sflag:s30] =	ssyncset.done $0x0  }
0x84: {  	s4 =	sadd.s32 $0x5300, s26;
	[sflag:s30] =	ssyncadd.s32 $0xFFFFE000  }
0x85: {  	[spmem:s2] =	stream.indirect.scatter.add.f32 [tilespmem:s22], [sflag:$0x7], $0x40, s4, s16, $0xb8;
	[tilespmem:$0x1E000] =	vst v63  }
0x86: {  	s4 =	sadd.s32 $0x400, s26  }
0x87: {  	[tilespmem:s17], [sflag:$0x1] =	stream.indirect.gather [hbm4b:s6+s16], $0x40, s4, s16, $0xb8;
	[tilespmem:$0x1E000] =	vst v63  }
0x88: {  	_ =	swait.ge [sflag:s1], $0x2000  }
0x89: {  	[sflag:s1] =	ssyncset.done $0x0  }
0x8a: {  	[sflag:s1] =	ssyncadd.s32 $0xFFFFE000  }
0x8b: {  	_ =	swait.ge [sflag:s21], $0x2000  }
.Ltmp4:
0x8c: {  	[sflag:s21] =	ssyncset.done $0x0;
	(pc) =	sbr.rel .LBB2_4-.Ltmp4, $4  }
0x8d: {  	s4 =	sadd.s32 $0x5380, s26;
	[sflag:s21] =	ssyncadd.s32 $0xFFFFE000  }
0x8e: {  	[spmem:s2] =	stream.indirect.scatter.add.f32 [tilespmem:s28], [sflag:$0x8], $0x40, s4, s16, $0xb8;
	[tilespmem:$0x1E000] =	vst v63  }
0x8f: {  	s25 =	sadd.s32 $0x800, s25;
	s26 =	sadd.s32 $0x480, s26  }
0x90: {  	[tilespmem:s18], [sflag:$0x2] =	stream.indirect.gather [hbm4b:s6+s16], $0x40, s26, s16, $0xb8;
	[tilespmem:$0x1E000] =	vst v63  }
.LBB2_7:
0x91: {  	_ =	sfence.sel $0x180000  }
0x92: {  	[bflag:$0x0] =	sbarrier.arrive $0xFFFF  }
0x93: {  	_ =	strace $0x9000004A  }
0x94: {  	s0 =	stileid.u32;
	[bflag:$0x2] =	sbarrier.arrive $0xFFFF  }
0x95: {  	p0 =	sne.s32 s0, $0x0;
	s0 =	rddreg [dreg:$0x2]  }
0x96: {  	s0 =	sadd.s32 @!p0 $0x100000, s0  }
0x97: {  	[sflag:s0] =	ssyncadd.tile.s32 @!p0 $0x1;
	_ =	shalt  }
.Lfunc_end2:
_tile_overlayer_lowered:
.L_overlay_start_2:
0x98: {  	(tag) =	ssettag $0x2  }
0x99: {  	s0 =	rddreg [dreg:$0x0];
	s2 =	stileid.u32  }
0x9a: {  	s1 =	rddreg [dreg:$0x1];
	p0 =	sne.s32 s2, $0x0  }
0x9b: {  	s3 =	rddreg [dreg:$0x2];
	[bflag:$0x3] =	sbarrier.arrive $0xFFFF;
	s2 =	simm.s32 @!p0 $0x1C09  }
0x9c: {  	[timem:s3], [sflag:s2] =	dma.local @!p0 [hbm:s0], s1  }
0x9d: {  	s0 =	simm.s32 @!p0 $0x9  }
0x9e: {  	_ =	swait.ge @!p0 [sflag:s0], s1  }
0x9f: {  	s1 =	ssub.s32 @!p0 $0x0, s1;
	[sflag:s0] =	ssyncset.done @!p0 $0x0  }
0xa0: {  	[sflag:s0] =	ssyncadd.s32 @!p0 s1  }
0xa1: {  	[bflag:$0x3] =	sbarrier.arrive $0xFFFF  }
0xa2: {  	_ =	shalt  }

// kernel: kernel.21.cloned.1.call-start
scs
__scs_entry_jumppad:
0x0: {  	(pc) =	sbr.rel $0x88, $3  }
0x1: {  	(tag) =	ssettag $0x0;
	lr =	simm.s32 $0x1  }
0x2: {  	[smem:$0x3F91] =	sst lr;
	_ =	strace $0xD0000000  }
0x3: {  	_ = 	snop  }
0x4: {  	_ = 	snop  }
0x5: {  	_ = 	snop  }
0x6: {  	_ = 	snop  }
0x7: {  	_ = 	snop  }
__scs_overlays_trampoline_lowered:
0x8: {  	[smem:$0x3FA0] =	sst s0  }
0x9: {  	[smem:$0x3FA1] =	sst s1  }
0xa: {  	[smem:$0x3FA2] =	sst s2  }
0xb: {  	[smem:$0x3FA3] =	sst s3  }
0xc: {  	[smem:$0x3FA4] =	sst s4  }
0xd: {  	[smem:$0x3FA5] =	sst s5  }
0xe: {  	[smem:$0x3FA6] =	sst s6  }
0xf: {  	[smem:$0x3FA7] =	sst s7  }
0x10: {  	[smem:$0x3FA8] =	sst s8  }
0x11: {  	[smem:$0x3FA9] =	sst s9;
	s0 =	simm.s32 @!p0 $0x0  }
0x12: {  	s1 =	sld [smem:$0x3F8F];
	s0 =	simm.s32 @p0 $0x1  }
0x13: {  	[smem:$0x3FAA] =	sst s0;
	s0 =	simm.s32 @!p1 $0x0  }
0x14: {  	s2 =	sld [smem:$0x3F8E];
	s0 =	simm.s32 @p1 $0x1  }
0x15: {  	[smem:$0x3FAB] =	sst s0;
	s0 =	simm.s32 @!p2 $0x0  }
0x16: {  	s3 =	sld [smem:$0x3FDB];
	s0 =	simm.s32 @p2 $0x1  }
0x17: {  	s4 =	simm.s32 $0x1BF5;
	[smem:$0x3FAD] =	sst s0  }
0x18: {  	s0 =	sld [smem:$0x3F90];
	_ =	swait.ge [sflag:s4], $0x0  }
0x19: {  	s7 =	sld [smem:$0x3F91]  }
0x1a: {  	s8 =	sadd.s32 $0xFFFFE003, lr  }
0x1b: {  	s9 =	sadd.s32 $0xFFFFFEF7, lr;
	s5 =	simm.s32 $0xFFFFFFFF;
	p2 =	slt.u32 s8, $0xFFFFF086  }
0x1c: {  	p1 =	slt.u32 s9, $0xF7A;
	s5 =	simm.s32 @!p2 $0x0  }
0x1d: {  	s5 =	simm.s32 @p1 $0x1;
	p0 =	seq.s32 s7, s2  }
0x1e: {  	s7 =	smul.u32 @!p0 $0xF7A, s2;
	p2 =	seq.s32 @!p0 s5, $0x0  }
0x1f: {  	s9 =	smul.u32 $0xF7A, s1;
	s8 =	simm.s32 @!p0 $0x1BF5;
	p2 =	por !p2, p0  }
0x20: {  	[sflag:s8] =	ssyncset.s32 @!p0 $0xFFFFF086;
	s6 =	sadd.s32 @!p0 s3, s7;
	s7 =	simm.s32 @!p0 $0x108  }
0x21: {  	s3 =	sadd.s32 s3, s9;
	s6 =	sadd.s32 @!p0 $0x88, s6;
	s7 =	simm.s32 @p2 $0x1082  }
0x22: {  	[simem:s7], [sflag:s8] =	dma.local @!p0 [hbm:s6], $0xF7A  }
0x23: {  	s9 =	sor.u32 $0xD0000000, s2;
	s6 =	simm.s32 $0x108;
	_ =	swait.ge @!p0 [sflag:s8], $0x0  }
0x24: {  	s3 =	sadd.s32 $0x88, s3;
	s6 =	simm.s32 @!p1 $0x1082;
	[sflag:s4] =	ssyncset.s32 $0xFFFFF086  }
0x25: {  	[simem:s6], [sflag:s4] =	dma.local [hbm:s3], $0xF7A  }
0x26: {  	[smem:$0x3F91] =	sst s1;
	(tag) =	ssettag s2;
	_ =	strace s9  }
0x27: {  	s1 =	sld [smem:$0x3FA1]  }
0x28: {  	s2 =	sld [smem:$0x3FA2]  }
0x29: {  	s4 =	sld [smem:$0x3FA4]  }
0x2a: {  	p0 =	seq.s32 s5, $0x0;
	s5 =	sld [smem:$0x3FA5]  }
0x2b: {  	s6 =	sld [smem:$0x3FA6]  }
0x2c: {  	s7 =	sld [smem:$0x3FA7]  }
0x2d: {  	s3 =	simm.s32 $0x108;
	s8 =	sld [smem:$0x3FA8]  }
0x2e: {  	s3 =	simm.s32 @!p0 $0x1082;
	s9 =	sld [smem:$0x3FA9]  }
0x2f: {  	lr =	sadd.s32 s0, s3;
	s0 =	sld [smem:$0x3FA0]  }
0x30: {  	s3 =	sld [smem:$0x3FA3]  }
0x31: {  	[smem:$0x3FAC] =	sst s10  }
0x32: {  	s10 =	sld [smem:$0x3FAA];
	_ =	sdelay $0x3  }
0x33: {  	p0 =	seq.s32 s10, $0x1;
	s10 =	sld [smem:$0x3FAC];
	_ =	sdelay $0x3  }
0x34: {  	[smem:$0x3FAC] =	sst s10  }
0x35: {  	s10 =	sld [smem:$0x3FAB];
	_ =	sdelay $0x3  }
0x36: {  	p1 =	seq.s32 s10, $0x1;
	s10 =	sld [smem:$0x3FAC];
	_ =	sdelay $0x3  }
0x37: {  	[smem:$0x3FAC] =	sst s10  }
0x38: {  	s10 =	sld [smem:$0x3FAD]  }
0x39: {  	_ = 	snop;
	(pc) =	sbr.ind lr, $3  }
0x3a: {  	_ = 	snop  }
0x3b: {  	_ = 	snop  }
0x3c: {  	p2 =	seq.s32 s10, $0x1;
	s10 =	sld [smem:$0x3FAC]  }
0x3d: {  	_ =	shalt  }
0x3e: {  	_ =	shalt  }
0x3f: {  	_ =	shalt  }
0x40: {  	_ =	shalt  }
0x41: {  	_ =	shalt  }
0x42: {  	_ =	shalt  }
0x43: {  	_ =	shalt  }
0x44: {  	_ =	shalt  }
0x45: {  	_ =	shalt  }
0x46: {  	_ =	shalt  }
0x47: {  	_ =	shalt  }
0x48: {  	_ =	shalt  }
0x49: {  	_ =	shalt  }
0x4a: {  	_ =	shalt  }
0x4b: {  	_ =	shalt  }
0x4c: {  	_ =	shalt  }
0x4d: {  	_ =	shalt  }
0x4e: {  	_ =	shalt  }
0x4f: {  	_ =	shalt  }
0x50: {  	_ =	shalt  }
0x51: {  	_ =	shalt  }
0x52: {  	_ =	shalt  }
0x53: {  	_ =	shalt  }
0x54: {  	_ =	shalt  }
0x55: {  	_ =	shalt  }
0x56: {  	_ =	shalt  }
0x57: {  	_ =	shalt  }
0x58: {  	_ =	shalt  }
0x59: {  	_ =	shalt  }
0x5a: {  	_ =	shalt  }
0x5b: {  	_ =	shalt  }
0x5c: {  	_ =	shalt  }
0x5d: {  	_ =	shalt  }
0x5e: {  	_ =	shalt  }
0x5f: {  	_ =	shalt  }
0x60: {  	_ =	shalt  }
0x61: {  	_ =	shalt  }
0x62: {  	_ =	shalt  }
0x63: {  	_ =	shalt  }
0x64: {  	_ =	shalt  }
0x65: {  	_ =	shalt  }
0x66: {  	_ =	shalt  }
0x67: {  	_ =	shalt  }
0x68: {  	_ =	shalt  }
0x69: {  	_ =	shalt  }
0x6a: {  	_ =	shalt  }
0x6b: {  	_ =	shalt  }
0x6c: {  	_ =	shalt  }
0x6d: {  	_ =	shalt  }
0x6e: {  	_ =	shalt  }
0x6f: {  	_ =	shalt  }
0x70: {  	_ =	shalt  }
0x71: {  	_ =	shalt  }
0x72: {  	_ =	shalt  }
0x73: {  	_ =	shalt  }
0x74: {  	_ =	shalt  }
0x75: {  	_ =	shalt  }
0x76: {  	_ =	shalt  }
0x77: {  	_ =	shalt  }
0x78: {  	_ =	shalt  }
0x79: {  	_ =	shalt  }
0x7a: {  	_ =	shalt  }
0x7b: {  	_ =	shalt  }
0x7c: {  	_ =	shalt  }
0x7d: {  	_ =	shalt  }
0x7e: {  	_ =	shalt  }
0x7f: {  	_ =	shalt  }
0x80: {  	_ =	shalt  }
0x81: {  	_ =	shalt  }
0x82: {  	_ =	shalt  }
0x83: {  	_ =	shalt  }
0x84: {  	_ =	shalt  }
0x85: {  	_ =	shalt  }
0x86: {  	_ =	shalt  }
0x87: {  	_ =	shalt  }
.Lfunc_end0:
.L_simem_size_0:
called_computation.2_lowered:
.L_overlay_start_0:
0x88: {  	s2 =	sld [smem:$0x3FD9]  }
0x89: {  	s3 =	sld [smem:$0x3FFE];
	_ =	sdelay $0x1  }
0x8a: {  	s1 =	srdreg.scid  }
0x8b: {  	s0 =	sand.u32 $0x1, s1  }
0x8c: {  	s16 =	sshll.u32 s0, $0xA;
	s2 =	sadd.s32 s3, s2  }
0x8d: {  	s2 =	sadd.s32 s2, s16  }
0x8e: {  	[smem:$0x3FB8] =	sst s2  }
0x8f: {  	_ = 	snop  }
0x90: {  	(tm) =	ssettm $0x1  }
0x91: {  	s17 =	sld [smem:$0x3FFB];
	_ =	sdelay $0x3  }
0x92: {  	_ =	strace s17  }
0x93: {  	s2 =	sld [smem:$0x3FFC];
	_ =	sdelay $0x3  }
0x94: {  	_ =	strace s2  }
0x95: {  	s2 =	sld [smem:$0x3FFD];
	_ =	sdelay $0x3  }
0x96: {  	_ =	strace s2  }
0x97: {  	_ =	strace $0x8FFFFFFF  }
0x98: {  	s18 =	sld [smem:$0x3FDB];
	_ =	sdelay $0x1  }
0x99: {  	s19 =	simm.s32 $_scs_section_size  }
0x9a: {  	s4 =	simm.s32 $_size__tile_overlayer_lowered;
	s5 =	simm.s32 $_tile_overlayer_lowered  }
0x9b: {  	s22 =	simm.s32 $0x1BFF;
	s21 =	sshll.u32 s5, $0x1;
	s2 =	sadd.s32 s19, s18  }
0x9c: {  	s6 =	simm.s32 $0x0;
	s20 =	sshll.u32 s4, $0x1;
	s4 =	sadd.s32 s21, s2  }
0x9d: {  	[timem:s6], [sflag:s22] =	dma.local [hbm:s4], s20  }
0x9e: {  	_ =	swait.ge [sflag:s22], s20  }
0x9f: {  	s3 =	ssub.s32 $0x0, s20;
	[sflag:s22] =	ssyncset.done $0x0  }
0xa0: {  	[sflag:s22] =	ssyncadd.s32 s3;
	_ =	sdelay $0x1  }
0xa1: {  	s23 =	simm.s32 $0x1B8B  }
0xa2: {  	_ =	swait.ge [sflag:s23], $0x1  }
0xa3: {  	[sflag:s23] =	ssyncset.done $0x0  }
0xa4: {  	s25 =	simm.s32 $0x1B8E;
	s24 =	sld [smem:$0x3FFE];
	[sflag:s23] =	ssyncadd.s32 $0xFFFFFFFF  }
0xa5: {  	s26 =	simm.s32 $execute0_lowered;
	[smem:$0x3FD2] =	sst s25  }
0xa6: {  	s4 =	sshll.u32 s26, $0x1;
	_ =	strace $0x8000004C;
	[dreg:$0x1] =	wrdreg $0xFFFFFFFF  }
0xa7: {  	s28 =	simm.s32 $_size_execute0_lowered;
	s2 =	sadd.s32 s2, s4;
	[dreg:$0x0] =	wrdreg $0x0  }
0xa8: {  	s4 =	sshll.u32 s28, $0x1;
	[dreg:$0x2] =	wrdreg s2  }
0xa9: {  	[dreg:$0x3] =	wrdreg s4  }
0xaa: {  	[dreg:$0x4] =	wrdreg $0xC0  }
0xab: {  	_ =	task [dreg:s6], $0x5FFFF  }
0xac: {  	[dreg:$0x1] =	wrdreg $0xFFFFFFFF  }
0xad: {  	[dreg:$0x0] =	wrdreg $0x60  }
0xae: {  	[dreg:$0x2] =	wrdreg s24  }
0xaf: {  	[dreg:$0x3] =	wrdreg $0x140000  }
0xb0: {  	[dreg:$0x4] =	wrdreg $0x9  }
0xb1: {  	_ =	task.clear_ibuf [dreg:s6], $0x5FFFF;
	_ =	strace $0x9000004C  }
0xb2: {  	s29 =	simm.s32 $0x9;
	_ =	strace $0x8000004E  }
0xb3: {  	_ =	swait.ge [sflag:s29], $0x1  }
0xb4: {  	[sflag:s29] =	ssyncadd.s32 $0xFFFFFFFF  }
0xb5: {  	_ =	strace $0x9000004E  }
0xb6: {  	_ =	sfence  }
0xb7: {  	s30 =	sld [smem:$0x0];
	_ =	sdelay $0x2  }
0xb8: {  	s31 =	sshll.u32 s1, $0xD;
	s1 =	sshrl.u32 s1, $0x2  }
0xb9: {  	s3 =	sand.u32 $0x4000, s31;
	s1 =	sadd.s32 s1, s30  }
0xba: {  	s0 =	sor.u32 s3, s0;
	s1 =	sshll.u32 s1, $0x11  }
0xbb: {  	s0 =	sor.u32 s1, s0  }
0xbc: {  	s0 =	sadd.s32 $0x8F2B, s0  }
0xbd: {  	[sflag:s0] =	ssyncadd.remote.s32 $0x1  }
0xbe: {  	_ =	sfence.sel $0xFFFF  }
0xbf: {  	[dreg:$0x0] =	wrdreg $0xFFFFFFFF;
	(pc) =	sbr.abs _section_cstart, $3  }
0xc0: {  	[dreg:$0x1] =	wrdreg $0xFFFFFFFF  }
0xc1: {  	_ =	task.clear_ibuf [dreg:s6], $0x2FFFF;
	_ =	strace $0x9FFFFFFF  }
0xc2: {  	(tm) =	ssettm $0x7FFFFFFF  }
0xc3: {  	_ =	shalt  }
tec
execute0_lowered:
.L_overlay_start_1:
0x0: {  	(tag) =	ssettag $0x1  }
0x1: {  	s0 =	rddreg [dreg:$0x0];
	s1 =	srdreg.scid  }
0x2: {  	s2 =	rddreg [dreg:$0x1];
	s9 =	stileid.u32  }
0x3: {  	s3 =	simm.s32 $0x0;
	s14 =	simm.s32 $0x9;
	s15 =	simm.s32 $0x5000  }
0x4: {  	s16 =	simm.s32 $0x80;
	s17 =	simm.s32 $0xA000;
	s18 =	simm.s32 $0xC000  }
0x5: {  	s19 =	simm.s32 $0x12000;
	s20 =	simm.s32 $0x1;
	s22 =	simm.s32 $0xE000  }
0x6: {  	s23 =	simm.s32 $0x2;
	s24 =	simm.s32 $0x5;
	s7 =	smul.u32 $0xA000, s9  }
0x7: {  	s28 =	simm.s32 $0x10000;
	s29 =	simm.s32 $0x3;
	s25 =	smul.u32 $0xA00, s9  }
0x8: {  	s30 =	simm.s32 $0x6;
	s1 =	sand.u32 $0x1, s1;
	s9 =	smul.u32 $0x28000, s9  }
0x9: {  	s21 =	simm.s32 $0x7;
	s31 =	simm.s32 $0x8;
	s4 =	smul.u32 $0x13880, s1  }
0xa: {  	[smem:$0x7FF] =	sst s3;
	s5 =	smul.u32 $0xA0000, s1;
	s1 =	ssub.s32 $0x2, s1  }
0xb: {  	_ =	strace $0x8000004D;
	s8 =	sshrl.u32 s1, $0x1;
	s10 =	sadd.s32 s25, s0  }
0xc: {  	s26 =	sshrl.u32 s9, $0x2;
	s6 =	sadd.s32 s4, s0;
	s5 =	sadd.s32 s7, s5  }
0xd: {  	s1 =	ssub.s32 s1, s8;
	s4 =	sadd.s32 $0x3600, s10;
	s7 =	sadd.s32 s7, s2  }
.Ltmp0:
0xe: {  	s11 =	sadd.s32 s26, s2;
	s5 =	sshrl.u32 s5, $0x3;
	(pc) =	sbr.rel .LBB2_1-.Ltmp0, $4  }
0xf: {  	[dreg:$0x3] =	wrdreg s4;
	s6 =	sadd.s32 $0x67600, s6;
	s8 =	sadd.s32 $0x2000, s11  }
0x10: {  	s9 =	sadd.s32 $0x4000, s11;
	s13 =	smax.u32 s1, $0x1;
	s1 =	simm.s32 $0x4  }
0x11: {  	s0 =	sadd.s32 s5, s0;
	s5 =	sadd.s32 $0xD600, s10;
	s10 =	sadd.s32 $0x6000, s11  }
0x12: {  	v0 =	vimm.f32 $0.0e+00;
	s11 =	sadd.s32 $0x8000, s11;
	s12 =	sadd.s32 $0x8E800, s0;
	s0 =	simm.s32 $0x0  }
.LBB2_6:
0x13: {  	_ =	swait.ge [sflag:s1], $0x2000  }
0x14: {  	[sflag:s1] =	ssyncset.done $0x0  }
0x15: {  	[sflag:s1] =	ssyncadd.s32 $0xFFFFE000  }
0x16: {  	_ =	swait.ge [sflag:s21], $0x2000  }
0x17: {  	[sflag:s21] =	ssyncset.done $0x0  }
0x18: {  	s4 =	sadd.s32 $0x5380, s26;
	[sflag:s21] =	ssyncadd.s32 $0xFFFFE000  }
0x19: {  	[spmem:s2] =	stream.indirect.scatter.add.f32 [tilespmem:s28], [sflag:$0x8], $0x40, s4, s16, $0xb8;
	[tilespmem:$0x1E000] =	vst v63  }
0x1a: {  	s26 =	stileid.u32;
	_ =	swait.ge [sflag:s31], $0x2000  }
0x1b: {  	s25 =	sshrl.u32 s7, $0x3;
	s0 =	sadd.s32 $0x1, s0;
	[sflag:s31] =	ssyncset.done $0x0  }
0x1c: {  	p0 =	sne.s32 s0, s13;
	s4 =	sshll.u32 s26, $0x6;
	[sflag:s31] =	ssyncadd.s32 $0xFFFFE000  }
.Ltmp1:
0x1d: {  	s4 =	sor.u32 $0x1C09, s4;
	[bflag:$0x0] =	sbarrier.arrive $0xFFFF;
	(pc) =	sbr.rel @!p0 .LBB2_7-.Ltmp1, $4  }
0x1e: {  	[hbm:s12], [sflag:s4] =	dma.local [spmem:s25], $0x1400  }
0x1f: {  	_ =	swait.ge [sflag:s14], $0x1400  }
0x20: {  	[sflag:s14] =	ssyncset.done $0x0  }
0x21: {  	[sflag:s14] =	ssyncadd.s32 $0xFFFFEC00  }
.LBB2_1:
0x22: {  	s4 =	rddreg [dreg:$0x3]  }
0x23: {  	[tilespmem:s3], [sflag:$0x9] =	stream.linear.gather [hbm4b:s4+s3], $0x5000, $0x38;
	[tilespmem:$0x1E000] =	vst v63  }
0x24: {  	_ =	swait.ge [sflag:s14], $0x5000  }
0x25: {  	[sflag:s14] =	ssyncset.done $0x0  }
0x26: {  	[sflag:s14] =	ssyncadd.s32 $0xFFFFB000  }
0x27: {  	[tilespmem:s15], [sflag:$0x9] =	stream.linear.gather [hbm4b:s5+s3], $0x5000, $0x38;
	[tilespmem:$0x1E000] =	vst v63  }
0x28: {  	_ =	swait.ge [sflag:s14], $0x5000  }
0x29: {  	[sflag:s14] =	ssyncset.done $0x0  }
0x2a: {  	[sflag:s14] =	ssyncadd.s32 $0xFFFFB000  }
0x2b: {  	[tilespmem:s17], [sflag:$0x1] =	stream.indirect.gather [hbm4b:s6+s16], $0x40, s3, s16, $0xb8;
	[tilespmem:$0x1E000] =	vst v63  }
0x2c: {  	s26 =	simm.s32 $0x100;
	s25 =	simm.s32 $0x0  }
0x2d: {  	[tilespmem:s18], [sflag:$0x2] =	stream.indirect.gather [hbm4b:s6+s16], $0x40, s16, s16, $0xb8;
	[tilespmem:$0x1E000] =	vst v63  }
.LBB2_2:
0x2e: {  	p0 =	sne.s32 s26, $0x7F00;
	[tilespmem:s25+$0x12030] =	vst v0;
	s4 =	smov.u32 s26;
	s26 =	sadd.s32 $0x100, s26  }
.Ltmp2:
0x2f: {  	[tilespmem:s25+$0x12020] =	vst v0;
	(pc) =	sbr.rel @p0 .LBB2_2-.Ltmp2, $3  }
0x30: {  	[tilespmem:s25+$0x12000] =	vst v0  }
0x31: {  	[tilespmem:s25+$0x12010] =	vst v0;
	_ =	sdelay $0x1  }
0x32: {  	s25 =	sshra.s32 s4, $0x2  }
0x33: {  	[tilespmem:s25+$0x12030] =	vst v0  }
0x34: {  	[tilespmem:s25+$0x12020] =	vst v0  }
0x35: {  	[tilespmem:s25+$0x12000] =	vst v0  }
0x36: {  	[tilespmem:s25+$0x12010] =	vst v0  }
0x37: {  	[spmem:s7] =	stream.linear.scatter [tilespmem:s19], [sflag:$0x9], $0x2000, $0x38;
	[tilespmem:$0x1E000] =	vst v63  }
0x38: {  	_ =	swait.ge [sflag:s14], $0x2000  }
0x39: {  	[sflag:s14] =	ssyncset.done $0x0  }
0x3a: {  	[sflag:s14] =	ssyncadd.s32 $0xFFFFE000  }
0x3b: {  	[spmem:s8] =	stream.linear.scatter [tilespmem:s19], [sflag:$0x9], $0x2000, $0x38;
	[tilespmem:$0x1E000] =	vst v63  }
0x3c: {  	_ =	swait.ge [sflag:s14], $0x2000  }
0x3d: {  	[sflag:s14] =	ssyncset.done $0x0  }
0x3e: {  	[sflag:s14] =	ssyncadd.s32 $0xFFFFE000  }
0x3f: {  	[spmem:s9] =	stream.linear.scatter [tilespmem:s19], [sflag:$0x9], $0x2000, $0x38;
	[tilespmem:$0x1E000] =	vst v63  }
0x40: {  	_ =	swait.ge [sflag:s14], $0x2000  }
0x41: {  	[sflag:s14] =	ssyncset.done $0x0  }
0x42: {  	[sflag:s14] =	ssyncadd.s32 $0xFFFFE000  }
0x43: {  	[spmem:s10] =	stream.linear.scatter [tilespmem:s19], [sflag:$0x9], $0x2000, $0x38;
	[tilespmem:$0x1E000] =	vst v63  }
0x44: {  	_ =	swait.ge [sflag:s14], $0x2000  }
0x45: {  	[sflag:s14] =	ssyncset.done $0x0  }
0x46: {  	[sflag:s14] =	ssyncadd.s32 $0xFFFFE000  }
0x47: {  	[spmem:s11] =	stream.linear.scatter [tilespmem:s19], [sflag:$0x9], $0x2000, $0x38;
	[tilespmem:$0x1E000] =	vst v63  }
0x48: {  	_ =	swait.ge [sflag:s14], $0x2000  }
0x49: {  	[sflag:s14] =	ssyncset.done $0x0  }
0x4a: {  	[sflag:s14] =	ssyncadd.s32 $0xFFFFE000  }
0x4b: {  	[bflag:$0x0] =	sbarrier.arrive $0xFFFF  }
0x4c: {  	_ =	swait.ge [sflag:s20], $0x2000  }
0x4d: {  	[sflag:s20] =	ssyncset.done $0x0  }
0x4e: {  	[sflag:s20] =	ssyncadd.s32 $0xFFFFE000  }
0x4f: {  	[spmem:s2] =	stream.indirect.scatter.add.f32 [tilespmem:s17], [sflag:$0x5], $0x40, s15, s16, $0xb8;
	[tilespmem:$0x1E000] =	vst v63  }
0x50: {  	s4 =	simm.s32 $0x100  }
0x51: {  	[tilespmem:s22], [sflag:$0x3] =	stream.indirect.gather [hbm4b:s6+s16], $0x40, s4, s16, $0xb8;
	[tilespmem:$0x1E000] =	vst v63  }
0x52: {  	_ =	swait.ge [sflag:s23], $0x2000  }
0x53: {  	[sflag:s23] =	ssyncset.done $0x0  }
0x54: {  	[sflag:s23] =	ssyncadd.s32 $0xFFFFE000  }
0x55: {  	_ =	swait.ge [sflag:s24], $0x2000  }
0x56: {  	[sflag:s24] =	ssyncset.done $0x0  }
0x57: {  	s25 =	simm.s32 $0x5080;
	[sflag:s24] =	ssyncadd.s32 $0xFFFFE000  }
0x58: {  	[spmem:s2] =	stream.indirect.scatter.add.f32 [tilespmem:s18], [sflag:$0x6], $0x40, s25, s16, $0xb8;
	[tilespmem:$0x1E000] =	vst v63  }
0x59: {  	s26 =	simm.s32 $0x180  }
0x5a: {  	[tilespmem:s28], [sflag:$0x4] =	stream.indirect.gather [hbm4b:s6+s16], $0x40, s26, s16, $0xb8;
	[tilespmem:$0x1E000] =	vst v63  }
0x5b: {  	_ =	swait.ge [sflag:s29], $0x2000  }
0x5c: {  	[sflag:s29] =	ssyncset.done $0x0  }
0x5d: {  	[sflag:s29] =	ssyncadd.s32 $0xFFFFE000  }
0x5e: {  	_ =	swait.ge [sflag:s30], $0x2000  }
0x5f: {  	[sflag:s30] =	ssyncset.done $0x0  }
0x60: {  	s25 =	simm.s32 $0x5100;
	[sflag:s30] =	ssyncadd.s32 $0xFFFFE000  }
0x61: {  	[spmem:s2] =	stream.indirect.scatter.add.f32 [tilespmem:s22], [sflag:$0x7], $0x40, s25, s16, $0xb8;
	[tilespmem:$0x1E000] =	vst v63  }
0x62: {  	s26 =	simm.s32 $0x200  }
0x63: {  	[tilespmem:s17], [sflag:$0x1] =	stream.indirect.gather [hbm4b:s6+s16], $0x40, s26, s16, $0xb8;
	[tilespmem:$0x1E000] =	vst v63  }
0x64: {  	_ =	swait.ge [sflag:s1], $0x2000  }
0x65: {  	[sflag:s1] =	ssyncset.done $0x0  }
0x66: {  	[sflag:s1] =	ssyncadd.s32 $0xFFFFE000  }
0x67: {  	_ =	swait.ge [sflag:s21], $0x2000  }
0x68: {  	[sflag:s21] =	ssyncset.done $0x0  }
0x69: {  	s25 =	simm.s32 $0x5180;
	[sflag:s21] =	ssyncadd.s32 $0xFFFFE000  }
0x6a: {  	[spmem:s2] =	stream.indirect.scatter.add.f32 [tilespmem:s28], [sflag:$0x8], $0x40, s25, s16, $0xb8;
	[tilespmem:$0x1E000] =	vst v63  }
0x6b: {  	s26 =	simm.s32 $0x280;
	s25 =	simm.s32 $0x0  }
0x6c: {  	[tilespmem:s18], [sflag:$0x2] =	stream.indirect.gather [hbm4b:s6+s16], $0x40, s26, s16, $0xb8;
	[tilespmem:$0x1E000] =	vst v63  }
.LBB2_4:
0x6d: {  	_ =	swait.ge [sflag:s20], $0x2000  }
0x6e: {  	[sflag:s20] =	ssyncset.done $0x0  }
0x6f: {  	[sflag:s20] =	ssyncadd.s32 $0xFFFFE000  }
0x70: {  	_ =	swait.ge [sflag:s31], $0x2000  }
0x71: {  	s26 =	sshra.s32 s25, $0x2;
	[sflag:s31] =	ssyncset.done $0x0  }
0x72: {  	s4 =	sadd.s32 $0x5200, s26;
	[sflag:s31] =	ssyncadd.s32 $0xFFFFE000  }
0x73: {  	[spmem:s2] =	stream.indirect.scatter.add.f32 [tilespmem:s17], [sflag:$0x5], $0x40, s4, s16, $0xb8;
	[tilespmem:$0x1E000] =	vst v63  }
0x74: {  	s4 =	sadd.s32 $0x300, s26  }
0x75: {  	[tilespmem:s22], [sflag:$0x3] =	stream.indirect.gather [hbm4b:s6+s16], $0x40, s4, s16, $0xb8;
	[tilespmem:$0x1E000] =	vst v63  }
0x76: {  	_ =	swait.ge [sflag:s23], $0x2000  }
0x77: {  	[sflag:s23] =	ssyncset.done $0x0  }
0x78: {  	[sflag:s23] =	ssyncadd.s32 $0xFFFFE000  }
0x79: {  	_ =	swait.ge [sflag:s24], $0x2000  }
0x7a: {  	[sflag:s24] =	ssyncset.done $0x0  }
0x7b: {  	s4 =	sadd.s32 $0x5280, s26;
	[sflag:s24] =	ssyncadd.s32 $0xFFFFE000  }
0x7c: {  	[spmem:s2] =	stream.indirect.scatter.add.f32 [tilespmem:s18], [sflag:$0x6], $0x40, s4, s16, $0xb8;
	[tilespmem:$0x1E000] =	vst v63  }
0x7d: {  	s4 =	sadd.s32 $0x380, s26  }
0x7e: {  	[tilespmem:s28], [sflag:$0x4] =	stream.indirect.gather [hbm4b:s6+s16], $0x40, s4, s16, $0xb8;
	[tilespmem:$0x1E000] =	vst v63  }
0x7f: {  	_ =	swait.ge [sflag:s29], $0x2000  }
0x80: {  	p0 =	seq.s32 s25, $0x13000;
	[sflag:s29] =	ssyncset.done $0x0  }
.Ltmp3:
0x81: {  	[sflag:s29] =	ssyncadd.s32 $0xFFFFE000;
	(pc) =	sbr.rel @p0 .LBB2_6-.Ltmp3, $4  }
0x82: {  	_ =	swait.ge [sflag:s30], $0x2000  }
0x83: {  	[sflag:s30] =	ssyncset.done $0x0  }
0x84: {  	s4 =	sadd.s32 $0x5300, s26;
	[sflag:s30] =	ssyncadd.s32 $0xFFFFE000  }
0x85: {  	[spmem:s2] =	stream.indirect.scatter.add.f32 [tilespmem:s22], [sflag:$0x7], $0x40, s4, s16, $0xb8;
	[tilespmem:$0x1E000] =	vst v63  }
0x86: {  	s4 =	sadd.s32 $0x400, s26  }
0x87: {  	[tilespmem:s17], [sflag:$0x1] =	stream.indirect.gather [hbm4b:s6+s16], $0x40, s4, s16, $0xb8;
	[tilespmem:$0x1E000] =	vst v63  }
0x88: {  	_ =	swait.ge [sflag:s1], $0x2000  }
0x89: {  	[sflag:s1] =	ssyncset.done $0x0  }
0x8a: {  	[sflag:s1] =	ssyncadd.s32 $0xFFFFE000  }
0x8b: {  	_ =	swait.ge [sflag:s21], $0x2000  }
.Ltmp4:
0x8c: {  	[sflag:s21] =	ssyncset.done $0x0;
	(pc) =	sbr.rel .LBB2_4-.Ltmp4, $4  }
0x8d: {  	s4 =	sadd.s32 $0x5380, s26;
	[sflag:s21] =	ssyncadd.s32 $0xFFFFE000  }
0x8e: {  	[spmem:s2] =	stream.indirect.scatter.add.f32 [tilespmem:s28], [sflag:$0x8], $0x40, s4, s16, $0xb8;
	[tilespmem:$0x1E000] =	vst v63  }
0x8f: {  	s25 =	sadd.s32 $0x800, s25;
	s26 =	sadd.s32 $0x480, s26  }
0x90: {  	[tilespmem:s18], [sflag:$0x2] =	stream.indirect.gather [hbm4b:s6+s16], $0x40, s26, s16, $0xb8;
	[tilespmem:$0x1E000] =	vst v63  }
.LBB2_7:
0x91: {  	_ =	sfence.sel $0x180000  }
0x92: {  	[bflag:$0x0] =	sbarrier.arrive $0xFFFF  }
0x93: {  	_ =	strace $0x9000004D  }
0x94: {  	s0 =	stileid.u32;
	[bflag:$0x2] =	sbarrier.arrive $0xFFFF  }
0x95: {  	p0 =	sne.s32 s0, $0x0;
	s0 =	rddreg [dreg:$0x2]  }
0x96: {  	s0 =	sadd.s32 @!p0 $0x100000, s0  }
0x97: {  	[sflag:s0] =	ssyncadd.tile.s32 @!p0 $0x1;
	_ =	shalt  }
.Lfunc_end2:
_tile_overlayer_lowered:
.L_overlay_start_2:
0x98: {  	(tag) =	ssettag $0x2  }
0x99: {  	s0 =	rddreg [dreg:$0x0];
	s2 =	stileid.u32  }
0x9a: {  	s1 =	rddreg [dreg:$0x1];
	p0 =	sne.s32 s2, $0x0  }
0x9b: {  	s3 =	rddreg [dreg:$0x2];
	[bflag:$0x3] =	sbarrier.arrive $0xFFFF;
	s2 =	simm.s32 @!p0 $0x1C09  }
0x9c: {  	[timem:s3], [sflag:s2] =	dma.local @!p0 [hbm:s0], s1  }
0x9d: {  	s0 =	simm.s32 @!p0 $0x9  }
0x9e: {  	_ =	swait.ge @!p0 [sflag:s0], s1  }
0x9f: {  	s1 =	ssub.s32 @!p0 $0x0, s1;
	[sflag:s0] =	ssyncset.done @!p0 $0x0  }
0xa0: {  	[sflag:s0] =	ssyncadd.s32 @!p0 s1  }
0xa1: {  	[bflag:$0x3] =	sbarrier.arrive $0xFFFF  }
0xa2: {  	_ =	shalt  }

// kernel: kernel.24.cloned.1.call-start
scs
__scs_entry_jumppad:
0x0: {  	(pc) =	sbr.rel $0x88, $3  }
0x1: {  	(tag) =	ssettag $0x0;
	lr =	simm.s32 $0x1  }
0x2: {  	[smem:$0x3F91] =	sst lr;
	_ =	strace $0xD0000000  }
0x3: {  	_ = 	snop  }
0x4: {  	_ = 	snop  }
0x5: {  	_ = 	snop  }
0x6: {  	_ = 	snop  }
0x7: {  	_ = 	snop  }
__scs_overlays_trampoline_lowered:
0x8: {  	[smem:$0x3FA0] =	sst s0  }
0x9: {  	[smem:$0x3FA1] =	sst s1  }
0xa: {  	[smem:$0x3FA2] =	sst s2  }
0xb: {  	[smem:$0x3FA3] =	sst s3  }
0xc: {  	[smem:$0x3FA4] =	sst s4  }
0xd: {  	[smem:$0x3FA5] =	sst s5  }
0xe: {  	[smem:$0x3FA6] =	sst s6  }
0xf: {  	[smem:$0x3FA7] =	sst s7  }
0x10: {  	[smem:$0x3FA8] =	sst s8  }
0x11: {  	[smem:$0x3FA9] =	sst s9;
	s0 =	simm.s32 @!p0 $0x0  }
0x12: {  	s1 =	sld [smem:$0x3F8F];
	s0 =	simm.s32 @p0 $0x1  }
0x13: {  	[smem:$0x3FAA] =	sst s0;
	s0 =	simm.s32 @!p1 $0x0  }
0x14: {  	s2 =	sld [smem:$0x3F8E];
	s0 =	simm.s32 @p1 $0x1  }
0x15: {  	[smem:$0x3FAB] =	sst s0;
	s0 =	simm.s32 @!p2 $0x0  }
0x16: {  	s3 =	sld [smem:$0x3FDB];
	s0 =	simm.s32 @p2 $0x1  }
0x17: {  	s4 =	simm.s32 $0x1BF5;
	[smem:$0x3FAD] =	sst s0  }
0x18: {  	s0 =	sld [smem:$0x3F90];
	_ =	swait.ge [sflag:s4], $0x0  }
0x19: {  	s7 =	sld [smem:$0x3F91]  }
0x1a: {  	s8 =	sadd.s32 $0xFFFFE003, lr  }
0x1b: {  	s9 =	sadd.s32 $0xFFFFFEF7, lr;
	s5 =	simm.s32 $0xFFFFFFFF;
	p2 =	slt.u32 s8, $0xFFFFF086  }
0x1c: {  	p1 =	slt.u32 s9, $0xF7A;
	s5 =	simm.s32 @!p2 $0x0  }
0x1d: {  	s5 =	simm.s32 @p1 $0x1;
	p0 =	seq.s32 s7, s2  }
0x1e: {  	s7 =	smul.u32 @!p0 $0xF7A, s2;
	p2 =	seq.s32 @!p0 s5, $0x0  }
0x1f: {  	s9 =	smul.u32 $0xF7A, s1;
	s8 =	simm.s32 @!p0 $0x1BF5;
	p2 =	por !p2, p0  }
0x20: {  	[sflag:s8] =	ssyncset.s32 @!p0 $0xFFFFF086;
	s6 =	sadd.s32 @!p0 s3, s7;
	s7 =	simm.s32 @!p0 $0x108  }
0x21: {  	s3 =	sadd.s32 s3, s9;
	s6 =	sadd.s32 @!p0 $0x88, s6;
	s7 =	simm.s32 @p2 $0x1082  }
0x22: {  	[simem:s7], [sflag:s8] =	dma.local @!p0 [hbm:s6], $0xF7A  }
0x23: {  	s9 =	sor.u32 $0xD0000000, s2;
	s6 =	simm.s32 $0x108;
	_ =	swait.ge @!p0 [sflag:s8], $0x0  }
0x24: {  	s3 =	sadd.s32 $0x88, s3;
	s6 =	simm.s32 @!p1 $0x1082;
	[sflag:s4] =	ssyncset.s32 $0xFFFFF086  }
0x25: {  	[simem:s6], [sflag:s4] =	dma.local [hbm:s3], $0xF7A  }
0x26: {  	[smem:$0x3F91] =	sst s1;
	(tag) =	ssettag s2;
	_ =	strace s9  }
0x27: {  	s1 =	sld [smem:$0x3FA1]  }
0x28: {  	s2 =	sld [smem:$0x3FA2]  }
0x29: {  	s4 =	sld [smem:$0x3FA4]  }
0x2a: {  	p0 =	seq.s32 s5, $0x0;
	s5 =	sld [smem:$0x3FA5]  }
0x2b: {  	s6 =	sld [smem:$0x3FA6]  }
0x2c: {  	s7 =	sld [smem:$0x3FA7]  }
0x2d: {  	s3 =	simm.s32 $0x108;
	s8 =	sld [smem:$0x3FA8]  }
0x2e: {  	s3 =	simm.s32 @!p0 $0x1082;
	s9 =	sld [smem:$0x3FA9]  }
0x2f: {  	lr =	sadd.s32 s0, s3;
	s0 =	sld [smem:$0x3FA0]  }
0x30: {  	s3 =	sld [smem:$0x3FA3]  }
0x31: {  	[smem:$0x3FAC] =	sst s10  }
0x32: {  	s10 =	sld [smem:$0x3FAA];
	_ =	sdelay $0x3  }
0x33: {  	p0 =	seq.s32 s10, $0x1;
	s10 =	sld [smem:$0x3FAC];
	_ =	sdelay $0x3  }
0x34: {  	[smem:$0x3FAC] =	sst s10  }
0x35: {  	s10 =	sld [smem:$0x3FAB];
	_ =	sdelay $0x3  }
0x36: {  	p1 =	seq.s32 s10, $0x1;
	s10 =	sld [smem:$0x3FAC];
	_ =	sdelay $0x3  }
0x37: {  	[smem:$0x3FAC] =	sst s10  }
0x38: {  	s10 =	sld [smem:$0x3FAD]  }
0x39: {  	_ = 	snop;
	(pc) =	sbr.ind lr, $3  }
0x3a: {  	_ = 	snop  }
0x3b: {  	_ = 	snop  }
0x3c: {  	p2 =	seq.s32 s10, $0x1;
	s10 =	sld [smem:$0x3FAC]  }
0x3d: {  	_ =	shalt  }
0x3e: {  	_ =	shalt  }
0x3f: {  	_ =	shalt  }
0x40: {  	_ =	shalt  }
0x41: {  	_ =	shalt  }
0x42: {  	_ =	shalt  }
0x43: {  	_ =	shalt  }
0x44: {  	_ =	shalt  }
0x45: {  	_ =	shalt  }
0x46: {  	_ =	shalt  }
0x47: {  	_ =	shalt  }
0x48: {  	_ =	shalt  }
0x49: {  	_ =	shalt  }
0x4a: {  	_ =	shalt  }
0x4b: {  	_ =	shalt  }
0x4c: {  	_ =	shalt  }
0x4d: {  	_ =	shalt  }
0x4e: {  	_ =	shalt  }
0x4f: {  	_ =	shalt  }
0x50: {  	_ =	shalt  }
0x51: {  	_ =	shalt  }
0x52: {  	_ =	shalt  }
0x53: {  	_ =	shalt  }
0x54: {  	_ =	shalt  }
0x55: {  	_ =	shalt  }
0x56: {  	_ =	shalt  }
0x57: {  	_ =	shalt  }
0x58: {  	_ =	shalt  }
0x59: {  	_ =	shalt  }
0x5a: {  	_ =	shalt  }
0x5b: {  	_ =	shalt  }
0x5c: {  	_ =	shalt  }
0x5d: {  	_ =	shalt  }
0x5e: {  	_ =	shalt  }
0x5f: {  	_ =	shalt  }
0x60: {  	_ =	shalt  }
0x61: {  	_ =	shalt  }
0x62: {  	_ =	shalt  }
0x63: {  	_ =	shalt  }
0x64: {  	_ =	shalt  }
0x65: {  	_ =	shalt  }
0x66: {  	_ =	shalt  }
0x67: {  	_ =	shalt  }
0x68: {  	_ =	shalt  }
0x69: {  	_ =	shalt  }
0x6a: {  	_ =	shalt  }
0x6b: {  	_ =	shalt  }
0x6c: {  	_ =	shalt  }
0x6d: {  	_ =	shalt  }
0x6e: {  	_ =	shalt  }
0x6f: {  	_ =	shalt  }
0x70: {  	_ =	shalt  }
0x71: {  	_ =	shalt  }
0x72: {  	_ =	shalt  }
0x73: {  	_ =	shalt  }
0x74: {  	_ =	shalt  }
0x75: {  	_ =	shalt  }
0x76: {  	_ =	shalt  }
0x77: {  	_ =	shalt  }
0x78: {  	_ =	shalt  }
0x79: {  	_ =	shalt  }
0x7a: {  	_ =	shalt  }
0x7b: {  	_ =	shalt  }
0x7c: {  	_ =	shalt  }
0x7d: {  	_ =	shalt  }
0x7e: {  	_ =	shalt  }
0x7f: {  	_ =	shalt  }
0x80: {  	_ =	shalt  }
0x81: {  	_ =	shalt  }
0x82: {  	_ =	shalt  }
0x83: {  	_ =	shalt  }
0x84: {  	_ =	shalt  }
0x85: {  	_ =	shalt  }
0x86: {  	_ =	shalt  }
0x87: {  	_ =	shalt  }
.Lfunc_end0:
.L_simem_size_0:
called_computation.3_lowered:
.L_overlay_start_0:
0x88: {  	s2 =	sld [smem:$0x3FD9]  }
0x89: {  	s3 =	sld [smem:$0x3FFE];
	_ =	sdelay $0x1  }
0x8a: {  	s1 =	srdreg.scid  }
0x8b: {  	s0 =	sand.u32 $0x1, s1  }
0x8c: {  	s16 =	sshll.u32 s0, $0xA;
	s2 =	sadd.s32 s3, s2  }
0x8d: {  	s2 =	sadd.s32 s2, s16  }
0x8e: {  	[smem:$0x3FB8] =	sst s2  }
0x8f: {  	_ = 	snop  }
0x90: {  	(tm) =	ssettm $0x1  }
0x91: {  	s17 =	sld [smem:$0x3FFB];
	_ =	sdelay $0x3  }
0x92: {  	_ =	strace s17  }
0x93: {  	s2 =	sld [smem:$0x3FFC];
	_ =	sdelay $0x3  }
0x94: {  	_ =	strace s2  }
0x95: {  	s2 =	sld [smem:$0x3FFD];
	_ =	sdelay $0x3  }
0x96: {  	_ =	strace s2  }
0x97: {  	_ =	strace $0x8FFFFFFF  }
0x98: {  	s18 =	sld [smem:$0x3FDB];
	_ =	sdelay $0x1  }
0x99: {  	s19 =	simm.s32 $_scs_section_size  }
0x9a: {  	s4 =	simm.s32 $_size__tile_overlayer_lowered;
	s5 =	simm.s32 $_tile_overlayer_lowered  }
0x9b: {  	s22 =	simm.s32 $0x1BFF;
	s21 =	sshll.u32 s5, $0x1;
	s2 =	sadd.s32 s19, s18  }
0x9c: {  	s6 =	simm.s32 $0x0;
	s20 =	sshll.u32 s4, $0x1;
	s4 =	sadd.s32 s21, s2  }
0x9d: {  	[timem:s6], [sflag:s22] =	dma.local [hbm:s4], s20  }
0x9e: {  	_ =	swait.ge [sflag:s22], s20  }
0x9f: {  	s3 =	ssub.s32 $0x0, s20;
	[sflag:s22] =	ssyncset.done $0x0  }
0xa0: {  	[sflag:s22] =	ssyncadd.s32 s3;
	_ =	sdelay $0x1  }
0xa1: {  	s23 =	simm.s32 $0x1B8B  }
0xa2: {  	_ =	swait.ge [sflag:s23], $0x1  }
0xa3: {  	[sflag:s23] =	ssyncset.done $0x0  }
0xa4: {  	s25 =	simm.s32 $0x1B8E;
	s24 =	sld [smem:$0x3FFE];
	[sflag:s23] =	ssyncadd.s32 $0xFFFFFFFF  }
0xa5: {  	s26 =	simm.s32 $execute0_lowered;
	[smem:$0x3FD2] =	sst s25  }
0xa6: {  	s4 =	sshll.u32 s26, $0x1;
	_ =	strace $0x8000004F;
	[dreg:$0x1] =	wrdreg $0xFFFFFFFF  }
0xa7: {  	s28 =	simm.s32 $_size_execute0_lowered;
	s2 =	sadd.s32 s2, s4;
	[dreg:$0x0] =	wrdreg $0x0  }
0xa8: {  	s4 =	sshll.u32 s28, $0x1;
	[dreg:$0x2] =	wrdreg s2  }
0xa9: {  	[dreg:$0x3] =	wrdreg s4  }
0xaa: {  	[dreg:$0x4] =	wrdreg $0xC0  }
0xab: {  	_ =	task [dreg:s6], $0x5FFFF  }
0xac: {  	[dreg:$0x1] =	wrdreg $0xFFFFFFFF  }
0xad: {  	[dreg:$0x0] =	wrdreg $0x60  }
0xae: {  	[dreg:$0x2] =	wrdreg s24  }
0xaf: {  	[dreg:$0x3] =	wrdreg $0x140000  }
0xb0: {  	[dreg:$0x4] =	wrdreg $0x9  }
0xb1: {  	_ =	task.clear_ibuf [dreg:s6], $0x5FFFF;
	_ =	strace $0x9000004F  }
0xb2: {  	s29 =	simm.s32 $0x9;
	_ =	strace $0x80000051  }
0xb3: {  	_ =	swait.ge [sflag:s29], $0x1  }
0xb4: {  	[sflag:s29] =	ssyncadd.s32 $0xFFFFFFFF  }
0xb5: {  	_ =	strace $0x90000051  }
0xb6: {  	_ =	sfence  }
0xb7: {  	s30 =	sld [smem:$0x0];
	_ =	sdelay $0x2  }
0xb8: {  	s31 =	sshll.u32 s1, $0xD;
	s1 =	sshrl.u32 s1, $0x2  }
0xb9: {  	s3 =	sand.u32 $0x4000, s31;
	s1 =	sadd.s32 s1, s30  }
0xba: {  	s0 =	sor.u32 s3, s0;
	s1 =	sshll.u32 s1, $0x11  }
0xbb: {  	s0 =	sor.u32 s1, s0  }
0xbc: {  	s0 =	sadd.s32 $0x8F2B, s0  }
0xbd: {  	[sflag:s0] =	ssyncadd.remote.s32 $0x1  }
0xbe: {  	_ =	sfence.sel $0xFFFF  }
0xbf: {  	[dreg:$0x0] =	wrdreg $0xFFFFFFFF;
	(pc) =	sbr.abs _section_cstart, $3  }
0xc0: {  	[dreg:$0x1] =	wrdreg $0xFFFFFFFF  }
0xc1: {  	_ =	task.clear_ibuf [dreg:s6], $0x2FFFF;
	_ =	strace $0x9FFFFFFF  }
0xc2: {  	(tm) =	ssettm $0x7FFFFFFF  }
0xc3: {  	_ =	shalt  }
tec
execute0_lowered:
.L_overlay_start_1:
0x0: {  	(tag) =	ssettag $0x1  }
0x1: {  	s0 =	rddreg [dreg:$0x0];
	s1 =	srdreg.scid  }
0x2: {  	s2 =	rddreg [dreg:$0x1];
	s9 =	stileid.u32  }
0x3: {  	s3 =	simm.s32 $0x0;
	s14 =	simm.s32 $0x9;
	s15 =	simm.s32 $0x5000  }
0x4: {  	s16 =	simm.s32 $0x80;
	s17 =	simm.s32 $0xA000;
	s18 =	simm.s32 $0xC000  }
0x5: {  	s19 =	simm.s32 $0x12000;
	s20 =	simm.s32 $0x1;
	s22 =	simm.s32 $0xE000  }
0x6: {  	s23 =	simm.s32 $0x2;
	s24 =	simm.s32 $0x5;
	s7 =	smul.u32 $0xA000, s9  }
0x7: {  	s28 =	simm.s32 $0x10000;
	s29 =	simm.s32 $0x3;
	s25 =	smul.u32 $0xA00, s9  }
0x8: {  	s30 =	simm.s32 $0x6;
	s1 =	sand.u32 $0x1, s1;
	s9 =	smul.u32 $0x28000, s9  }
0x9: {  	s21 =	simm.s32 $0x7;
	s31 =	simm.s32 $0x8;
	s4 =	smul.u32 $0x13880, s1  }
0xa: {  	[smem:$0x7FF] =	sst s3;
	s5 =	smul.u32 $0xA0000, s1;
	s1 =	ssub.s32 $0x2, s1  }
0xb: {  	_ =	strace $0x80000050;
	s8 =	sshrl.u32 s1, $0x1;
	s10 =	sadd.s32 s25, s0  }
0xc: {  	s26 =	sshrl.u32 s9, $0x2;
	s6 =	sadd.s32 s4, s0;
	s5 =	sadd.s32 s7, s5  }
0xd: {  	s1 =	ssub.s32 s1, s8;
	s4 =	sadd.s32 $0x3600, s10;
	s7 =	sadd.s32 s7, s2  }
.Ltmp0:
0xe: {  	s11 =	sadd.s32 s26, s2;
	s5 =	sshrl.u32 s5, $0x3;
	(pc) =	sbr.rel .LBB2_1-.Ltmp0, $4  }
0xf: {  	[dreg:$0x3] =	wrdreg s4;
	s6 =	sadd.s32 $0x67600, s6;
	s8 =	sadd.s32 $0x2000, s11  }
0x10: {  	s9 =	sadd.s32 $0x4000, s11;
	s13 =	smax.u32 s1, $0x1;
	s1 =	simm.s32 $0x4  }
0x11: {  	s0 =	sadd.s32 s5, s0;
	s5 =	sadd.s32 $0xD600, s10;
	s10 =	sadd.s32 $0x6000, s11  }
0x12: {  	v0 =	vimm.f32 $0.0e+00;
	s11 =	sadd.s32 $0x8000, s11;
	s12 =	sadd.s32 $0x8E800, s0;
	s0 =	simm.s32 $0x0  }
.LBB2_6:
0x13: {  	_ =	swait.ge [sflag:s1], $0x2000  }
0x14: {  	[sflag:s1] =	ssyncset.done $0x0  }
0x15: {  	[sflag:s1] =	ssyncadd.s32 $0xFFFFE000  }
0x16: {  	_ =	swait.ge [sflag:s21], $0x2000  }
0x17: {  	[sflag:s21] =	ssyncset.done $0x0  }
0x18: {  	s4 =	sadd.s32 $0x5380, s26;
	[sflag:s21] =	ssyncadd.s32 $0xFFFFE000  }
0x19: {  	[spmem:s2] =	stream.indirect.scatter.add.f32 [tilespmem:s28], [sflag:$0x8], $0x40, s4, s16, $0xb8;
	[tilespmem:$0x1E000] =	vst v63  }
0x1a: {  	s26 =	stileid.u32;
	_ =	swait.ge [sflag:s31], $0x2000  }
0x1b: {  	s25 =	sshrl.u32 s7, $0x3;
	s0 =	sadd.s32 $0x1, s0;
	[sflag:s31] =	ssyncset.done $0x0  }
0x1c: {  	p0 =	sne.s32 s0, s13;
	s4 =	sshll.u32 s26, $0x6;
	[sflag:s31] =	ssyncadd.s32 $0xFFFFE000  }
.Ltmp1:
0x1d: {  	s4 =	sor.u32 $0x1C09, s4;
	[bflag:$0x0] =	sbarrier.arrive $0xFFFF;
	(pc) =	sbr.rel @!p0 .LBB2_7-.Ltmp1, $4  }
0x1e: {  	[hbm:s12], [sflag:s4] =	dma.local [spmem:s25], $0x1400  }
0x1f: {  	_ =	swait.ge [sflag:s14], $0x1400  }
0x20: {  	[sflag:s14] =	ssyncset.done $0x0  }
0x21: {  	[sflag:s14] =	ssyncadd.s32 $0xFFFFEC00  }
.LBB2_1:
0x22: {  	s4 =	rddreg [dreg:$0x3]  }
0x23: {  	[tilespmem:s3], [sflag:$0x9] =	stream.linear.gather [hbm4b:s4+s3], $0x5000, $0x38;
	[tilespmem:$0x1E000] =	vst v63  }
0x24: {  	_ =	swait.ge [sflag:s14], $0x5000  }
0x25: {  	[sflag:s14] =	ssyncset.done $0x0  }
0x26: {  	[sflag:s14] =	ssyncadd.s32 $0xFFFFB000  }
0x27: {  	[tilespmem:s15], [sflag:$0x9] =	stream.linear.gather [hbm4b:s5+s3], $0x5000, $0x38;
	[tilespmem:$0x1E000] =	vst v63  }
0x28: {  	_ =	swait.ge [sflag:s14], $0x5000  }
0x29: {  	[sflag:s14] =	ssyncset.done $0x0  }
0x2a: {  	[sflag:s14] =	ssyncadd.s32 $0xFFFFB000  }
0x2b: {  	[tilespmem:s17], [sflag:$0x1] =	stream.indirect.gather [hbm4b:s6+s16], $0x40, s3, s16, $0xb8;
	[tilespmem:$0x1E000] =	vst v63  }
0x2c: {  	s26 =	simm.s32 $0x100;
	s25 =	simm.s32 $0x0  }
0x2d: {  	[tilespmem:s18], [sflag:$0x2] =	stream.indirect.gather [hbm4b:s6+s16], $0x40, s16, s16, $0xb8;
	[tilespmem:$0x1E000] =	vst v63  }
.LBB2_2:
0x2e: {  	p0 =	sne.s32 s26, $0x7F00;
	[tilespmem:s25+$0x12030] =	vst v0;
	s4 =	smov.u32 s26;
	s26 =	sadd.s32 $0x100, s26  }
.Ltmp2:
0x2f: {  	[tilespmem:s25+$0x12020] =	vst v0;
	(pc) =	sbr.rel @p0 .LBB2_2-.Ltmp2, $3  }
0x30: {  	[tilespmem:s25+$0x12000] =	vst v0  }
0x31: {  	[tilespmem:s25+$0x12010] =	vst v0;
	_ =	sdelay $0x1  }
0x32: {  	s25 =	sshra.s32 s4, $0x2  }
0x33: {  	[tilespmem:s25+$0x12030] =	vst v0  }
0x34: {  	[tilespmem:s25+$0x12020] =	vst v0  }
0x35: {  	[tilespmem:s25+$0x12000] =	vst v0  }
0x36: {  	[tilespmem:s25+$0x12010] =	vst v0  }
0x37: {  	[spmem:s7] =	stream.linear.scatter [tilespmem:s19], [sflag:$0x9], $0x2000, $0x38;
	[tilespmem:$0x1E000] =	vst v63  }
0x38: {  	_ =	swait.ge [sflag:s14], $0x2000  }
0x39: {  	[sflag:s14] =	ssyncset.done $0x0  }
0x3a: {  	[sflag:s14] =	ssyncadd.s32 $0xFFFFE000  }
0x3b: {  	[spmem:s8] =	stream.linear.scatter [tilespmem:s19], [sflag:$0x9], $0x2000, $0x38;
	[tilespmem:$0x1E000] =	vst v63  }
0x3c: {  	_ =	swait.ge [sflag:s14], $0x2000  }
0x3d: {  	[sflag:s14] =	ssyncset.done $0x0  }
0x3e: {  	[sflag:s14] =	ssyncadd.s32 $0xFFFFE000  }
0x3f: {  	[spmem:s9] =	stream.linear.scatter [tilespmem:s19], [sflag:$0x9], $0x2000, $0x38;
	[tilespmem:$0x1E000] =	vst v63  }
0x40: {  	_ =	swait.ge [sflag:s14], $0x2000  }
0x41: {  	[sflag:s14] =	ssyncset.done $0x0  }
0x42: {  	[sflag:s14] =	ssyncadd.s32 $0xFFFFE000  }
0x43: {  	[spmem:s10] =	stream.linear.scatter [tilespmem:s19], [sflag:$0x9], $0x2000, $0x38;
	[tilespmem:$0x1E000] =	vst v63  }
0x44: {  	_ =	swait.ge [sflag:s14], $0x2000  }
0x45: {  	[sflag:s14] =	ssyncset.done $0x0  }
0x46: {  	[sflag:s14] =	ssyncadd.s32 $0xFFFFE000  }
0x47: {  	[spmem:s11] =	stream.linear.scatter [tilespmem:s19], [sflag:$0x9], $0x2000, $0x38;
	[tilespmem:$0x1E000] =	vst v63  }
0x48: {  	_ =	swait.ge [sflag:s14], $0x2000  }
0x49: {  	[sflag:s14] =	ssyncset.done $0x0  }
0x4a: {  	[sflag:s14] =	ssyncadd.s32 $0xFFFFE000  }
0x4b: {  	[bflag:$0x0] =	sbarrier.arrive $0xFFFF  }
0x4c: {  	_ =	swait.ge [sflag:s20], $0x2000  }
0x4d: {  	[sflag:s20] =	ssyncset.done $0x0  }
0x4e: {  	[sflag:s20] =	ssyncadd.s32 $0xFFFFE000  }
0x4f: {  	[spmem:s2] =	stream.indirect.scatter.add.f32 [tilespmem:s17], [sflag:$0x5], $0x40, s15, s16, $0xb8;
	[tilespmem:$0x1E000] =	vst v63  }
0x50: {  	s4 =	simm.s32 $0x100  }
0x51: {  	[tilespmem:s22], [sflag:$0x3] =	stream.indirect.gather [hbm4b:s6+s16], $0x40, s4, s16, $0xb8;
	[tilespmem:$0x1E000] =	vst v63  }
0x52: {  	_ =	swait.ge [sflag:s23], $0x2000  }
0x53: {  	[sflag:s23] =	ssyncset.done $0x0  }
0x54: {  	[sflag:s23] =	ssyncadd.s32 $0xFFFFE000  }
0x55: {  	_ =	swait.ge [sflag:s24], $0x2000  }
0x56: {  	[sflag:s24] =	ssyncset.done $0x0  }
0x57: {  	s25 =	simm.s32 $0x5080;
	[sflag:s24] =	ssyncadd.s32 $0xFFFFE000  }
0x58: {  	[spmem:s2] =	stream.indirect.scatter.add.f32 [tilespmem:s18], [sflag:$0x6], $0x40, s25, s16, $0xb8;
	[tilespmem:$0x1E000] =	vst v63  }
0x59: {  	s26 =	simm.s32 $0x180  }
0x5a: {  	[tilespmem:s28], [sflag:$0x4] =	stream.indirect.gather [hbm4b:s6+s16], $0x40, s26, s16, $0xb8;
	[tilespmem:$0x1E000] =	vst v63  }
0x5b: {  	_ =	swait.ge [sflag:s29], $0x2000  }
0x5c: {  	[sflag:s29] =	ssyncset.done $0x0  }
0x5d: {  	[sflag:s29] =	ssyncadd.s32 $0xFFFFE000  }
0x5e: {  	_ =	swait.ge [sflag:s30], $0x2000  }
0x5f: {  	[sflag:s30] =	ssyncset.done $0x0  }
0x60: {  	s25 =	simm.s32 $0x5100;
	[sflag:s30] =	ssyncadd.s32 $0xFFFFE000  }
0x61: {  	[spmem:s2] =	stream.indirect.scatter.add.f32 [tilespmem:s22], [sflag:$0x7], $0x40, s25, s16, $0xb8;
	[tilespmem:$0x1E000] =	vst v63  }
0x62: {  	s26 =	simm.s32 $0x200  }
0x63: {  	[tilespmem:s17], [sflag:$0x1] =	stream.indirect.gather [hbm4b:s6+s16], $0x40, s26, s16, $0xb8;
	[tilespmem:$0x1E000] =	vst v63  }
0x64: {  	_ =	swait.ge [sflag:s1], $0x2000  }
0x65: {  	[sflag:s1] =	ssyncset.done $0x0  }
0x66: {  	[sflag:s1] =	ssyncadd.s32 $0xFFFFE000  }
0x67: {  	_ =	swait.ge [sflag:s21], $0x2000  }
0x68: {  	[sflag:s21] =	ssyncset.done $0x0  }
0x69: {  	s25 =	simm.s32 $0x5180;
	[sflag:s21] =	ssyncadd.s32 $0xFFFFE000  }
0x6a: {  	[spmem:s2] =	stream.indirect.scatter.add.f32 [tilespmem:s28], [sflag:$0x8], $0x40, s25, s16, $0xb8;
	[tilespmem:$0x1E000] =	vst v63  }
0x6b: {  	s26 =	simm.s32 $0x280;
	s25 =	simm.s32 $0x0  }
0x6c: {  	[tilespmem:s18], [sflag:$0x2] =	stream.indirect.gather [hbm4b:s6+s16], $0x40, s26, s16, $0xb8;
	[tilespmem:$0x1E000] =	vst v63  }
.LBB2_4:
0x6d: {  	_ =	swait.ge [sflag:s20], $0x2000  }
0x6e: {  	[sflag:s20] =	ssyncset.done $0x0  }
0x6f: {  	[sflag:s20] =	ssyncadd.s32 $0xFFFFE000  }
0x70: {  	_ =	swait.ge [sflag:s31], $0x2000  }
0x71: {  	s26 =	sshra.s32 s25, $0x2;
	[sflag:s31] =	ssyncset.done $0x0  }
0x72: {  	s4 =	sadd.s32 $0x5200, s26;
	[sflag:s31] =	ssyncadd.s32 $0xFFFFE000  }
0x73: {  	[spmem:s2] =	stream.indirect.scatter.add.f32 [tilespmem:s17], [sflag:$0x5], $0x40, s4, s16, $0xb8;
	[tilespmem:$0x1E000] =	vst v63  }
0x74: {  	s4 =	sadd.s32 $0x300, s26  }
0x75: {  	[tilespmem:s22], [sflag:$0x3] =	stream.indirect.gather [hbm4b:s6+s16], $0x40, s4, s16, $0xb8;
	[tilespmem:$0x1E000] =	vst v63  }
0x76: {  	_ =	swait.ge [sflag:s23], $0x2000  }
0x77: {  	[sflag:s23] =	ssyncset.done $0x0  }
0x78: {  	[sflag:s23] =	ssyncadd.s32 $0xFFFFE000  }
0x79: {  	_ =	swait.ge [sflag:s24], $0x2000  }
0x7a: {  	[sflag:s24] =	ssyncset.done $0x0  }
0x7b: {  	s4 =	sadd.s32 $0x5280, s26;
	[sflag:s24] =	ssyncadd.s32 $0xFFFFE000  }
0x7c: {  	[spmem:s2] =	stream.indirect.scatter.add.f32 [tilespmem:s18], [sflag:$0x6], $0x40, s4, s16, $0xb8;
	[tilespmem:$0x1E000] =	vst v63  }
0x7d: {  	s4 =	sadd.s32 $0x380, s26  }
0x7e: {  	[tilespmem:s28], [sflag:$0x4] =	stream.indirect.gather [hbm4b:s6+s16], $0x40, s4, s16, $0xb8;
	[tilespmem:$0x1E000] =	vst v63  }
0x7f: {  	_ =	swait.ge [sflag:s29], $0x2000  }
0x80: {  	p0 =	seq.s32 s25, $0x13000;
	[sflag:s29] =	ssyncset.done $0x0  }
.Ltmp3:
0x81: {  	[sflag:s29] =	ssyncadd.s32 $0xFFFFE000;
	(pc) =	sbr.rel @p0 .LBB2_6-.Ltmp3, $4  }
0x82: {  	_ =	swait.ge [sflag:s30], $0x2000  }
0x83: {  	[sflag:s30] =	ssyncset.done $0x0  }
0x84: {  	s4 =	sadd.s32 $0x5300, s26;
	[sflag:s30] =	ssyncadd.s32 $0xFFFFE000  }
0x85: {  	[spmem:s2] =	stream.indirect.scatter.add.f32 [tilespmem:s22], [sflag:$0x7], $0x40, s4, s16, $0xb8;
	[tilespmem:$0x1E000] =	vst v63  }
0x86: {  	s4 =	sadd.s32 $0x400, s26  }
0x87: {  	[tilespmem:s17], [sflag:$0x1] =	stream.indirect.gather [hbm4b:s6+s16], $0x40, s4, s16, $0xb8;
	[tilespmem:$0x1E000] =	vst v63  }
0x88: {  	_ =	swait.ge [sflag:s1], $0x2000  }
0x89: {  	[sflag:s1] =	ssyncset.done $0x0  }
0x8a: {  	[sflag:s1] =	ssyncadd.s32 $0xFFFFE000  }
0x8b: {  	_ =	swait.ge [sflag:s21], $0x2000  }
.Ltmp4:
0x8c: {  	[sflag:s21] =	ssyncset.done $0x0;
	(pc) =	sbr.rel .LBB2_4-.Ltmp4, $4  }
0x8d: {  	s4 =	sadd.s32 $0x5380, s26;
	[sflag:s21] =	ssyncadd.s32 $0xFFFFE000  }
0x8e: {  	[spmem:s2] =	stream.indirect.scatter.add.f32 [tilespmem:s28], [sflag:$0x8], $0x40, s4, s16, $0xb8;
	[tilespmem:$0x1E000] =	vst v63  }
0x8f: {  	s25 =	sadd.s32 $0x800, s25;
	s26 =	sadd.s32 $0x480, s26  }
0x90: {  	[tilespmem:s18], [sflag:$0x2] =	stream.indirect.gather [hbm4b:s6+s16], $0x40, s26, s16, $0xb8;
	[tilespmem:$0x1E000] =	vst v63  }
.LBB2_7:
0x91: {  	_ =	sfence.sel $0x180000  }
0x92: {  	[bflag:$0x0] =	sbarrier.arrive $0xFFFF  }
0x93: {  	_ =	strace $0x90000050  }
0x94: {  	s0 =	stileid.u32;
	[bflag:$0x2] =	sbarrier.arrive $0xFFFF  }
0x95: {  	p0 =	sne.s32 s0, $0x0;
	s0 =	rddreg [dreg:$0x2]  }
0x96: {  	s0 =	sadd.s32 @!p0 $0x100000, s0  }
0x97: {  	[sflag:s0] =	ssyncadd.tile.s32 @!p0 $0x1;
	_ =	shalt  }
.Lfunc_end2:
_tile_overlayer_lowered:
.L_overlay_start_2:
0x98: {  	(tag) =	ssettag $0x2  }
0x99: {  	s0 =	rddreg [dreg:$0x0];
	s2 =	stileid.u32  }
0x9a: {  	s1 =	rddreg [dreg:$0x1];
	p0 =	sne.s32 s2, $0x0  }
0x9b: {  	s3 =	rddreg [dreg:$0x2];
	[bflag:$0x3] =	sbarrier.arrive $0xFFFF;
	s2 =	simm.s32 @!p0 $0x1C09  }
0x9c: {  	[timem:s3], [sflag:s2] =	dma.local @!p0 [hbm:s0], s1  }
0x9d: {  	s0 =	simm.s32 @!p0 $0x9  }
0x9e: {  	_ =	swait.ge @!p0 [sflag:s0], s1  }
0x9f: {  	s1 =	ssub.s32 @!p0 $0x0, s1;
	[sflag:s0] =	ssyncset.done @!p0 $0x0  }
0xa0: {  	[sflag:s0] =	ssyncadd.s32 @!p0 s1  }
0xa1: {  	[bflag:$0x3] =	sbarrier.arrive $0xFFFF  }
0xa2: {  	_ =	shalt  }

</sc_bundles>
